<compile_context>
chip_gen: v7x
topology: tpu7x:2x2x1
jax: 0.10.2.dev20260603
libtpu: 0.0.44.dev20260713+nightly
codegen_flags: <defaults>
</compile_context>

<pallas_src>
import functools
import math

import jax
import jax.numpy as jnp
from jax import lax
from jax.experimental import pallas as pl
from jax.experimental.pallas import tpu as pltpu
from jax.experimental.pallas import tpu_sc as plsc

N = 10000
E = 320000
F = 128
ALPHA = 0.5
LAMBDA = 1.0

NW = 32
NS = 16
CH = 128
K = 80
EW = K * CH
EP = NW * EW
CHA = 64
KA = EW // CHA
NP = NS * 632
RPT = NP // NS

_mesh = plsc.VectorSubcoreMesh(core_axis_name="c", subcore_axis_name="s")
f32 = jnp.float32
i32 = jnp.int32


EPC = EP // NS
KC = EPC // CH


def _deg_body(idx2_hbm, zerosf_hbm, onesf_hbm, out_hbm,
              cidx0, cidx1, ones_v, acc, sem0, sem1):
    c = lax.axis_index("c")
    s = lax.axis_index("s")
    rbase = s * RPT
    pltpu.sync_copy(zerosf_hbm.at[pl.ds(rbase, RPT)], acc.at[pl.ds(rbase, RPT)])
    pltpu.sync_copy(onesf_hbm, ones_v)
    plsc.subcore_barrier()

    ebase = s * EPC
    cidx = (cidx0, cidx1)
    sem = (sem0, sem1)

    for b in range(2):
        pltpu.sync_copy(idx2_hbm.at[c, pl.ds(pl.multiple_of(ebase + b * CH, 8),
                                             CH)], cidx[b])
        pltpu.async_copy(ones_v, acc.at[cidx[b]], sem[b], add=True)

    def body(g, carry):
        for b in range(2):
            j = g * 2 + b
            pltpu.make_async_copy(zerosf_hbm.at[pl.ds(0, CH)], ones_v,
                                  sem[b]).wait()
            bo = pl.multiple_of(ebase + j * CH, 8)
            pltpu.sync_copy(idx2_hbm.at[c, pl.ds(bo, CH)], cidx[b])
            pltpu.async_copy(ones_v, acc.at[cidx[b]], sem[b], add=True)
        return carry

    lax.fori_loop(1, KC // 2, body, 0)
    for b in range(2):
        pltpu.make_async_copy(zerosf_hbm.at[pl.ds(0, CH)], ones_v,
                              sem[b]).wait()
    plsc.subcore_barrier()
    pltpu.sync_copy(acc.at[pl.ds(rbase, RPT)], out_hbm.at[c, pl.ds(rbase, RPT)])


_DEG_OUT = jax.ShapeDtypeStruct((2, NP, F), f32)
_DEG_SCRATCH = [
    pltpu.VMEM((CH,), i32),
    pltpu.VMEM((CH,), i32),
    pltpu.VMEM((CH, F), f32),
    pltpu.VMEM_SHARED((NP, F), f32),
    pltpu.SemaphoreType.DMA,
    pltpu.SemaphoreType.DMA,
]
_deg_kernel = pl.kernel(_deg_body, out_type=_DEG_OUT, mesh=_mesh,
                        scratch_types=_DEG_SCRATCH)


def _agg_body(f_hbm, srcg_hbm, dstp_hbm, zerosf_hbm, out_hbm, sidx_all,
              didx0, didx1, didx2, didx3, buf0, buf1, buf2, buf3, acc,
              sg0, sg1, sg2, sg3, ss0, ss1, ss2, ss3):
    c = lax.axis_index("c")
    s = lax.axis_index("s")
    wid = s * 2 + c
    rbase = s * RPT
    pltpu.sync_copy(zerosf_hbm.at[pl.ds(rbase, RPT)], acc.at[pl.ds(rbase, RPT)])
    ebase = wid * EW
    pltpu.sync_copy(srcg_hbm.at[pl.ds(ebase, EW)], sidx_all)
    plsc.subcore_barrier()

    didx = (didx0, didx1, didx2, didx3)
    buf = (buf0, buf1, buf2, buf3)
    semg = (sg0, sg1, sg2, sg3)
    sems = (ss0, ss1, ss2, ss3)

    for b in range(2):
        pltpu.sync_copy(dstp_hbm.at[pl.ds(pl.multiple_of(ebase + b * CHA, 8),
                                          CHA)], didx[b])
        pltpu.async_copy(f_hbm.at[sidx_all.at[pl.ds(b * CHA, CHA)]],
                         buf[b], semg[b])

    def body(g, carry):
        for b in range(4):
            j = g * 4 + b
            b2 = (b + 2) % 4
            jn = j + 2

            @pl.when(jn < KA)
            def _():
                @pl.when(j >= 2)
                def _():
                    pltpu.make_async_copy(zerosf_hbm.at[pl.ds(0, CHA)],
                                          buf[b2], sems[b2]).wait()
                bn = pl.multiple_of(ebase + jn * CHA, 8)
                pltpu.sync_copy(dstp_hbm.at[pl.ds(bn, CHA)], didx[b2])
                o = pl.multiple_of(jn * CHA, 8)
                pltpu.async_copy(f_hbm.at[sidx_all.at[pl.ds(o, CHA)]],
                                 buf[b2], semg[b2])

            pltpu.make_async_copy(zerosf_hbm.at[pl.ds(0, CHA)], buf[b],
                                  semg[b]).wait()
            pltpu.async_copy(buf[b], acc.at[didx[b]], sems[b], add=True)
        return carry

    lax.fori_loop(0, KA // 4, body, 0)
    for b in range(4):
        pltpu.make_async_copy(zerosf_hbm.at[pl.ds(0, CHA)], buf[b],
                              sems[b]).wait()
    plsc.subcore_barrier()
    pltpu.sync_copy(acc.at[pl.ds(rbase, RPT)], out_hbm.at[c, pl.ds(rbase, RPT)])


_AGG_OUT = jax.ShapeDtypeStruct((2, NP, F), f32)
_AGG_SCRATCH = [
    pltpu.VMEM((EW,), i32),
    pltpu.VMEM((CHA,), i32),
    pltpu.VMEM((CHA,), i32),
    pltpu.VMEM((CHA,), i32),
    pltpu.VMEM((CHA,), i32),
    pltpu.VMEM((CHA, F), f32),
    pltpu.VMEM((CHA, F), f32),
    pltpu.VMEM((CHA, F), f32),
    pltpu.VMEM((CHA, F), f32),
    pltpu.VMEM_SHARED((NP, F), f32),
    pltpu.SemaphoreType.DMA,
    pltpu.SemaphoreType.DMA,
    pltpu.SemaphoreType.DMA,
    pltpu.SemaphoreType.DMA,
    pltpu.SemaphoreType.DMA,
    pltpu.SemaphoreType.DMA,
    pltpu.SemaphoreType.DMA,
    pltpu.SemaphoreType.DMA,
]
_agg_kernel = pl.kernel(_agg_body, out_type=_AGG_OUT, mesh=_mesh,
                        scratch_types=_AGG_SCRATCH)


_R = 1000


def _dot(a, b):
    return jnp.dot(a, b, preferred_element_type=f32,
                   precision=jax.lax.Precision.HIGHEST)


def _prep_body(x_ref, wt_ref, b_ref, deg_ref,
               h_ref, f0_ref, ns_ref, nd_ref):
    ns = lax.rsqrt(deg_ref[0, :, 0:1] + 1.0)
    nd = lax.rsqrt(deg_ref[1, :, 0:1] + 1.0)
    h = jnp.maximum(_dot(x_ref[...], wt_ref[...]) + b_ref[...], 0.0)
    h_ref[...] = h
    f0_ref[...] = h * ns
    ns_ref[...] = ns
    nd_ref[...] = nd


def _rest0_body(p_ref, f_ref, h_ref, nd_ref, ns_ref, w1_ref, b_ref, fn_ref,
                *, beta):
    agg = p_ref[0] + p_ref[1] + f_ref[...]
    f = 0.5 * (agg * nd_ref[...] + h_ref[...])
    rst = (1.0 - beta) * f + beta * _dot(f, w1_ref[...]) + b_ref[...]
    fn_ref[...] = rst * ns_ref[...]


def _rest1_body(p_ref, f_ref, h_ref, nd_ref, w1_ref, b_ref,
                wdt_ref, bd_ref, out_ref, *, beta):
    agg = p_ref[0] + p_ref[1] + f_ref[...]
    f = 0.5 * (agg * nd_ref[...] + h_ref[...])
    rst = (1.0 - beta) * f + beta * _dot(f, w1_ref[...]) + b_ref[...]
    out_ref[...] = jnp.maximum(_dot(rst, wdt_ref[...]) + bd_ref[...], 0.0)


_spec_rows = pl.BlockSpec((_R, F), lambda i: (i, 0))
_spec_full = pl.BlockSpec((F, F), lambda i: (0, 0))
_spec_brow = pl.BlockSpec((1, F), lambda i: (0, 0))
_spec_deg = pl.BlockSpec((2, _R, F), lambda i: (0, i, 0))
_spec_p = pl.BlockSpec((2, _R, F), lambda i: (0, i, 0))
_spec_n1 = pl.BlockSpec((_R, 1), lambda i: (i, 0))

_prep_call = pl.pallas_call(
    _prep_body,
    grid=(N // _R,),
    in_specs=[_spec_rows, _spec_full, _spec_brow, _spec_deg],
    out_specs=[_spec_rows, _spec_rows, _spec_n1, _spec_n1],
    out_shape=[
        jax.ShapeDtypeStruct((N, F), f32),
        jax.ShapeDtypeStruct((N, F), f32),
        jax.ShapeDtypeStruct((N, 1), f32),
        jax.ShapeDtypeStruct((N, 1), f32),
    ],
)


def _make_rest0(beta):
    return pl.pallas_call(
        functools.partial(_rest0_body, beta=beta),
        grid=(N // _R,),
        in_specs=[_spec_p, _spec_rows, _spec_rows, _spec_n1, _spec_n1,
                  _spec_full, _spec_brow],
        out_specs=_spec_rows,
        out_shape=jax.ShapeDtypeStruct((N, F), f32),
    )


def _make_rest1(beta):
    return pl.pallas_call(
        functools.partial(_rest1_body, beta=beta),
        grid=(N // _R,),
        in_specs=[_spec_p, _spec_rows, _spec_rows, _spec_n1,
                  _spec_full, _spec_brow, _spec_full, _spec_brow],
        out_specs=_spec_rows,
        out_shape=jax.ShapeDtypeStruct((N, F), f32),
    )


_BETA0 = math.log(LAMBDA / 1.0 + 1.0)
_BETA1 = math.log(LAMBDA / 2.0 + 1.0)
_rest0_call = _make_rest0(_BETA0)
_rest1_call = _make_rest1(_BETA1)


def kernel(x, edge_index, W_enc, b_enc, w1_l0, b_l0, w1_l1, b_l1, W_dec, b_dec):
    src = edge_index[0]
    dst = edge_index[1]
    pad = EP - E
    pad_iota = jnp.arange(pad, dtype=i32)
    srcg = jnp.concatenate([src, pad_iota % N])
    srcd = jnp.concatenate([src, N + pad_iota % (NP - N)])
    dstp = jnp.concatenate([dst, N + pad_iota % (NP - N)])
    zerosf = jnp.zeros((NP, F), f32)
    onesf = jnp.ones((CH, F), f32)
    idx2 = jnp.stack([srcd, dstp])

    deg = _deg_kernel(idx2, zerosf, onesf)
    h, f0, ns, nd = _prep_call(x, W_enc.T, b_enc.reshape(1, F), deg)
    p0 = _agg_kernel(f0, srcg, dstp, zerosf)
    f1 = _rest0_call(p0, f0, h, nd, ns, w1_l0, b_l0.reshape(1, F))
    p1 = _agg_kernel(f1, srcg, dstp, zerosf)
    out = _rest1_call(p1, f1, h, nd, w1_l1, b_l1.reshape(1, F),
                      W_dec.T, b_dec.reshape(1, F))
    return out

# --- scband reference (transcript-rebuilt; emitter-appended) ---
"""Pipeline reference for scband-gcn2-24773371363588 (READ-ONLY COPY).

The authoritative reference and input builder live on the scoring server;
editing this copy changes nothing except your own understanding.
"""

import jax, jax.numpy as jnp
import numpy as np
import math

N = 10000
E = 320000
IN_FEATS = 128
HID = 128
OUT_FEATS = 128
NUM_LAYERS = 2
ALPHA = 0.5
LAMBDA = 1.0


def setup_inputs(seed: int = 0) -> dict:
    key = jax.random.key(seed)
    ks = jax.random.split(key, 12)
    x = jax.random.normal(ks[0], (N, IN_FEATS), dtype=jnp.float32)
    edge_index = jax.random.randint(ks[1], (2, E), 0, N, dtype=jnp.int32)
    s_enc = 1.0 / math.sqrt(IN_FEATS)
    s_hid = 1.0 / math.sqrt(HID)
    W_enc = jax.random.uniform(ks[2], (HID, IN_FEATS), jnp.float32, -s_enc, s_enc)
    b_enc = jax.random.uniform(ks[3], (HID,), jnp.float32, -s_enc, s_enc)
    w1_l0 = jax.random.uniform(ks[4], (HID, HID), jnp.float32, -s_hid, s_hid)
    b_l0 = jnp.zeros((HID,), jnp.float32)
    w1_l1 = jax.random.uniform(ks[5], (HID, HID), jnp.float32, -s_hid, s_hid)
    b_l1 = jnp.zeros((HID,), jnp.float32)
    W_dec = jax.random.uniform(ks[6], (OUT_FEATS, HID), jnp.float32, -s_hid, s_hid)
    b_dec = jax.random.uniform(ks[7], (OUT_FEATS,), jnp.float32, -s_hid, s_hid)
    return {"x": x, "edge_index": edge_index, "W_enc": W_enc, "b_enc": b_enc,
            "w1_l0": w1_l0, "b_l0": b_l0, "w1_l1": w1_l1, "b_l1": b_l1,
            "W_dec": W_dec, "b_dec": b_dec}


def reference(x, edge_index, W_enc, b_enc, w1_l0, b_l0, w1_l1, b_l1, W_dec, b_dec):
    # dgl.add_self_loop: append (i, i) for every node
    loop = jnp.arange(N, dtype=edge_index.dtype)
    src = jnp.concatenate([edge_index[0], loop])
    dst = jnp.concatenate([edge_index[1], loop])
    deg_out = jnp.clip(jnp.bincount(src, length=N), 1).astype(jnp.float32)
    deg_in = jnp.clip(jnp.bincount(dst, length=N), 1).astype(jnp.float32)
    norm_src = deg_out ** -0.5
    norm_dst = deg_in ** -0.5

    # encoder + relu
    h = jax.nn.relu(x @ W_enc.T + b_enc)
    x0 = h
    res = h
    layer_params = [(w1_l0, b_l0), (w1_l1, b_l1)]
    for i in range(NUM_LAYERS):
        w1, b = layer_params[i]
        beta = math.log(LAMBDA / (i + 1) + 1.0)
        # symmetric-normalized message passing (GCN2Conv)
        f = res * norm_src[:, None]
        agg = jax.ops.segment_sum(f[src], dst, num_segments=N)
        f = agg * norm_dst[:, None]
        # initial residual (project_initial_features=True -> shared weight)
        f = f * (1.0 - ALPHA) + x0 * ALPHA
        rst = (1.0 - beta) * f + beta * (f @ w1) + b
        res = rst
    out = jax.nn.relu(res @ W_dec.T + b_dec)
    return out

if __name__ == "__main__":
    import jax
    _d = setup_inputs()
    print(jax.jit(kernel)(*tuple(_d.values())))

</pallas_src>

<mosaic_0001>
#map = affine_map<(d0, d1) -> (0, 0)>
#map1 = affine_map<(d0, d1) -> (0, 0, 0)>
module attributes {stable_mosaic.version = 14 : i64} {
  func.func @_deg_body(%arg0: i32, %arg1: i32, %arg2: memref<2x327680xi32, #tpu.memory_space<hbm>>, %arg3: memref<10112x128xf32, #tpu.memory_space<hbm>>, %arg4: memref<128x128xf32, #tpu.memory_space<hbm>>, %arg5: memref<2x10112x128xf32, #tpu.memory_space<hbm>>, %arg6: memref<128xi32, #tpu.memory_space<vmem>>, %arg7: memref<128xi32, #tpu.memory_space<vmem>>, %arg8: memref<128x128xf32, #tpu.memory_space<vmem>>, %arg9: memref<10112x128xf32, #tpu.memory_space<vmem_shared>>, %arg10: memref<!tpu.dma_semaphore, #tpu.memory_space<semaphore_mem>>, %arg11: memref<!tpu.dma_semaphore, #tpu.memory_space<semaphore_mem>>) attributes {dimension_semantics = [#tpu.dimension_semantics<core_parallel>, #tpu.dimension_semantics<subcore_parallel>], iteration_bounds = array<i64: 2, 16>, scalar_prefetch = 0 : i64, scratch_operands = 6 : i64, tpu.core_type = #tpu.core_type<sc_vector_subcore>, window_params = [{transform_indices = #map}, {transform_indices = #map}, {transform_indices = #map}, {transform_indices = #map1}]} {
    %mul3A = arith.constant 632 : i32
    %mul3A_0 = arith.muli %arg1, %mul3A : i32
    "tpu.region"() ({
      %run_scoped3A = tpu.sem_alloc : memref<!tpu.dma_semaphore, #tpu.memory_space<semaphore_mem>>
      %dma_start3A_29 = arith.constant 0 : i32
      %dma_start3A_30 = tpu.memref_slice %arg9[%mul3A_0, %dma_start3A_29] : memref<10112x128xf32, #tpu.memory_space<vmem_shared>> -> memref<632x128xf32, #tpu.memory_space<vmem_shared>>
      %dma_start3A_31 = arith.constant 0 : i32
      %dma_start3A_32 = tpu.memref_slice %arg3[%mul3A_0, %dma_start3A_31] : memref<10112x128xf32, #tpu.memory_space<hbm>> -> memref<632x128xf32, #tpu.memory_space<hbm>>
      tpu.enqueue_dma source(%dma_start3A_32 : memref<632x128xf32, #tpu.memory_space<hbm>>) target(%dma_start3A_30 : memref<632x128xf32, #tpu.memory_space<vmem_shared>>) target_semaphore(%run_scoped3A : memref<!tpu.dma_semaphore, #tpu.memory_space<semaphore_mem>>)
      %dma_wait3A_33 = arith.constant 0 : i32
      %dma_wait3A_34 = tpu.memref_slice %arg9[%mul3A_0, %dma_wait3A_33] : memref<10112x128xf32, #tpu.memory_space<vmem_shared>> -> memref<632x128xf32, #tpu.memory_space<vmem_shared>>
      %dma_wait3A_35 = arith.constant 0 : i32
      %dma_wait3A_36 = tpu.memref_slice %arg3[%mul3A_0, %dma_wait3A_35] : memref<10112x128xf32, #tpu.memory_space<hbm>> -> memref<632x128xf32, #tpu.memory_space<hbm>>
      tpu.wait_dma2 semaphore(%run_scoped3A : memref<!tpu.dma_semaphore, #tpu.memory_space<semaphore_mem>>) src(%dma_wait3A_36 : memref<632x128xf32, #tpu.memory_space<hbm>>) dst(%dma_wait3A_34 : memref<632x128xf32, #tpu.memory_space<vmem_shared>>)
      tpu.yield
    }) : () -> ()
    "tpu.region"() ({
      %run_scoped3A = tpu.sem_alloc : memref<!tpu.dma_semaphore, #tpu.memory_space<semaphore_mem>>
      tpu.enqueue_dma source(%arg4 : memref<128x128xf32, #tpu.memory_space<hbm>>) target(%arg8 : memref<128x128xf32, #tpu.memory_space<vmem>>) target_semaphore(%run_scoped3A : memref<!tpu.dma_semaphore, #tpu.memory_space<semaphore_mem>>)
      tpu.wait_dma2 semaphore(%run_scoped3A : memref<!tpu.dma_semaphore, #tpu.memory_space<semaphore_mem>>) src(%arg4 : memref<128x128xf32, #tpu.memory_space<hbm>>) dst(%arg8 : memref<128x128xf32, #tpu.memory_space<vmem>>)
      tpu.yield
    }) : () -> ()
    %barrier3A = arith.constant 0 : index
    tpu.barrier barrier_id(%barrier3A)
    %mul3A_1 = arith.constant 20480 : i32
    %mul3A_2 = arith.muli %arg1, %mul3A_1 : i32
    %add3A = arith.constant 0 : i32
    %add3A_3 = arith.addi %mul3A_2, %add3A : i32
    %multiple_of3A = tpu.assume_multiple %add3A_3, 8 : i32
    "tpu.region"() ({
      %run_scoped3A = tpu.sem_alloc : memref<!tpu.dma_semaphore, #tpu.memory_space<semaphore_mem>>
      %dma_start3A_29 = tpu.memref_slice %arg2[%arg0, %multiple_of3A] : memref<2x327680xi32, #tpu.memory_space<hbm>> -> memref<1x128xi32, #tpu.memory_space<hbm>>
      %dma_start3A_30 = tpu.memref_squeeze %dma_start3A_29 : memref<1x128xi32, #tpu.memory_space<hbm>> -> memref<128xi32, #tpu.memory_space<hbm>>
      %dma_start3A_31 = tpu.memref_slice %arg2[%arg0, %multiple_of3A] : memref<2x327680xi32, #tpu.memory_space<hbm>> -> memref<1x128xi32, #tpu.memory_space<hbm>>
      %dma_start3A_32 = tpu.memref_squeeze %dma_start3A_31 : memref<1x128xi32, #tpu.memory_space<hbm>> -> memref<128xi32, #tpu.memory_space<hbm>>
      tpu.enqueue_dma source(%dma_start3A_32 : memref<128xi32, #tpu.memory_space<hbm>>) target(%arg6 : memref<128xi32, #tpu.memory_space<vmem>>) target_semaphore(%run_scoped3A : memref<!tpu.dma_semaphore, #tpu.memory_space<semaphore_mem>>)
      %dma_wait3A_33 = tpu.memref_slice %arg2[%arg0, %multiple_of3A] : memref<2x327680xi32, #tpu.memory_space<hbm>> -> memref<1x128xi32, #tpu.memory_space<hbm>>
      %dma_wait3A_34 = tpu.memref_squeeze %dma_wait3A_33 : memref<1x128xi32, #tpu.memory_space<hbm>> -> memref<128xi32, #tpu.memory_space<hbm>>
      %dma_wait3A_35 = tpu.memref_slice %arg2[%arg0, %multiple_of3A] : memref<2x327680xi32, #tpu.memory_space<hbm>> -> memref<1x128xi32, #tpu.memory_space<hbm>>
      %dma_wait3A_36 = tpu.memref_squeeze %dma_wait3A_35 : memref<1x128xi32, #tpu.memory_space<hbm>> -> memref<128xi32, #tpu.memory_space<hbm>>
      tpu.wait_dma2 semaphore(%run_scoped3A : memref<!tpu.dma_semaphore, #tpu.memory_space<semaphore_mem>>) src(%dma_wait3A_36 : memref<128xi32, #tpu.memory_space<hbm>>) dst(%arg6 : memref<128xi32, #tpu.memory_space<vmem>>)
      tpu.yield
    }) : () -> ()
    %dma_start3A = arith.constant 0 : i32
    %dma_start3A_4 = arith.constant 0 : i32
    %dma_start3A_5 = tpu.memref_slice %arg9[%dma_start3A, %dma_start3A_4] : memref<10112x128xf32, #tpu.memory_space<vmem_shared>> -> memref<10112x128xf32, #tpu.memory_space<vmem_shared>>
    tpu.enqueue_indirect_dma source(%arg8 : memref<128x128xf32, #tpu.memory_space<vmem>>) target(%dma_start3A_5 : memref<10112x128xf32, #tpu.memory_space<vmem_shared>>) offsets(%arg6 : memref<128xi32, #tpu.memory_space<vmem>>) semaphore(%arg10 : memref<!tpu.dma_semaphore, #tpu.memory_space<semaphore_mem>>) {add = true}
    %add3A_6 = arith.constant 128 : i32
    %add3A_7 = arith.addi %mul3A_2, %add3A_6 : i32
    %multiple_of3A_8 = tpu.assume_multiple %add3A_7, 8 : i32
    "tpu.region"() ({
      %run_scoped3A = tpu.sem_alloc : memref<!tpu.dma_semaphore, #tpu.memory_space<semaphore_mem>>
      %dma_start3A_29 = tpu.memref_slice %arg2[%arg0, %multiple_of3A_8] : memref<2x327680xi32, #tpu.memory_space<hbm>> -> memref<1x128xi32, #tpu.memory_space<hbm>>
      %dma_start3A_30 = tpu.memref_squeeze %dma_start3A_29 : memref<1x128xi32, #tpu.memory_space<hbm>> -> memref<128xi32, #tpu.memory_space<hbm>>
      %dma_start3A_31 = tpu.memref_slice %arg2[%arg0, %multiple_of3A_8] : memref<2x327680xi32, #tpu.memory_space<hbm>> -> memref<1x128xi32, #tpu.memory_space<hbm>>
      %dma_start3A_32 = tpu.memref_squeeze %dma_start3A_31 : memref<1x128xi32, #tpu.memory_space<hbm>> -> memref<128xi32, #tpu.memory_space<hbm>>
      tpu.enqueue_dma source(%dma_start3A_32 : memref<128xi32, #tpu.memory_space<hbm>>) target(%arg7 : memref<128xi32, #tpu.memory_space<vmem>>) target_semaphore(%run_scoped3A : memref<!tpu.dma_semaphore, #tpu.memory_space<semaphore_mem>>)
      %dma_wait3A_33 = tpu.memref_slice %arg2[%arg0, %multiple_of3A_8] : memref<2x327680xi32, #tpu.memory_space<hbm>> -> memref<1x128xi32, #tpu.memory_space<hbm>>
      %dma_wait3A_34 = tpu.memref_squeeze %dma_wait3A_33 : memref<1x128xi32, #tpu.memory_space<hbm>> -> memref<128xi32, #tpu.memory_space<hbm>>
      %dma_wait3A_35 = tpu.memref_slice %arg2[%arg0, %multiple_of3A_8] : memref<2x327680xi32, #tpu.memory_space<hbm>> -> memref<1x128xi32, #tpu.memory_space<hbm>>
      %dma_wait3A_36 = tpu.memref_squeeze %dma_wait3A_35 : memref<1x128xi32, #tpu.memory_space<hbm>> -> memref<128xi32, #tpu.memory_space<hbm>>
      tpu.wait_dma2 semaphore(%run_scoped3A : memref<!tpu.dma_semaphore, #tpu.memory_space<semaphore_mem>>) src(%dma_wait3A_36 : memref<128xi32, #tpu.memory_space<hbm>>) dst(%arg7 : memref<128xi32, #tpu.memory_space<vmem>>)
      tpu.yield
    }) : () -> ()
    %dma_start3A_9 = arith.constant 0 : i32
    %dma_start3A_10 = arith.constant 0 : i32
    %dma_start3A_11 = tpu.memref_slice %arg9[%dma_start3A_9, %dma_start3A_10] : memref<10112x128xf32, #tpu.memory_space<vmem_shared>> -> memref<10112x128xf32, #tpu.memory_space<vmem_shared>>
    tpu.enqueue_indirect_dma source(%arg8 : memref<128x128xf32, #tpu.memory_space<vmem>>) target(%dma_start3A_11 : memref<10112x128xf32, #tpu.memory_space<vmem_shared>>) offsets(%arg7 : memref<128xi32, #tpu.memory_space<vmem>>) semaphore(%arg11 : memref<!tpu.dma_semaphore, #tpu.memory_space<semaphore_mem>>) {add = true}
    %scan3A = arith.constant 0 : i32
    %scan3A_12 = arith.constant 1 : i32
    %scan3A_13 = arith.constant 79 : i32
    %scan3A_14 = arith.addi %scan3A_12, %scan3A_13 : i32
    %scan3A_15 = arith.constant 1 : i32
    scf.for %scan3A_29 = %scan3A_12 to %scan3A_14 step %scan3A_15  : i32 {
      %mul3A_30 = arith.constant 2 : i32
      %mul3A_31 = arith.muli %scan3A_29, %mul3A_30 : i32
      %add3A_32 = arith.constant 0 : i32
      %add3A_33 = arith.addi %mul3A_31, %add3A_32 : i32
      %dma_wait3A_34 = arith.constant 0 : i32
      %dma_wait3A_35 = arith.constant 0 : i32
      %dma_wait3A_36 = tpu.memref_slice %arg3[%dma_wait3A_34, %dma_wait3A_35] : memref<10112x128xf32, #tpu.memory_space<hbm>> -> memref<128x128xf32, #tpu.memory_space<hbm>>
      %dma_wait3A_37 = arith.constant 0 : i32
      %dma_wait3A_38 = arith.constant 0 : i32
      %dma_wait3A_39 = tpu.memref_slice %arg3[%dma_wait3A_37, %dma_wait3A_38] : memref<10112x128xf32, #tpu.memory_space<hbm>> -> memref<128x128xf32, #tpu.memory_space<hbm>>
      tpu.wait_dma2 semaphore(%arg10 : memref<!tpu.dma_semaphore, #tpu.memory_space<semaphore_mem>>) src(%dma_wait3A_39 : memref<128x128xf32, #tpu.memory_space<hbm>>) dst(%arg8 : memref<128x128xf32, #tpu.memory_space<vmem>>)
      %mul3A_40 = arith.constant 128 : i32
      %mul3A_41 = arith.muli %add3A_33, %mul3A_40 : i32
      %add3A_42 = arith.addi %mul3A_2, %mul3A_41 : i32
      %multiple_of3A_43 = tpu.assume_multiple %add3A_42, 8 : i32
      "tpu.region"() ({
        %run_scoped3A = tpu.sem_alloc : memref<!tpu.dma_semaphore, #tpu.memory_space<semaphore_mem>>
        %dma_start3A_64 = tpu.memref_slice %arg2[%arg0, %multiple_of3A_43] : memref<2x327680xi32, #tpu.memory_space<hbm>> -> memref<1x128xi32, #tpu.memory_space<hbm>>
        %dma_start3A_65 = tpu.memref_squeeze %dma_start3A_64 : memref<1x128xi32, #tpu.memory_space<hbm>> -> memref<128xi32, #tpu.memory_space<hbm>>
        %dma_start3A_66 = tpu.memref_slice %arg2[%arg0, %multiple_of3A_43] : memref<2x327680xi32, #tpu.memory_space<hbm>> -> memref<1x128xi32, #tpu.memory_space<hbm>>
        %dma_start3A_67 = tpu.memref_squeeze %dma_start3A_66 : memref<1x128xi32, #tpu.memory_space<hbm>> -> memref<128xi32, #tpu.memory_space<hbm>>
        tpu.enqueue_dma source(%dma_start3A_67 : memref<128xi32, #tpu.memory_space<hbm>>) target(%arg6 : memref<128xi32, #tpu.memory_space<vmem>>) target_semaphore(%run_scoped3A : memref<!tpu.dma_semaphore, #tpu.memory_space<semaphore_mem>>)
        %dma_wait3A_68 = tpu.memref_slice %arg2[%arg0, %multiple_of3A_43] : memref<2x327680xi32, #tpu.memory_space<hbm>> -> memref<1x128xi32, #tpu.memory_space<hbm>>
        %dma_wait3A_69 = tpu.memref_squeeze %dma_wait3A_68 : memref<1x128xi32, #tpu.memory_space<hbm>> -> memref<128xi32, #tpu.memory_space<hbm>>
        %dma_wait3A_70 = tpu.memref_slice %arg2[%arg0, %multiple_of3A_43] : memref<2x327680xi32, #tpu.memory_space<hbm>> -> memref<1x128xi32, #tpu.memory_space<hbm>>
        %dma_wait3A_71 = tpu.memref_squeeze %dma_wait3A_70 : memref<1x128xi32, #tpu.memory_space<hbm>> -> memref<128xi32, #tpu.memory_space<hbm>>
        tpu.wait_dma2 semaphore(%run_scoped3A : memref<!tpu.dma_semaphore, #tpu.memory_space<semaphore_mem>>) src(%dma_wait3A_71 : memref<128xi32, #tpu.memory_space<hbm>>) dst(%arg6 : memref<128xi32, #tpu.memory_space<vmem>>)
        tpu.yield
      }) : () -> ()
      %dma_start3A_44 = arith.constant 0 : i32
      %dma_start3A_45 = arith.constant 0 : i32
      %dma_start3A_46 = tpu.memref_slice %arg9[%dma_start3A_44, %dma_start3A_45] : memref<10112x128xf32, #tpu.memory_space<vmem_shared>> -> memref<10112x128xf32, #tpu.memory_space<vmem_shared>>
      tpu.enqueue_indirect_dma source(%arg8 : memref<128x128xf32, #tpu.memory_space<vmem>>) target(%dma_start3A_46 : memref<10112x128xf32, #tpu.memory_space<vmem_shared>>) offsets(%arg6 : memref<128xi32, #tpu.memory_space<vmem>>) semaphore(%arg10 : memref<!tpu.dma_semaphore, #tpu.memory_space<semaphore_mem>>) {add = true}
      %mul3A_47 = arith.constant 2 : i32
      %mul3A_48 = arith.muli %scan3A_29, %mul3A_47 : i32
      %add3A_49 = arith.constant 1 : i32
      %add3A_50 = arith.addi %mul3A_48, %add3A_49 : i32
      %dma_wait3A_51 = arith.constant 0 : i32
      %dma_wait3A_52 = arith.constant 0 : i32
      %dma_wait3A_53 = tpu.memref_slice %arg3[%dma_wait3A_51, %dma_wait3A_52] : memref<10112x128xf32, #tpu.memory_space<hbm>> -> memref<128x128xf32, #tpu.memory_space<hbm>>
      %dma_wait3A_54 = arith.constant 0 : i32
      %dma_wait3A_55 = arith.constant 0 : i32
      %dma_wait3A_56 = tpu.memref_slice %arg3[%dma_wait3A_54, %dma_wait3A_55] : memref<10112x128xf32, #tpu.memory_space<hbm>> -> memref<128x128xf32, #tpu.memory_space<hbm>>
      tpu.wait_dma2 semaphore(%arg11 : memref<!tpu.dma_semaphore, #tpu.memory_space<semaphore_mem>>) src(%dma_wait3A_56 : memref<128x128xf32, #tpu.memory_space<hbm>>) dst(%arg8 : memref<128x128xf32, #tpu.memory_space<vmem>>)
      %mul3A_57 = arith.constant 128 : i32
      %mul3A_58 = arith.muli %add3A_50, %mul3A_57 : i32
      %add3A_59 = arith.addi %mul3A_2, %mul3A_58 : i32
      %multiple_of3A_60 = tpu.assume_multiple %add3A_59, 8 : i32
      "tpu.region"() ({
        %run_scoped3A = tpu.sem_alloc : memref<!tpu.dma_semaphore, #tpu.memory_space<semaphore_mem>>
        %dma_start3A_64 = tpu.memref_slice %arg2[%arg0, %multiple_of3A_60] : memref<2x327680xi32, #tpu.memory_space<hbm>> -> memref<1x128xi32, #tpu.memory_space<hbm>>
        %dma_start3A_65 = tpu.memref_squeeze %dma_start3A_64 : memref<1x128xi32, #tpu.memory_space<hbm>> -> memref<128xi32, #tpu.memory_space<hbm>>
        %dma_start3A_66 = tpu.memref_slice %arg2[%arg0, %multiple_of3A_60] : memref<2x327680xi32, #tpu.memory_space<hbm>> -> memref<1x128xi32, #tpu.memory_space<hbm>>
        %dma_start3A_67 = tpu.memref_squeeze %dma_start3A_66 : memref<1x128xi32, #tpu.memory_space<hbm>> -> memref<128xi32, #tpu.memory_space<hbm>>
        tpu.enqueue_dma source(%dma_start3A_67 : memref<128xi32, #tpu.memory_space<hbm>>) target(%arg7 : memref<128xi32, #tpu.memory_space<vmem>>) target_semaphore(%run_scoped3A : memref<!tpu.dma_semaphore, #tpu.memory_space<semaphore_mem>>)
        %dma_wait3A_68 = tpu.memref_slice %arg2[%arg0, %multiple_of3A_60] : memref<2x327680xi32, #tpu.memory_space<hbm>> -> memref<1x128xi32, #tpu.memory_space<hbm>>
        %dma_wait3A_69 = tpu.memref_squeeze %dma_wait3A_68 : memref<1x128xi32, #tpu.memory_space<hbm>> -> memref<128xi32, #tpu.memory_space<hbm>>
        %dma_wait3A_70 = tpu.memref_slice %arg2[%arg0, %multiple_of3A_60] : memref<2x327680xi32, #tpu.memory_space<hbm>> -> memref<1x128xi32, #tpu.memory_space<hbm>>
        %dma_wait3A_71 = tpu.memref_squeeze %dma_wait3A_70 : memref<1x128xi32, #tpu.memory_space<hbm>> -> memref<128xi32, #tpu.memory_space<hbm>>
        tpu.wait_dma2 semaphore(%run_scoped3A : memref<!tpu.dma_semaphore, #tpu.memory_space<semaphore_mem>>) src(%dma_wait3A_71 : memref<128xi32, #tpu.memory_space<hbm>>) dst(%arg7 : memref<128xi32, #tpu.memory_space<vmem>>)
        tpu.yield
      }) : () -> ()
      %dma_start3A_61 = arith.constant 0 : i32
      %dma_start3A_62 = arith.constant 0 : i32
      %dma_start3A_63 = tpu.memref_slice %arg9[%dma_start3A_61, %dma_start3A_62] : memref<10112x128xf32, #tpu.memory_space<vmem_shared>> -> memref<10112x128xf32, #tpu.memory_space<vmem_shared>>
      tpu.enqueue_indirect_dma source(%arg8 : memref<128x128xf32, #tpu.memory_space<vmem>>) target(%dma_start3A_63 : memref<10112x128xf32, #tpu.memory_space<vmem_shared>>) offsets(%arg7 : memref<128xi32, #tpu.memory_space<vmem>>) semaphore(%arg11 : memref<!tpu.dma_semaphore, #tpu.memory_space<semaphore_mem>>) {add = true}
    }
    %scan3A_16 = arith.constant 79 : i32
    %dma_wait3A = arith.constant 0 : i32
    %dma_wait3A_17 = arith.constant 0 : i32
    %dma_wait3A_18 = tpu.memref_slice %arg3[%dma_wait3A, %dma_wait3A_17] : memref<10112x128xf32, #tpu.memory_space<hbm>> -> memref<128x128xf32, #tpu.memory_space<hbm>>
    %dma_wait3A_19 = arith.constant 0 : i32
    %dma_wait3A_20 = arith.constant 0 : i32
    %dma_wait3A_21 = tpu.memref_slice %arg3[%dma_wait3A_19, %dma_wait3A_20] : memref<10112x128xf32, #tpu.memory_space<hbm>> -> memref<128x128xf32, #tpu.memory_space<hbm>>
    tpu.wait_dma2 semaphore(%arg10 : memref<!tpu.dma_semaphore, #tpu.memory_space<semaphore_mem>>) src(%dma_wait3A_21 : memref<128x128xf32, #tpu.memory_space<hbm>>) dst(%arg8 : memref<128x128xf32, #tpu.memory_space<vmem>>)
    %dma_wait3A_22 = arith.constant 0 : i32
    %dma_wait3A_23 = arith.constant 0 : i32
    %dma_wait3A_24 = tpu.memref_slice %arg3[%dma_wait3A_22, %dma_wait3A_23] : memref<10112x128xf32, #tpu.memory_space<hbm>> -> memref<128x128xf32, #tpu.memory_space<hbm>>
    %dma_wait3A_25 = arith.constant 0 : i32
    %dma_wait3A_26 = arith.constant 0 : i32
    %dma_wait3A_27 = tpu.memref_slice %arg3[%dma_wait3A_25, %dma_wait3A_26] : memref<10112x128xf32, #tpu.memory_space<hbm>> -> memref<128x128xf32, #tpu.memory_space<hbm>>
    tpu.wait_dma2 semaphore(%arg11 : memref<!tpu.dma_semaphore, #tpu.memory_space<semaphore_mem>>) src(%dma_wait3A_27 : memref<128x128xf32, #tpu.memory_space<hbm>>) dst(%arg8 : memref<128x128xf32, #tpu.memory_space<vmem>>)
    %barrier3A_28 = arith.constant 0 : index
    tpu.barrier barrier_id(%barrier3A_28)
    "tpu.region"() ({
      %run_scoped3A = tpu.sem_alloc : memref<!tpu.dma_semaphore, #tpu.memory_space<semaphore_mem>>
      %dma_start3A_29 = arith.constant 0 : i32
      %dma_start3A_30 = tpu.memref_slice %arg5[%arg0, %mul3A_0, %dma_start3A_29] : memref<2x10112x128xf32, #tpu.memory_space<hbm>> -> memref<1x632x128xf32, #tpu.memory_space<hbm>>
      %dma_start3A_31 = tpu.memref_squeeze %dma_start3A_30 : memref<1x632x128xf32, #tpu.memory_space<hbm>> -> memref<632x128xf32, #tpu.memory_space<hbm>>
      %dma_start3A_32 = arith.constant 0 : i32
      %dma_start3A_33 = tpu.memref_slice %arg9[%mul3A_0, %dma_start3A_32] : memref<10112x128xf32, #tpu.memory_space<vmem_shared>> -> memref<632x128xf32, #tpu.memory_space<vmem_shared>>
      tpu.enqueue_dma source(%dma_start3A_33 : memref<632x128xf32, #tpu.memory_space<vmem_shared>>) target(%dma_start3A_31 : memref<632x128xf32, #tpu.memory_space<hbm>>) target_semaphore(%run_scoped3A : memref<!tpu.dma_semaphore, #tpu.memory_space<semaphore_mem>>)
      %dma_wait3A_34 = arith.constant 0 : i32
      %dma_wait3A_35 = tpu.memref_slice %arg5[%arg0, %mul3A_0, %dma_wait3A_34] : memref<2x10112x128xf32, #tpu.memory_space<hbm>> -> memref<1x632x128xf32, #tpu.memory_space<hbm>>
      %dma_wait3A_36 = tpu.memref_squeeze %dma_wait3A_35 : memref<1x632x128xf32, #tpu.memory_space<hbm>> -> memref<632x128xf32, #tpu.memory_space<hbm>>
      %dma_wait3A_37 = arith.constant 0 : i32
      %dma_wait3A_38 = tpu.memref_slice %arg9[%mul3A_0, %dma_wait3A_37] : memref<10112x128xf32, #tpu.memory_space<vmem_shared>> -> memref<632x128xf32, #tpu.memory_space<vmem_shared>>
      tpu.wait_dma2 semaphore(%run_scoped3A : memref<!tpu.dma_semaphore, #tpu.memory_space<semaphore_mem>>) src(%dma_wait3A_38 : memref<632x128xf32, #tpu.memory_space<vmem_shared>>) dst(%dma_wait3A_36 : memref<632x128xf32, #tpu.memory_space<hbm>>)
      tpu.yield
    }) : () -> ()
    return
  }
}

#map = affine_map<(d0, d1) -> (0, 0)>
#map1 = affine_map<(d0, d1) -> (0)>
#map2 = affine_map<(d0, d1) -> (0, 0, 0)>
module attributes {stable_mosaic.version = 14 : i64} {
  func.func @_agg_body(%arg0: i32, %arg1: i32, %arg2: memref<10000x128xf32, #tpu.memory_space<hbm>>, %arg3: memref<327680xi32, #tpu.memory_space<hbm>>, %arg4: memref<327680xi32, #tpu.memory_space<hbm>>, %arg5: memref<10112x128xf32, #tpu.memory_space<hbm>>, %arg6: memref<2x10112x128xf32, #tpu.memory_space<hbm>>, %arg7: memref<10240xi32, #tpu.memory_space<vmem>>, %arg8: memref<64xi32, #tpu.memory_space<vmem>>, %arg9: memref<64xi32, #tpu.memory_space<vmem>>, %arg10: memref<64xi32, #tpu.memory_space<vmem>>, %arg11: memref<64xi32, #tpu.memory_space<vmem>>, %arg12: memref<64x128xf32, #tpu.memory_space<vmem>>, %arg13: memref<64x128xf32, #tpu.memory_space<vmem>>, %arg14: memref<64x128xf32, #tpu.memory_space<vmem>>, %arg15: memref<64x128xf32, #tpu.memory_space<vmem>>, %arg16: memref<10112x128xf32, #tpu.memory_space<vmem_shared>>, %arg17: memref<!tpu.dma_semaphore, #tpu.memory_space<semaphore_mem>>, %arg18: memref<!tpu.dma_semaphore, #tpu.memory_space<semaphore_mem>>, %arg19: memref<!tpu.dma_semaphore, #tpu.memory_space<semaphore_mem>>, %arg20: memref<!tpu.dma_semaphore, #tpu.memory_space<semaphore_mem>>, %arg21: memref<!tpu.dma_semaphore, #tpu.memory_space<semaphore_mem>>, %arg22: memref<!tpu.dma_semaphore, #tpu.memory_space<semaphore_mem>>, %arg23: memref<!tpu.dma_semaphore, #tpu.memory_space<semaphore_mem>>, %arg24: memref<!tpu.dma_semaphore, #tpu.memory_space<semaphore_mem>>) attributes {dimension_semantics = [#tpu.dimension_semantics<core_parallel>, #tpu.dimension_semantics<subcore_parallel>], iteration_bounds = array<i64: 2, 16>, scalar_prefetch = 0 : i64, scratch_operands = 18 : i64, tpu.core_type = #tpu.core_type<sc_vector_subcore>, window_params = [{transform_indices = #map}, {transform_indices = #map1}, {transform_indices = #map1}, {transform_indices = #map}, {transform_indices = #map2}]} {
    %mul3A = arith.constant 2 : i32
    %mul3A_0 = arith.muli %arg1, %mul3A : i32
    %add3A = arith.addi %mul3A_0, %arg0 : i32
    %mul3A_1 = arith.constant 632 : i32
    %mul3A_2 = arith.muli %arg1, %mul3A_1 : i32
    "tpu.region"() ({
      %run_scoped3A = tpu.sem_alloc : memref<!tpu.dma_semaphore, #tpu.memory_space<semaphore_mem>>
      %dma_start3A_48 = arith.constant 0 : i32
      %dma_start3A_49 = tpu.memref_slice %arg16[%mul3A_2, %dma_start3A_48] : memref<10112x128xf32, #tpu.memory_space<vmem_shared>> -> memref<632x128xf32, #tpu.memory_space<vmem_shared>>
      %dma_start3A_50 = arith.constant 0 : i32
      %dma_start3A_51 = tpu.memref_slice %arg5[%mul3A_2, %dma_start3A_50] : memref<10112x128xf32, #tpu.memory_space<hbm>> -> memref<632x128xf32, #tpu.memory_space<hbm>>
      tpu.enqueue_dma source(%dma_start3A_51 : memref<632x128xf32, #tpu.memory_space<hbm>>) target(%dma_start3A_49 : memref<632x128xf32, #tpu.memory_space<vmem_shared>>) target_semaphore(%run_scoped3A : memref<!tpu.dma_semaphore, #tpu.memory_space<semaphore_mem>>)
      %dma_wait3A_52 = arith.constant 0 : i32
      %dma_wait3A_53 = tpu.memref_slice %arg16[%mul3A_2, %dma_wait3A_52] : memref<10112x128xf32, #tpu.memory_space<vmem_shared>> -> memref<632x128xf32, #tpu.memory_space<vmem_shared>>
      %dma_wait3A_54 = arith.constant 0 : i32
      %dma_wait3A_55 = tpu.memref_slice %arg5[%mul3A_2, %dma_wait3A_54] : memref<10112x128xf32, #tpu.memory_space<hbm>> -> memref<632x128xf32, #tpu.memory_space<hbm>>
      tpu.wait_dma2 semaphore(%run_scoped3A : memref<!tpu.dma_semaphore, #tpu.memory_space<semaphore_mem>>) src(%dma_wait3A_55 : memref<632x128xf32, #tpu.memory_space<hbm>>) dst(%dma_wait3A_53 : memref<632x128xf32, #tpu.memory_space<vmem_shared>>)
      tpu.yield
    }) : () -> ()
    %mul3A_3 = arith.constant 10240 : i32
    %mul3A_4 = arith.muli %add3A, %mul3A_3 : i32
    "tpu.region"() ({
      %run_scoped3A = tpu.sem_alloc : memref<!tpu.dma_semaphore, #tpu.memory_space<semaphore_mem>>
      %dma_start3A_48 = tpu.memref_slice %arg3[%mul3A_4] : memref<327680xi32, #tpu.memory_space<hbm>> -> memref<10240xi32, #tpu.memory_space<hbm>>
      %dma_start3A_49 = tpu.memref_slice %arg3[%mul3A_4] : memref<327680xi32, #tpu.memory_space<hbm>> -> memref<10240xi32, #tpu.memory_space<hbm>>
      tpu.enqueue_dma source(%dma_start3A_49 : memref<10240xi32, #tpu.memory_space<hbm>>) target(%arg7 : memref<10240xi32, #tpu.memory_space<vmem>>) target_semaphore(%run_scoped3A : memref<!tpu.dma_semaphore, #tpu.memory_space<semaphore_mem>>)
      %dma_wait3A_50 = tpu.memref_slice %arg3[%mul3A_4] : memref<327680xi32, #tpu.memory_space<hbm>> -> memref<10240xi32, #tpu.memory_space<hbm>>
      %dma_wait3A_51 = tpu.memref_slice %arg3[%mul3A_4] : memref<327680xi32, #tpu.memory_space<hbm>> -> memref<10240xi32, #tpu.memory_space<hbm>>
      tpu.wait_dma2 semaphore(%run_scoped3A : memref<!tpu.dma_semaphore, #tpu.memory_space<semaphore_mem>>) src(%dma_wait3A_51 : memref<10240xi32, #tpu.memory_space<hbm>>) dst(%arg7 : memref<10240xi32, #tpu.memory_space<vmem>>)
      tpu.yield
    }) : () -> ()
    %barrier3A = arith.constant 0 : index
    tpu.barrier barrier_id(%barrier3A)
    %add3A_5 = arith.constant 0 : i32
    %add3A_6 = arith.addi %mul3A_4, %add3A_5 : i32
    %multiple_of3A = tpu.assume_multiple %add3A_6, 8 : i32
    "tpu.region"() ({
      %run_scoped3A = tpu.sem_alloc : memref<!tpu.dma_semaphore, #tpu.memory_space<semaphore_mem>>
      %dma_start3A_48 = tpu.memref_slice %arg4[%multiple_of3A] : memref<327680xi32, #tpu.memory_space<hbm>> -> memref<64xi32, #tpu.memory_space<hbm>>
      %dma_start3A_49 = tpu.memref_slice %arg4[%multiple_of3A] : memref<327680xi32, #tpu.memory_space<hbm>> -> memref<64xi32, #tpu.memory_space<hbm>>
      tpu.enqueue_dma source(%dma_start3A_49 : memref<64xi32, #tpu.memory_space<hbm>>) target(%arg8 : memref<64xi32, #tpu.memory_space<vmem>>) target_semaphore(%run_scoped3A : memref<!tpu.dma_semaphore, #tpu.memory_space<semaphore_mem>>)
      %dma_wait3A_50 = tpu.memref_slice %arg4[%multiple_of3A] : memref<327680xi32, #tpu.memory_space<hbm>> -> memref<64xi32, #tpu.memory_space<hbm>>
      %dma_wait3A_51 = tpu.memref_slice %arg4[%multiple_of3A] : memref<327680xi32, #tpu.memory_space<hbm>> -> memref<64xi32, #tpu.memory_space<hbm>>
      tpu.wait_dma2 semaphore(%run_scoped3A : memref<!tpu.dma_semaphore, #tpu.memory_space<semaphore_mem>>) src(%dma_wait3A_51 : memref<64xi32, #tpu.memory_space<hbm>>) dst(%arg8 : memref<64xi32, #tpu.memory_space<vmem>>)
      tpu.yield
    }) : () -> ()
    %dma_start3A = arith.constant 0 : i32
    %dma_start3A_7 = tpu.memref_slice %arg7[%dma_start3A] : memref<10240xi32, #tpu.memory_space<vmem>> -> memref<64xi32, #tpu.memory_space<vmem>>
    %dma_start3A_8 = arith.constant 0 : i32
    %dma_start3A_9 = arith.constant 0 : i32
    %dma_start3A_10 = tpu.memref_slice %arg2[%dma_start3A_8, %dma_start3A_9] : memref<10000x128xf32, #tpu.memory_space<hbm>> -> memref<10000x128xf32, #tpu.memory_space<hbm>>
    tpu.enqueue_indirect_dma source(%dma_start3A_10 : memref<10000x128xf32, #tpu.memory_space<hbm>>) target(%arg12 : memref<64x128xf32, #tpu.memory_space<vmem>>) offsets(%dma_start3A_7 : memref<64xi32, #tpu.memory_space<vmem>>) semaphore(%arg17 : memref<!tpu.dma_semaphore, #tpu.memory_space<semaphore_mem>>)
    %add3A_11 = arith.constant 64 : i32
    %add3A_12 = arith.addi %mul3A_4, %add3A_11 : i32
    %multiple_of3A_13 = tpu.assume_multiple %add3A_12, 8 : i32
    "tpu.region"() ({
      %run_scoped3A = tpu.sem_alloc : memref<!tpu.dma_semaphore, #tpu.memory_space<semaphore_mem>>
      %dma_start3A_48 = tpu.memref_slice %arg4[%multiple_of3A_13] : memref<327680xi32, #tpu.memory_space<hbm>> -> memref<64xi32, #tpu.memory_space<hbm>>
      %dma_start3A_49 = tpu.memref_slice %arg4[%multiple_of3A_13] : memref<327680xi32, #tpu.memory_space<hbm>> -> memref<64xi32, #tpu.memory_space<hbm>>
      tpu.enqueue_dma source(%dma_start3A_49 : memref<64xi32, #tpu.memory_space<hbm>>) target(%arg9 : memref<64xi32, #tpu.memory_space<vmem>>) target_semaphore(%run_scoped3A : memref<!tpu.dma_semaphore, #tpu.memory_space<semaphore_mem>>)
      %dma_wait3A_50 = tpu.memref_slice %arg4[%multiple_of3A_13] : memref<327680xi32, #tpu.memory_space<hbm>> -> memref<64xi32, #tpu.memory_space<hbm>>
      %dma_wait3A_51 = tpu.memref_slice %arg4[%multiple_of3A_13] : memref<327680xi32, #tpu.memory_space<hbm>> -> memref<64xi32, #tpu.memory_space<hbm>>
      tpu.wait_dma2 semaphore(%run_scoped3A : memref<!tpu.dma_semaphore, #tpu.memory_space<semaphore_mem>>) src(%dma_wait3A_51 : memref<64xi32, #tpu.memory_space<hbm>>) dst(%arg9 : memref<64xi32, #tpu.memory_space<vmem>>)
      tpu.yield
    }) : () -> ()
    %dma_start3A_14 = arith.constant 64 : i32
    %dma_start3A_15 = tpu.memref_slice %arg7[%dma_start3A_14] : memref<10240xi32, #tpu.memory_space<vmem>> -> memref<64xi32, #tpu.memory_space<vmem>>
    %dma_start3A_16 = arith.constant 0 : i32
    %dma_start3A_17 = arith.constant 0 : i32
    %dma_start3A_18 = tpu.memref_slice %arg2[%dma_start3A_16, %dma_start3A_17] : memref<10000x128xf32, #tpu.memory_space<hbm>> -> memref<10000x128xf32, #tpu.memory_space<hbm>>
    tpu.enqueue_indirect_dma source(%dma_start3A_18 : memref<10000x128xf32, #tpu.memory_space<hbm>>) target(%arg13 : memref<64x128xf32, #tpu.memory_space<vmem>>) offsets(%dma_start3A_15 : memref<64xi32, #tpu.memory_space<vmem>>) semaphore(%arg18 : memref<!tpu.dma_semaphore, #tpu.memory_space<semaphore_mem>>)
    %scan3A = arith.constant 0 : i32
    %scan3A_19 = arith.constant 0 : i32
    %scan3A_20 = arith.constant 40 : i32
    %scan3A_21 = arith.addi %scan3A_19, %scan3A_20 : i32
    %scan3A_22 = arith.constant 1 : i32
    scf.for %scan3A_48 = %scan3A_19 to %scan3A_21 step %scan3A_22  : i32 {
      %mul3A_49 = arith.constant 4 : i32
      %mul3A_50 = arith.muli %scan3A_48, %mul3A_49 : i32
      %add3A_51 = arith.constant 0 : i32
      %add3A_52 = arith.addi %mul3A_50, %add3A_51 : i32
      %add3A_53 = arith.constant 2 : i32
      %add3A_54 = arith.addi %add3A_52, %add3A_53 : i32
      %lt3A = arith.constant 160 : i32
      %lt3A_55 = arith.cmpi slt, %add3A_54, %lt3A : i32
      %convert_element_type3A = arith.extui %lt3A_55 : i1 to i32
      %cond3A = arith.constant 0 : i32
      %cond3A_56 = arith.cmpi ne, %convert_element_type3A, %cond3A : i32
      scf.if %cond3A_56 {
        %ge3A = arith.constant 2 : i32
        %ge3A_126 = arith.cmpi sge, %add3A_52, %ge3A : i32
        %convert_element_type3A_127 = arith.extui %ge3A_126 : i1 to i32
        %cond3A_128 = arith.constant 0 : i32
        %cond3A_129 = arith.cmpi ne, %convert_element_type3A_127, %cond3A_128 : i32
        scf.if %cond3A_129 {
          %dma_wait3A_141 = arith.constant 0 : i32
          %dma_wait3A_142 = arith.constant 0 : i32
          %dma_wait3A_143 = tpu.memref_slice %arg5[%dma_wait3A_141, %dma_wait3A_142] : memref<10112x128xf32, #tpu.memory_space<hbm>> -> memref<64x128xf32, #tpu.memory_space<hbm>>
          %dma_wait3A_144 = arith.constant 0 : i32
          %dma_wait3A_145 = arith.constant 0 : i32
          %dma_wait3A_146 = tpu.memref_slice %arg5[%dma_wait3A_144, %dma_wait3A_145] : memref<10112x128xf32, #tpu.memory_space<hbm>> -> memref<64x128xf32, #tpu.memory_space<hbm>>
          tpu.wait_dma2 semaphore(%arg23 : memref<!tpu.dma_semaphore, #tpu.memory_space<semaphore_mem>>) src(%dma_wait3A_146 : memref<64x128xf32, #tpu.memory_space<hbm>>) dst(%arg14 : memref<64x128xf32, #tpu.memory_space<vmem>>)
        } else {
        }
        %mul3A_130 = arith.constant 64 : i32
        %mul3A_131 = arith.muli %add3A_54, %mul3A_130 : i32
        %add3A_132 = arith.addi %mul3A_4, %mul3A_131 : i32
        %multiple_of3A_133 = tpu.assume_multiple %add3A_132, 8 : i32
        "tpu.region"() ({
          %run_scoped3A = tpu.sem_alloc : memref<!tpu.dma_semaphore, #tpu.memory_space<semaphore_mem>>
          %dma_start3A_141 = tpu.memref_slice %arg4[%multiple_of3A_133] : memref<327680xi32, #tpu.memory_space<hbm>> -> memref<64xi32, #tpu.memory_space<hbm>>
          %dma_start3A_142 = tpu.memref_slice %arg4[%multiple_of3A_133] : memref<327680xi32, #tpu.memory_space<hbm>> -> memref<64xi32, #tpu.memory_space<hbm>>
          tpu.enqueue_dma source(%dma_start3A_142 : memref<64xi32, #tpu.memory_space<hbm>>) target(%arg10 : memref<64xi32, #tpu.memory_space<vmem>>) target_semaphore(%run_scoped3A : memref<!tpu.dma_semaphore, #tpu.memory_space<semaphore_mem>>)
          %dma_wait3A_143 = tpu.memref_slice %arg4[%multiple_of3A_133] : memref<327680xi32, #tpu.memory_space<hbm>> -> memref<64xi32, #tpu.memory_space<hbm>>
          %dma_wait3A_144 = tpu.memref_slice %arg4[%multiple_of3A_133] : memref<327680xi32, #tpu.memory_space<hbm>> -> memref<64xi32, #tpu.memory_space<hbm>>
          tpu.wait_dma2 semaphore(%run_scoped3A : memref<!tpu.dma_semaphore, #tpu.memory_space<semaphore_mem>>) src(%dma_wait3A_144 : memref<64xi32, #tpu.memory_space<hbm>>) dst(%arg10 : memref<64xi32, #tpu.memory_space<vmem>>)
          tpu.yield
        }) : () -> ()
        %mul3A_134 = arith.constant 64 : i32
        %mul3A_135 = arith.muli %add3A_54, %mul3A_134 : i32
        %multiple_of3A_136 = tpu.assume_multiple %mul3A_135, 8 : i32
        %dma_start3A_137 = tpu.memref_slice %arg7[%multiple_of3A_136] : memref<10240xi32, #tpu.memory_space<vmem>> -> memref<64xi32, #tpu.memory_space<vmem>>
        %dma_start3A_138 = arith.constant 0 : i32
        %dma_start3A_139 = arith.constant 0 : i32
        %dma_start3A_140 = tpu.memref_slice %arg2[%dma_start3A_138, %dma_start3A_139] : memref<10000x128xf32, #tpu.memory_space<hbm>> -> memref<10000x128xf32, #tpu.memory_space<hbm>>
        tpu.enqueue_indirect_dma source(%dma_start3A_140 : memref<10000x128xf32, #tpu.memory_space<hbm>>) target(%arg14 : memref<64x128xf32, #tpu.memory_space<vmem>>) offsets(%dma_start3A_137 : memref<64xi32, #tpu.memory_space<vmem>>) semaphore(%arg19 : memref<!tpu.dma_semaphore, #tpu.memory_space<semaphore_mem>>)
      } else {
      }
      %dma_wait3A_57 = arith.constant 0 : i32
      %dma_wait3A_58 = arith.constant 0 : i32
      %dma_wait3A_59 = tpu.memref_slice %arg5[%dma_wait3A_57, %dma_wait3A_58] : memref<10112x128xf32, #tpu.memory_space<hbm>> -> memref<64x128xf32, #tpu.memory_space<hbm>>
      %dma_wait3A_60 = arith.constant 0 : i32
      %dma_wait3A_61 = arith.constant 0 : i32
      %dma_wait3A_62 = tpu.memref_slice %arg5[%dma_wait3A_60, %dma_wait3A_61] : memref<10112x128xf32, #tpu.memory_space<hbm>> -> memref<64x128xf32, #tpu.memory_space<hbm>>
      tpu.wait_dma2 semaphore(%arg17 : memref<!tpu.dma_semaphore, #tpu.memory_space<semaphore_mem>>) src(%dma_wait3A_62 : memref<64x128xf32, #tpu.memory_space<hbm>>) dst(%arg12 : memref<64x128xf32, #tpu.memory_space<vmem>>)
      %dma_start3A_63 = arith.constant 0 : i32
      %dma_start3A_64 = arith.constant 0 : i32
      %dma_start3A_65 = tpu.memref_slice %arg16[%dma_start3A_63, %dma_start3A_64] : memref<10112x128xf32, #tpu.memory_space<vmem_shared>> -> memref<10112x128xf32, #tpu.memory_space<vmem_shared>>
      tpu.enqueue_indirect_dma source(%arg12 : memref<64x128xf32, #tpu.memory_space<vmem>>) target(%dma_start3A_65 : memref<10112x128xf32, #tpu.memory_space<vmem_shared>>) offsets(%arg8 : memref<64xi32, #tpu.memory_space<vmem>>) semaphore(%arg21 : memref<!tpu.dma_semaphore, #tpu.memory_space<semaphore_mem>>) {add = true}
      %mul3A_66 = arith.constant 4 : i32
      %mul3A_67 = arith.muli %scan3A_48, %mul3A_66 : i32
      %add3A_68 = arith.constant 1 : i32
      %add3A_69 = arith.addi %mul3A_67, %add3A_68 : i32
      %add3A_70 = arith.constant 2 : i32
      %add3A_71 = arith.addi %add3A_69, %add3A_70 : i32
      %lt3A_72 = arith.constant 160 : i32
      %lt3A_73 = arith.cmpi slt, %add3A_71, %lt3A_72 : i32
      %convert_element_type3A_74 = arith.extui %lt3A_73 : i1 to i32
      %cond3A_75 = arith.constant 0 : i32
      %cond3A_76 = arith.cmpi ne, %convert_element_type3A_74, %cond3A_75 : i32
      scf.if %cond3A_76 {
        %ge3A = arith.constant 2 : i32
        %ge3A_126 = arith.cmpi sge, %add3A_69, %ge3A : i32
        %convert_element_type3A_127 = arith.extui %ge3A_126 : i1 to i32
        %cond3A_128 = arith.constant 0 : i32
        %cond3A_129 = arith.cmpi ne, %convert_element_type3A_127, %cond3A_128 : i32
        scf.if %cond3A_129 {
          %dma_wait3A_141 = arith.constant 0 : i32
          %dma_wait3A_142 = arith.constant 0 : i32
          %dma_wait3A_143 = tpu.memref_slice %arg5[%dma_wait3A_141, %dma_wait3A_142] : memref<10112x128xf32, #tpu.memory_space<hbm>> -> memref<64x128xf32, #tpu.memory_space<hbm>>
          %dma_wait3A_144 = arith.constant 0 : i32
          %dma_wait3A_145 = arith.constant 0 : i32
          %dma_wait3A_146 = tpu.memref_slice %arg5[%dma_wait3A_144, %dma_wait3A_145] : memref<10112x128xf32, #tpu.memory_space<hbm>> -> memref<64x128xf32, #tpu.memory_space<hbm>>
          tpu.wait_dma2 semaphore(%arg24 : memref<!tpu.dma_semaphore, #tpu.memory_space<semaphore_mem>>) src(%dma_wait3A_146 : memref<64x128xf32, #tpu.memory_space<hbm>>) dst(%arg15 : memref<64x128xf32, #tpu.memory_space<vmem>>)
        } else {
        }
        %mul3A_130 = arith.constant 64 : i32
        %mul3A_131 = arith.muli %add3A_71, %mul3A_130 : i32
        %add3A_132 = arith.addi %mul3A_4, %mul3A_131 : i32
        %multiple_of3A_133 = tpu.assume_multiple %add3A_132, 8 : i32
        "tpu.region"() ({
          %run_scoped3A = tpu.sem_alloc : memref<!tpu.dma_semaphore, #tpu.memory_space<semaphore_mem>>
          %dma_start3A_141 = tpu.memref_slice %arg4[%multiple_of3A_133] : memref<327680xi32, #tpu.memory_space<hbm>> -> memref<64xi32, #tpu.memory_space<hbm>>
          %dma_start3A_142 = tpu.memref_slice %arg4[%multiple_of3A_133] : memref<327680xi32, #tpu.memory_space<hbm>> -> memref<64xi32, #tpu.memory_space<hbm>>
          tpu.enqueue_dma source(%dma_start3A_142 : memref<64xi32, #tpu.memory_space<hbm>>) target(%arg11 : memref<64xi32, #tpu.memory_space<vmem>>) target_semaphore(%run_scoped3A : memref<!tpu.dma_semaphore, #tpu.memory_space<semaphore_mem>>)
          %dma_wait3A_143 = tpu.memref_slice %arg4[%multiple_of3A_133] : memref<327680xi32, #tpu.memory_space<hbm>> -> memref<64xi32, #tpu.memory_space<hbm>>
          %dma_wait3A_144 = tpu.memref_slice %arg4[%multiple_of3A_133] : memref<327680xi32, #tpu.memory_space<hbm>> -> memref<64xi32, #tpu.memory_space<hbm>>
          tpu.wait_dma2 semaphore(%run_scoped3A : memref<!tpu.dma_semaphore, #tpu.memory_space<semaphore_mem>>) src(%dma_wait3A_144 : memref<64xi32, #tpu.memory_space<hbm>>) dst(%arg11 : memref<64xi32, #tpu.memory_space<vmem>>)
          tpu.yield
        }) : () -> ()
        %mul3A_134 = arith.constant 64 : i32
        %mul3A_135 = arith.muli %add3A_71, %mul3A_134 : i32
        %multiple_of3A_136 = tpu.assume_multiple %mul3A_135, 8 : i32
        %dma_start3A_137 = tpu.memref_slice %arg7[%multiple_of3A_136] : memref<10240xi32, #tpu.memory_space<vmem>> -> memref<64xi32, #tpu.memory_space<vmem>>
        %dma_start3A_138 = arith.constant 0 : i32
        %dma_start3A_139 = arith.constant 0 : i32
        %dma_start3A_140 = tpu.memref_slice %arg2[%dma_start3A_138, %dma_start3A_139] : memref<10000x128xf32, #tpu.memory_space<hbm>> -> memref<10000x128xf32, #tpu.memory_space<hbm>>
        tpu.enqueue_indirect_dma source(%dma_start3A_140 : memref<10000x128xf32, #tpu.memory_space<hbm>>) target(%arg15 : memref<64x128xf32, #tpu.memory_space<vmem>>) offsets(%dma_start3A_137 : memref<64xi32, #tpu.memory_space<vmem>>) semaphore(%arg20 : memref<!tpu.dma_semaphore, #tpu.memory_space<semaphore_mem>>)
      } else {
      }
      %dma_wait3A_77 = arith.constant 0 : i32
      %dma_wait3A_78 = arith.constant 0 : i32
      %dma_wait3A_79 = tpu.memref_slice %arg5[%dma_wait3A_77, %dma_wait3A_78] : memref<10112x128xf32, #tpu.memory_space<hbm>> -> memref<64x128xf32, #tpu.memory_space<hbm>>
      %dma_wait3A_80 = arith.constant 0 : i32
      %dma_wait3A_81 = arith.constant 0 : i32
      %dma_wait3A_82 = tpu.memref_slice %arg5[%dma_wait3A_80, %dma_wait3A_81] : memref<10112x128xf32, #tpu.memory_space<hbm>> -> memref<64x128xf32, #tpu.memory_space<hbm>>
      tpu.wait_dma2 semaphore(%arg18 : memref<!tpu.dma_semaphore, #tpu.memory_space<semaphore_mem>>) src(%dma_wait3A_82 : memref<64x128xf32, #tpu.memory_space<hbm>>) dst(%arg13 : memref<64x128xf32, #tpu.memory_space<vmem>>)
      %dma_start3A_83 = arith.constant 0 : i32
      %dma_start3A_84 = arith.constant 0 : i32
      %dma_start3A_85 = tpu.memref_slice %arg16[%dma_start3A_83, %dma_start3A_84] : memref<10112x128xf32, #tpu.memory_space<vmem_shared>> -> memref<10112x128xf32, #tpu.memory_space<vmem_shared>>
      tpu.enqueue_indirect_dma source(%arg13 : memref<64x128xf32, #tpu.memory_space<vmem>>) target(%dma_start3A_85 : memref<10112x128xf32, #tpu.memory_space<vmem_shared>>) offsets(%arg9 : memref<64xi32, #tpu.memory_space<vmem>>) semaphore(%arg22 : memref<!tpu.dma_semaphore, #tpu.memory_space<semaphore_mem>>) {add = true}
      %mul3A_86 = arith.constant 4 : i32
      %mul3A_87 = arith.muli %scan3A_48, %mul3A_86 : i32
      %add3A_88 = arith.constant 2 : i32
      %add3A_89 = arith.addi %mul3A_87, %add3A_88 : i32
      %add3A_90 = arith.constant 2 : i32
      %add3A_91 = arith.addi %add3A_89, %add3A_90 : i32
      %lt3A_92 = arith.constant 160 : i32
      %lt3A_93 = arith.cmpi slt, %add3A_91, %lt3A_92 : i32
      %convert_element_type3A_94 = arith.extui %lt3A_93 : i1 to i32
      %cond3A_95 = arith.constant 0 : i32
      %cond3A_96 = arith.cmpi ne, %convert_element_type3A_94, %cond3A_95 : i32
      scf.if %cond3A_96 {
        %ge3A = arith.constant 2 : i32
        %ge3A_126 = arith.cmpi sge, %add3A_89, %ge3A : i32
        %convert_element_type3A_127 = arith.extui %ge3A_126 : i1 to i32
        %cond3A_128 = arith.constant 0 : i32
        %cond3A_129 = arith.cmpi ne, %convert_element_type3A_127, %cond3A_128 : i32
        scf.if %cond3A_129 {
          %dma_wait3A_141 = arith.constant 0 : i32
          %dma_wait3A_142 = arith.constant 0 : i32
          %dma_wait3A_143 = tpu.memref_slice %arg5[%dma_wait3A_141, %dma_wait3A_142] : memref<10112x128xf32, #tpu.memory_space<hbm>> -> memref<64x128xf32, #tpu.memory_space<hbm>>
          %dma_wait3A_144 = arith.constant 0 : i32
          %dma_wait3A_145 = arith.constant 0 : i32
          %dma_wait3A_146 = tpu.memref_slice %arg5[%dma_wait3A_144, %dma_wait3A_145] : memref<10112x128xf32, #tpu.memory_space<hbm>> -> memref<64x128xf32, #tpu.memory_space<hbm>>
          tpu.wait_dma2 semaphore(%arg21 : memref<!tpu.dma_semaphore, #tpu.memory_space<semaphore_mem>>) src(%dma_wait3A_146 : memref<64x128xf32, #tpu.memory_space<hbm>>) dst(%arg12 : memref<64x128xf32, #tpu.memory_space<vmem>>)
        } else {
        }
        %mul3A_130 = arith.constant 64 : i32
        %mul3A_131 = arith.muli %add3A_91, %mul3A_130 : i32
        %add3A_132 = arith.addi %mul3A_4, %mul3A_131 : i32
        %multiple_of3A_133 = tpu.assume_multiple %add3A_132, 8 : i32
        "tpu.region"() ({
          %run_scoped3A = tpu.sem_alloc : memref<!tpu.dma_semaphore, #tpu.memory_space<semaphore_mem>>
          %dma_start3A_141 = tpu.memref_slice %arg4[%multiple_of3A_133] : memref<327680xi32, #tpu.memory_space<hbm>> -> memref<64xi32, #tpu.memory_space<hbm>>
          %dma_start3A_142 = tpu.memref_slice %arg4[%multiple_of3A_133] : memref<327680xi32, #tpu.memory_space<hbm>> -> memref<64xi32, #tpu.memory_space<hbm>>
          tpu.enqueue_dma source(%dma_start3A_142 : memref<64xi32, #tpu.memory_space<hbm>>) target(%arg8 : memref<64xi32, #tpu.memory_space<vmem>>) target_semaphore(%run_scoped3A : memref<!tpu.dma_semaphore, #tpu.memory_space<semaphore_mem>>)
          %dma_wait3A_143 = tpu.memref_slice %arg4[%multiple_of3A_133] : memref<327680xi32, #tpu.memory_space<hbm>> -> memref<64xi32, #tpu.memory_space<hbm>>
          %dma_wait3A_144 = tpu.memref_slice %arg4[%multiple_of3A_133] : memref<327680xi32, #tpu.memory_space<hbm>> -> memref<64xi32, #tpu.memory_space<hbm>>
          tpu.wait_dma2 semaphore(%run_scoped3A : memref<!tpu.dma_semaphore, #tpu.memory_space<semaphore_mem>>) src(%dma_wait3A_144 : memref<64xi32, #tpu.memory_space<hbm>>) dst(%arg8 : memref<64xi32, #tpu.memory_space<vmem>>)
          tpu.yield
        }) : () -> ()
        %mul3A_134 = arith.constant 64 : i32
        %mul3A_135 = arith.muli %add3A_91, %mul3A_134 : i32
        %multiple_of3A_136 = tpu.assume_multiple %mul3A_135, 8 : i32
        %dma_start3A_137 = tpu.memref_slice %arg7[%multiple_of3A_136] : memref<10240xi32, #tpu.memory_space<vmem>> -> memref<64xi32, #tpu.memory_space<vmem>>
        %dma_start3A_138 = arith.constant 0 : i32
        %dma_start3A_139 = arith.constant 0 : i32
        %dma_start3A_140 = tpu.memref_slice %arg2[%dma_start3A_138, %dma_start3A_139] : memref<10000x128xf32, #tpu.memory_space<hbm>> -> memref<10000x128xf32, #tpu.memory_space<hbm>>
        tpu.enqueue_indirect_dma source(%dma_start3A_140 : memref<10000x128xf32, #tpu.memory_space<hbm>>) target(%arg12 : memref<64x128xf32, #tpu.memory_space<vmem>>) offsets(%dma_start3A_137 : memref<64xi32, #tpu.memory_space<vmem>>) semaphore(%arg17 : memref<!tpu.dma_semaphore, #tpu.memory_space<semaphore_mem>>)
      } else {
      }
      %dma_wait3A_97 = arith.constant 0 : i32
      %dma_wait3A_98 = arith.constant 0 : i32
      %dma_wait3A_99 = tpu.memref_slice %arg5[%dma_wait3A_97, %dma_wait3A_98] : memref<10112x128xf32, #tpu.memory_space<hbm>> -> memref<64x128xf32, #tpu.memory_space<hbm>>
      %dma_wait3A_100 = arith.constant 0 : i32
      %dma_wait3A_101 = arith.constant 0 : i32
      %dma_wait3A_102 = tpu.memref_slice %arg5[%dma_wait3A_100, %dma_wait3A_101] : memref<10112x128xf32, #tpu.memory_space<hbm>> -> memref<64x128xf32, #tpu.memory_space<hbm>>
      tpu.wait_dma2 semaphore(%arg19 : memref<!tpu.dma_semaphore, #tpu.memory_space<semaphore_mem>>) src(%dma_wait3A_102 : memref<64x128xf32, #tpu.memory_space<hbm>>) dst(%arg14 : memref<64x128xf32, #tpu.memory_space<vmem>>)
      %dma_start3A_103 = arith.constant 0 : i32
      %dma_start3A_104 = arith.constant 0 : i32
      %dma_start3A_105 = tpu.memref_slice %arg16[%dma_start3A_103, %dma_start3A_104] : memref<10112x128xf32, #tpu.memory_space<vmem_shared>> -> memref<10112x128xf32, #tpu.memory_space<vmem_shared>>
      tpu.enqueue_indirect_dma source(%arg14 : memref<64x128xf32, #tpu.memory_space<vmem>>) target(%dma_start3A_105 : memref<10112x128xf32, #tpu.memory_space<vmem_shared>>) offsets(%arg10 : memref<64xi32, #tpu.memory_space<vmem>>) semaphore(%arg23 : memref<!tpu.dma_semaphore, #tpu.memory_space<semaphore_mem>>) {add = true}
      %mul3A_106 = arith.constant 4 : i32
      %mul3A_107 = arith.muli %scan3A_48, %mul3A_106 : i32
      %add3A_108 = arith.constant 3 : i32
      %add3A_109 = arith.addi %mul3A_107, %add3A_108 : i32
      %add3A_110 = arith.constant 2 : i32
      %add3A_111 = arith.addi %add3A_109, %add3A_110 : i32
      %lt3A_112 = arith.constant 160 : i32
      %lt3A_113 = arith.cmpi slt, %add3A_111, %lt3A_112 : i32
      %convert_element_type3A_114 = arith.extui %lt3A_113 : i1 to i32
      %cond3A_115 = arith.constant 0 : i32
      %cond3A_116 = arith.cmpi ne, %convert_element_type3A_114, %cond3A_115 : i32
      scf.if %cond3A_116 {
        %ge3A = arith.constant 2 : i32
        %ge3A_126 = arith.cmpi sge, %add3A_109, %ge3A : i32
        %convert_element_type3A_127 = arith.extui %ge3A_126 : i1 to i32
        %cond3A_128 = arith.constant 0 : i32
        %cond3A_129 = arith.cmpi ne, %convert_element_type3A_127, %cond3A_128 : i32
        scf.if %cond3A_129 {
          %dma_wait3A_141 = arith.constant 0 : i32
          %dma_wait3A_142 = arith.constant 0 : i32
          %dma_wait3A_143 = tpu.memref_slice %arg5[%dma_wait3A_141, %dma_wait3A_142] : memref<10112x128xf32, #tpu.memory_space<hbm>> -> memref<64x128xf32, #tpu.memory_space<hbm>>
          %dma_wait3A_144 = arith.constant 0 : i32
          %dma_wait3A_145 = arith.constant 0 : i32
          %dma_wait3A_146 = tpu.memref_slice %arg5[%dma_wait3A_144, %dma_wait3A_145] : memref<10112x128xf32, #tpu.memory_space<hbm>> -> memref<64x128xf32, #tpu.memory_space<hbm>>
          tpu.wait_dma2 semaphore(%arg22 : memref<!tpu.dma_semaphore, #tpu.memory_space<semaphore_mem>>) src(%dma_wait3A_146 : memref<64x128xf32, #tpu.memory_space<hbm>>) dst(%arg13 : memref<64x128xf32, #tpu.memory_space<vmem>>)
        } else {
        }
        %mul3A_130 = arith.constant 64 : i32
        %mul3A_131 = arith.muli %add3A_111, %mul3A_130 : i32
        %add3A_132 = arith.addi %mul3A_4, %mul3A_131 : i32
        %multiple_of3A_133 = tpu.assume_multiple %add3A_132, 8 : i32
        "tpu.region"() ({
          %run_scoped3A = tpu.sem_alloc : memref<!tpu.dma_semaphore, #tpu.memory_space<semaphore_mem>>
          %dma_start3A_141 = tpu.memref_slice %arg4[%multiple_of3A_133] : memref<327680xi32, #tpu.memory_space<hbm>> -> memref<64xi32, #tpu.memory_space<hbm>>
          %dma_start3A_142 = tpu.memref_slice %arg4[%multiple_of3A_133] : memref<327680xi32, #tpu.memory_space<hbm>> -> memref<64xi32, #tpu.memory_space<hbm>>
          tpu.enqueue_dma source(%dma_start3A_142 : memref<64xi32, #tpu.memory_space<hbm>>) target(%arg9 : memref<64xi32, #tpu.memory_space<vmem>>) target_semaphore(%run_scoped3A : memref<!tpu.dma_semaphore, #tpu.memory_space<semaphore_mem>>)
          %dma_wait3A_143 = tpu.memref_slice %arg4[%multiple_of3A_133] : memref<327680xi32, #tpu.memory_space<hbm>> -> memref<64xi32, #tpu.memory_space<hbm>>
          %dma_wait3A_144 = tpu.memref_slice %arg4[%multiple_of3A_133] : memref<327680xi32, #tpu.memory_space<hbm>> -> memref<64xi32, #tpu.memory_space<hbm>>
          tpu.wait_dma2 semaphore(%run_scoped3A : memref<!tpu.dma_semaphore, #tpu.memory_space<semaphore_mem>>) src(%dma_wait3A_144 : memref<64xi32, #tpu.memory_space<hbm>>) dst(%arg9 : memref<64xi32, #tpu.memory_space<vmem>>)
          tpu.yield
        }) : () -> ()
        %mul3A_134 = arith.constant 64 : i32
        %mul3A_135 = arith.muli %add3A_111, %mul3A_134 : i32
        %multiple_of3A_136 = tpu.assume_multiple %mul3A_135, 8 : i32
        %dma_start3A_137 = tpu.memref_slice %arg7[%multiple_of3A_136] : memref<10240xi32, #tpu.memory_space<vmem>> -> memref<64xi32, #tpu.memory_space<vmem>>
        %dma_start3A_138 = arith.constant 0 : i32
        %dma_start3A_139 = arith.constant 0 : i32
        %dma_start3A_140 = tpu.memref_slice %arg2[%dma_start3A_138, %dma_start3A_139] : memref<10000x128xf32, #tpu.memory_space<hbm>> -> memref<10000x128xf32, #tpu.memory_space<hbm>>
        tpu.enqueue_indirect_dma source(%dma_start3A_140 : memref<10000x128xf32, #tpu.memory_space<hbm>>) target(%arg13 : memref<64x128xf32, #tpu.memory_space<vmem>>) offsets(%dma_start3A_137 : memref<64xi32, #tpu.memory_space<vmem>>) semaphore(%arg18 : memref<!tpu.dma_semaphore, #tpu.memory_space<semaphore_mem>>)
      } else {
      }
      %dma_wait3A_117 = arith.constant 0 : i32
      %dma_wait3A_118 = arith.constant 0 : i32
      %dma_wait3A_119 = tpu.memref_slice %arg5[%dma_wait3A_117, %dma_wait3A_118] : memref<10112x128xf32, #tpu.memory_space<hbm>> -> memref<64x128xf32, #tpu.memory_space<hbm>>
      %dma_wait3A_120 = arith.constant 0 : i32
      %dma_wait3A_121 = arith.constant 0 : i32
      %dma_wait3A_122 = tpu.memref_slice %arg5[%dma_wait3A_120, %dma_wait3A_121] : memref<10112x128xf32, #tpu.memory_space<hbm>> -> memref<64x128xf32, #tpu.memory_space<hbm>>
      tpu.wait_dma2 semaphore(%arg20 : memref<!tpu.dma_semaphore, #tpu.memory_space<semaphore_mem>>) src(%dma_wait3A_122 : memref<64x128xf32, #tpu.memory_space<hbm>>) dst(%arg15 : memref<64x128xf32, #tpu.memory_space<vmem>>)
      %dma_start3A_123 = arith.constant 0 : i32
      %dma_start3A_124 = arith.constant 0 : i32
      %dma_start3A_125 = tpu.memref_slice %arg16[%dma_start3A_123, %dma_start3A_124] : memref<10112x128xf32, #tpu.memory_space<vmem_shared>> -> memref<10112x128xf32, #tpu.memory_space<vmem_shared>>
      tpu.enqueue_indirect_dma source(%arg15 : memref<64x128xf32, #tpu.memory_space<vmem>>) target(%dma_start3A_125 : memref<10112x128xf32, #tpu.memory_space<vmem_shared>>) offsets(%arg11 : memref<64xi32, #tpu.memory_space<vmem>>) semaphore(%arg24 : memref<!tpu.dma_semaphore, #tpu.memory_space<semaphore_mem>>) {add = true}
    }
    %scan3A_23 = arith.constant 40 : i32
    %dma_wait3A = arith.constant 0 : i32
    %dma_wait3A_24 = arith.constant 0 : i32
    %dma_wait3A_25 = tpu.memref_slice %arg5[%dma_wait3A, %dma_wait3A_24] : memref<10112x128xf32, #tpu.memory_space<hbm>> -> memref<64x128xf32, #tpu.memory_space<hbm>>
    %dma_wait3A_26 = arith.constant 0 : i32
    %dma_wait3A_27 = arith.constant 0 : i32
    %dma_wait3A_28 = tpu.memref_slice %arg5[%dma_wait3A_26, %dma_wait3A_27] : memref<10112x128xf32, #tpu.memory_space<hbm>> -> memref<64x128xf32, #tpu.memory_space<hbm>>
    tpu.wait_dma2 semaphore(%arg21 : memref<!tpu.dma_semaphore, #tpu.memory_space<semaphore_mem>>) src(%dma_wait3A_28 : memref<64x128xf32, #tpu.memory_space<hbm>>) dst(%arg12 : memref<64x128xf32, #tpu.memory_space<vmem>>)
    %dma_wait3A_29 = arith.constant 0 : i32
    %dma_wait3A_30 = arith.constant 0 : i32
    %dma_wait3A_31 = tpu.memref_slice %arg5[%dma_wait3A_29, %dma_wait3A_30] : memref<10112x128xf32, #tpu.memory_space<hbm>> -> memref<64x128xf32, #tpu.memory_space<hbm>>
    %dma_wait3A_32 = arith.constant 0 : i32
    %dma_wait3A_33 = arith.constant 0 : i32
    %dma_wait3A_34 = tpu.memref_slice %arg5[%dma_wait3A_32, %dma_wait3A_33] : memref<10112x128xf32, #tpu.memory_space<hbm>> -> memref<64x128xf32, #tpu.memory_space<hbm>>
    tpu.wait_dma2 semaphore(%arg22 : memref<!tpu.dma_semaphore, #tpu.memory_space<semaphore_mem>>) src(%dma_wait3A_34 : memref<64x128xf32, #tpu.memory_space<hbm>>) dst(%arg13 : memref<64x128xf32, #tpu.memory_space<vmem>>)
    %dma_wait3A_35 = arith.constant 0 : i32
    %dma_wait3A_36 = arith.constant 0 : i32
    %dma_wait3A_37 = tpu.memref_slice %arg5[%dma_wait3A_35, %dma_wait3A_36] : memref<10112x128xf32, #tpu.memory_space<hbm>> -> memref<64x128xf32, #tpu.memory_space<hbm>>
    %dma_wait3A_38 = arith.constant 0 : i32
    %dma_wait3A_39 = arith.constant 0 : i32
    %dma_wait3A_40 = tpu.memref_slice %arg5[%dma_wait3A_38, %dma_wait3A_39] : memref<10112x128xf32, #tpu.memory_space<hbm>> -> memref<64x128xf32, #tpu.memory_space<hbm>>
    tpu.wait_dma2 semaphore(%arg23 : memref<!tpu.dma_semaphore, #tpu.memory_space<semaphore_mem>>) src(%dma_wait3A_40 : memref<64x128xf32, #tpu.memory_space<hbm>>) dst(%arg14 : memref<64x128xf32, #tpu.memory_space<vmem>>)
    %dma_wait3A_41 = arith.constant 0 : i32
    %dma_wait3A_42 = arith.constant 0 : i32
    %dma_wait3A_43 = tpu.memref_slice %arg5[%dma_wait3A_41, %dma_wait3A_42] : memref<10112x128xf32, #tpu.memory_space<hbm>> -> memref<64x128xf32, #tpu.memory_space<hbm>>
    %dma_wait3A_44 = arith.constant 0 : i32
    %dma_wait3A_45 = arith.constant 0 : i32
    %dma_wait3A_46 = tpu.memref_slice %arg5[%dma_wait3A_44, %dma_wait3A_45] : memref<10112x128xf32, #tpu.memory_space<hbm>> -> memref<64x128xf32, #tpu.memory_space<hbm>>
    tpu.wait_dma2 semaphore(%arg24 : memref<!tpu.dma_semaphore, #tpu.memory_space<semaphore_mem>>) src(%dma_wait3A_46 : memref<64x128xf32, #tpu.memory_space<hbm>>) dst(%arg15 : memref<64x128xf32, #tpu.memory_space<vmem>>)
    %barrier3A_47 = arith.constant 0 : index
    tpu.barrier barrier_id(%barrier3A_47)
    "tpu.region"() ({
      %run_scoped3A = tpu.sem_alloc : memref<!tpu.dma_semaphore, #tpu.memory_space<semaphore_mem>>
      %dma_start3A_48 = arith.constant 0 : i32
      %dma_start3A_49 = tpu.memref_slice %arg6[%arg0, %mul3A_2, %dma_start3A_48] : memref<2x10112x128xf32, #tpu.memory_space<hbm>> -> memref<1x632x128xf32, #tpu.memory_space<hbm>>
      %dma_start3A_50 = tpu.memref_squeeze %dma_start3A_49 : memref<1x632x128xf32, #tpu.memory_space<hbm>> -> memref<632x128xf32, #tpu.memory_space<hbm>>
      %dma_start3A_51 = arith.constant 0 : i32
      %dma_start3A_52 = tpu.memref_slice %arg16[%mul3A_2, %dma_start3A_51] : memref<10112x128xf32, #tpu.memory_space<vmem_shared>> -> memref<632x128xf32, #tpu.memory_space<vmem_shared>>
      tpu.enqueue_dma source(%dma_start3A_52 : memref<632x128xf32, #tpu.memory_space<vmem_shared>>) target(%dma_start3A_50 : memref<632x128xf32, #tpu.memory_space<hbm>>) target_semaphore(%run_scoped3A : memref<!tpu.dma_semaphore, #tpu.memory_space<semaphore_mem>>)
      %dma_wait3A_53 = arith.constant 0 : i32
      %dma_wait3A_54 = tpu.memref_slice %arg6[%arg0, %mul3A_2, %dma_wait3A_53] : memref<2x10112x128xf32, #tpu.memory_space<hbm>> -> memref<1x632x128xf32, #tpu.memory_space<hbm>>
      %dma_wait3A_55 = tpu.memref_squeeze %dma_wait3A_54 : memref<1x632x128xf32, #tpu.memory_space<hbm>> -> memref<632x128xf32, #tpu.memory_space<hbm>>
      %dma_wait3A_56 = arith.constant 0 : i32
      %dma_wait3A_57 = tpu.memref_slice %arg16[%mul3A_2, %dma_wait3A_56] : memref<10112x128xf32, #tpu.memory_space<vmem_shared>> -> memref<632x128xf32, #tpu.memory_space<vmem_shared>>
      tpu.wait_dma2 semaphore(%run_scoped3A : memref<!tpu.dma_semaphore, #tpu.memory_space<semaphore_mem>>) src(%dma_wait3A_57 : memref<632x128xf32, #tpu.memory_space<vmem_shared>>) dst(%dma_wait3A_55 : memref<632x128xf32, #tpu.memory_space<hbm>>)
      tpu.yield
    }) : () -> ()
    return
  }
}

#map = affine_map<(d0, d1) -> (0, 0)>
#map1 = affine_map<(d0, d1) -> (0)>
#map2 = affine_map<(d0, d1) -> (0, 0, 0)>
module attributes {stable_mosaic.version = 14 : i64} {
  func.func @_agg_body(%arg0: i32, %arg1: i32, %arg2: memref<10000x128xf32, #tpu.memory_space<hbm>>, %arg3: memref<327680xi32, #tpu.memory_space<hbm>>, %arg4: memref<327680xi32, #tpu.memory_space<hbm>>, %arg5: memref<10112x128xf32, #tpu.memory_space<hbm>>, %arg6: memref<2x10112x128xf32, #tpu.memory_space<hbm>>, %arg7: memref<10240xi32, #tpu.memory_space<vmem>>, %arg8: memref<64xi32, #tpu.memory_space<vmem>>, %arg9: memref<64xi32, #tpu.memory_space<vmem>>, %arg10: memref<64xi32, #tpu.memory_space<vmem>>, %arg11: memref<64xi32, #tpu.memory_space<vmem>>, %arg12: memref<64x128xf32, #tpu.memory_space<vmem>>, %arg13: memref<64x128xf32, #tpu.memory_space<vmem>>, %arg14: memref<64x128xf32, #tpu.memory_space<vmem>>, %arg15: memref<64x128xf32, #tpu.memory_space<vmem>>, %arg16: memref<10112x128xf32, #tpu.memory_space<vmem_shared>>, %arg17: memref<!tpu.dma_semaphore, #tpu.memory_space<semaphore_mem>>, %arg18: memref<!tpu.dma_semaphore, #tpu.memory_space<semaphore_mem>>, %arg19: memref<!tpu.dma_semaphore, #tpu.memory_space<semaphore_mem>>, %arg20: memref<!tpu.dma_semaphore, #tpu.memory_space<semaphore_mem>>, %arg21: memref<!tpu.dma_semaphore, #tpu.memory_space<semaphore_mem>>, %arg22: memref<!tpu.dma_semaphore, #tpu.memory_space<semaphore_mem>>, %arg23: memref<!tpu.dma_semaphore, #tpu.memory_space<semaphore_mem>>, %arg24: memref<!tpu.dma_semaphore, #tpu.memory_space<semaphore_mem>>) attributes {dimension_semantics = [#tpu.dimension_semantics<core_parallel>, #tpu.dimension_semantics<subcore_parallel>], iteration_bounds = array<i64: 2, 16>, scalar_prefetch = 0 : i64, scratch_operands = 18 : i64, tpu.core_type = #tpu.core_type<sc_vector_subcore>, window_params = [{transform_indices = #map}, {transform_indices = #map1}, {transform_indices = #map1}, {transform_indices = #map}, {transform_indices = #map2}]} {
    %mul3A = arith.constant 2 : i32
    %mul3A_0 = arith.muli %arg1, %mul3A : i32
    %add3A = arith.addi %mul3A_0, %arg0 : i32
    %mul3A_1 = arith.constant 632 : i32
    %mul3A_2 = arith.muli %arg1, %mul3A_1 : i32
    "tpu.region"() ({
      %run_scoped3A = tpu.sem_alloc : memref<!tpu.dma_semaphore, #tpu.memory_space<semaphore_mem>>
      %dma_start3A_48 = arith.constant 0 : i32
      %dma_start3A_49 = tpu.memref_slice %arg16[%mul3A_2, %dma_start3A_48] : memref<10112x128xf32, #tpu.memory_space<vmem_shared>> -> memref<632x128xf32, #tpu.memory_space<vmem_shared>>
      %dma_start3A_50 = arith.constant 0 : i32
      %dma_start3A_51 = tpu.memref_slice %arg5[%mul3A_2, %dma_start3A_50] : memref<10112x128xf32, #tpu.memory_space<hbm>> -> memref<632x128xf32, #tpu.memory_space<hbm>>
      tpu.enqueue_dma source(%dma_start3A_51 : memref<632x128xf32, #tpu.memory_space<hbm>>) target(%dma_start3A_49 : memref<632x128xf32, #tpu.memory_space<vmem_shared>>) target_semaphore(%run_scoped3A : memref<!tpu.dma_semaphore, #tpu.memory_space<semaphore_mem>>)
      %dma_wait3A_52 = arith.constant 0 : i32
      %dma_wait3A_53 = tpu.memref_slice %arg16[%mul3A_2, %dma_wait3A_52] : memref<10112x128xf32, #tpu.memory_space<vmem_shared>> -> memref<632x128xf32, #tpu.memory_space<vmem_shared>>
      %dma_wait3A_54 = arith.constant 0 : i32
      %dma_wait3A_55 = tpu.memref_slice %arg5[%mul3A_2, %dma_wait3A_54] : memref<10112x128xf32, #tpu.memory_space<hbm>> -> memref<632x128xf32, #tpu.memory_space<hbm>>
      tpu.wait_dma2 semaphore(%run_scoped3A : memref<!tpu.dma_semaphore, #tpu.memory_space<semaphore_mem>>) src(%dma_wait3A_55 : memref<632x128xf32, #tpu.memory_space<hbm>>) dst(%dma_wait3A_53 : memref<632x128xf32, #tpu.memory_space<vmem_shared>>)
      tpu.yield
    }) : () -> ()
    %mul3A_3 = arith.constant 10240 : i32
    %mul3A_4 = arith.muli %add3A, %mul3A_3 : i32
    "tpu.region"() ({
      %run_scoped3A = tpu.sem_alloc : memref<!tpu.dma_semaphore, #tpu.memory_space<semaphore_mem>>
      %dma_start3A_48 = tpu.memref_slice %arg3[%mul3A_4] : memref<327680xi32, #tpu.memory_space<hbm>> -> memref<10240xi32, #tpu.memory_space<hbm>>
      %dma_start3A_49 = tpu.memref_slice %arg3[%mul3A_4] : memref<327680xi32, #tpu.memory_space<hbm>> -> memref<10240xi32, #tpu.memory_space<hbm>>
      tpu.enqueue_dma source(%dma_start3A_49 : memref<10240xi32, #tpu.memory_space<hbm>>) target(%arg7 : memref<10240xi32, #tpu.memory_space<vmem>>) target_semaphore(%run_scoped3A : memref<!tpu.dma_semaphore, #tpu.memory_space<semaphore_mem>>)
      %dma_wait3A_50 = tpu.memref_slice %arg3[%mul3A_4] : memref<327680xi32, #tpu.memory_space<hbm>> -> memref<10240xi32, #tpu.memory_space<hbm>>
      %dma_wait3A_51 = tpu.memref_slice %arg3[%mul3A_4] : memref<327680xi32, #tpu.memory_space<hbm>> -> memref<10240xi32, #tpu.memory_space<hbm>>
      tpu.wait_dma2 semaphore(%run_scoped3A : memref<!tpu.dma_semaphore, #tpu.memory_space<semaphore_mem>>) src(%dma_wait3A_51 : memref<10240xi32, #tpu.memory_space<hbm>>) dst(%arg7 : memref<10240xi32, #tpu.memory_space<vmem>>)
      tpu.yield
    }) : () -> ()
    %barrier3A = arith.constant 0 : index
    tpu.barrier barrier_id(%barrier3A)
    %add3A_5 = arith.constant 0 : i32
    %add3A_6 = arith.addi %mul3A_4, %add3A_5 : i32
    %multiple_of3A = tpu.assume_multiple %add3A_6, 8 : i32
    "tpu.region"() ({
      %run_scoped3A = tpu.sem_alloc : memref<!tpu.dma_semaphore, #tpu.memory_space<semaphore_mem>>
      %dma_start3A_48 = tpu.memref_slice %arg4[%multiple_of3A] : memref<327680xi32, #tpu.memory_space<hbm>> -> memref<64xi32, #tpu.memory_space<hbm>>
      %dma_start3A_49 = tpu.memref_slice %arg4[%multiple_of3A] : memref<327680xi32, #tpu.memory_space<hbm>> -> memref<64xi32, #tpu.memory_space<hbm>>
      tpu.enqueue_dma source(%dma_start3A_49 : memref<64xi32, #tpu.memory_space<hbm>>) target(%arg8 : memref<64xi32, #tpu.memory_space<vmem>>) target_semaphore(%run_scoped3A : memref<!tpu.dma_semaphore, #tpu.memory_space<semaphore_mem>>)
      %dma_wait3A_50 = tpu.memref_slice %arg4[%multiple_of3A] : memref<327680xi32, #tpu.memory_space<hbm>> -> memref<64xi32, #tpu.memory_space<hbm>>
      %dma_wait3A_51 = tpu.memref_slice %arg4[%multiple_of3A] : memref<327680xi32, #tpu.memory_space<hbm>> -> memref<64xi32, #tpu.memory_space<hbm>>
      tpu.wait_dma2 semaphore(%run_scoped3A : memref<!tpu.dma_semaphore, #tpu.memory_space<semaphore_mem>>) src(%dma_wait3A_51 : memref<64xi32, #tpu.memory_space<hbm>>) dst(%arg8 : memref<64xi32, #tpu.memory_space<vmem>>)
      tpu.yield
    }) : () -> ()
    %dma_start3A = arith.constant 0 : i32
    %dma_start3A_7 = tpu.memref_slice %arg7[%dma_start3A] : memref<10240xi32, #tpu.memory_space<vmem>> -> memref<64xi32, #tpu.memory_space<vmem>>
    %dma_start3A_8 = arith.constant 0 : i32
    %dma_start3A_9 = arith.constant 0 : i32
    %dma_start3A_10 = tpu.memref_slice %arg2[%dma_start3A_8, %dma_start3A_9] : memref<10000x128xf32, #tpu.memory_space<hbm>> -> memref<10000x128xf32, #tpu.memory_space<hbm>>
    tpu.enqueue_indirect_dma source(%dma_start3A_10 : memref<10000x128xf32, #tpu.memory_space<hbm>>) target(%arg12 : memref<64x128xf32, #tpu.memory_space<vmem>>) offsets(%dma_start3A_7 : memref<64xi32, #tpu.memory_space<vmem>>) semaphore(%arg17 : memref<!tpu.dma_semaphore, #tpu.memory_space<semaphore_mem>>)
    %add3A_11 = arith.constant 64 : i32
    %add3A_12 = arith.addi %mul3A_4, %add3A_11 : i32
    %multiple_of3A_13 = tpu.assume_multiple %add3A_12, 8 : i32
    "tpu.region"() ({
      %run_scoped3A = tpu.sem_alloc : memref<!tpu.dma_semaphore, #tpu.memory_space<semaphore_mem>>
      %dma_start3A_48 = tpu.memref_slice %arg4[%multiple_of3A_13] : memref<327680xi32, #tpu.memory_space<hbm>> -> memref<64xi32, #tpu.memory_space<hbm>>
      %dma_start3A_49 = tpu.memref_slice %arg4[%multiple_of3A_13] : memref<327680xi32, #tpu.memory_space<hbm>> -> memref<64xi32, #tpu.memory_space<hbm>>
      tpu.enqueue_dma source(%dma_start3A_49 : memref<64xi32, #tpu.memory_space<hbm>>) target(%arg9 : memref<64xi32, #tpu.memory_space<vmem>>) target_semaphore(%run_scoped3A : memref<!tpu.dma_semaphore, #tpu.memory_space<semaphore_mem>>)
      %dma_wait3A_50 = tpu.memref_slice %arg4[%multiple_of3A_13] : memref<327680xi32, #tpu.memory_space<hbm>> -> memref<64xi32, #tpu.memory_space<hbm>>
      %dma_wait3A_51 = tpu.memref_slice %arg4[%multiple_of3A_13] : memref<327680xi32, #tpu.memory_space<hbm>> -> memref<64xi32, #tpu.memory_space<hbm>>
      tpu.wait_dma2 semaphore(%run_scoped3A : memref<!tpu.dma_semaphore, #tpu.memory_space<semaphore_mem>>) src(%dma_wait3A_51 : memref<64xi32, #tpu.memory_space<hbm>>) dst(%arg9 : memref<64xi32, #tpu.memory_space<vmem>>)
      tpu.yield
    }) : () -> ()
    %dma_start3A_14 = arith.constant 64 : i32
    %dma_start3A_15 = tpu.memref_slice %arg7[%dma_start3A_14] : memref<10240xi32, #tpu.memory_space<vmem>> -> memref<64xi32, #tpu.memory_space<vmem>>
    %dma_start3A_16 = arith.constant 0 : i32
    %dma_start3A_17 = arith.constant 0 : i32
    %dma_start3A_18 = tpu.memref_slice %arg2[%dma_start3A_16, %dma_start3A_17] : memref<10000x128xf32, #tpu.memory_space<hbm>> -> memref<10000x128xf32, #tpu.memory_space<hbm>>
    tpu.enqueue_indirect_dma source(%dma_start3A_18 : memref<10000x128xf32, #tpu.memory_space<hbm>>) target(%arg13 : memref<64x128xf32, #tpu.memory_space<vmem>>) offsets(%dma_start3A_15 : memref<64xi32, #tpu.memory_space<vmem>>) semaphore(%arg18 : memref<!tpu.dma_semaphore, #tpu.memory_space<semaphore_mem>>)
    %scan3A = arith.constant 0 : i32
    %scan3A_19 = arith.constant 0 : i32
    %scan3A_20 = arith.constant 40 : i32
    %scan3A_21 = arith.addi %scan3A_19, %scan3A_20 : i32
    %scan3A_22 = arith.constant 1 : i32
    scf.for %scan3A_48 = %scan3A_19 to %scan3A_21 step %scan3A_22  : i32 {
      %mul3A_49 = arith.constant 4 : i32
      %mul3A_50 = arith.muli %scan3A_48, %mul3A_49 : i32
      %add3A_51 = arith.constant 0 : i32
      %add3A_52 = arith.addi %mul3A_50, %add3A_51 : i32
      %add3A_53 = arith.constant 2 : i32
      %add3A_54 = arith.addi %add3A_52, %add3A_53 : i32
      %lt3A = arith.constant 160 : i32
      %lt3A_55 = arith.cmpi slt, %add3A_54, %lt3A : i32
      %convert_element_type3A = arith.extui %lt3A_55 : i1 to i32
      %cond3A = arith.constant 0 : i32
      %cond3A_56 = arith.cmpi ne, %convert_element_type3A, %cond3A : i32
      scf.if %cond3A_56 {
        %ge3A = arith.constant 2 : i32
        %ge3A_126 = arith.cmpi sge, %add3A_52, %ge3A : i32
        %convert_element_type3A_127 = arith.extui %ge3A_126 : i1 to i32
        %cond3A_128 = arith.constant 0 : i32
        %cond3A_129 = arith.cmpi ne, %convert_element_type3A_127, %cond3A_128 : i32
        scf.if %cond3A_129 {
          %dma_wait3A_141 = arith.constant 0 : i32
          %dma_wait3A_142 = arith.constant 0 : i32
          %dma_wait3A_143 = tpu.memref_slice %arg5[%dma_wait3A_141, %dma_wait3A_142] : memref<10112x128xf32, #tpu.memory_space<hbm>> -> memref<64x128xf32, #tpu.memory_space<hbm>>
          %dma_wait3A_144 = arith.constant 0 : i32
          %dma_wait3A_145 = arith.constant 0 : i32
          %dma_wait3A_146 = tpu.memref_slice %arg5[%dma_wait3A_144, %dma_wait3A_145] : memref<10112x128xf32, #tpu.memory_space<hbm>> -> memref<64x128xf32, #tpu.memory_space<hbm>>
          tpu.wait_dma2 semaphore(%arg23 : memref<!tpu.dma_semaphore, #tpu.memory_space<semaphore_mem>>) src(%dma_wait3A_146 : memref<64x128xf32, #tpu.memory_space<hbm>>) dst(%arg14 : memref<64x128xf32, #tpu.memory_space<vmem>>)
        } else {
        }
        %mul3A_130 = arith.constant 64 : i32
        %mul3A_131 = arith.muli %add3A_54, %mul3A_130 : i32
        %add3A_132 = arith.addi %mul3A_4, %mul3A_131 : i32
        %multiple_of3A_133 = tpu.assume_multiple %add3A_132, 8 : i32
        "tpu.region"() ({
          %run_scoped3A = tpu.sem_alloc : memref<!tpu.dma_semaphore, #tpu.memory_space<semaphore_mem>>
          %dma_start3A_141 = tpu.memref_slice %arg4[%multiple_of3A_133] : memref<327680xi32, #tpu.memory_space<hbm>> -> memref<64xi32, #tpu.memory_space<hbm>>
          %dma_start3A_142 = tpu.memref_slice %arg4[%multiple_of3A_133] : memref<327680xi32, #tpu.memory_space<hbm>> -> memref<64xi32, #tpu.memory_space<hbm>>
          tpu.enqueue_dma source(%dma_start3A_142 : memref<64xi32, #tpu.memory_space<hbm>>) target(%arg10 : memref<64xi32, #tpu.memory_space<vmem>>) target_semaphore(%run_scoped3A : memref<!tpu.dma_semaphore, #tpu.memory_space<semaphore_mem>>)
          %dma_wait3A_143 = tpu.memref_slice %arg4[%multiple_of3A_133] : memref<327680xi32, #tpu.memory_space<hbm>> -> memref<64xi32, #tpu.memory_space<hbm>>
          %dma_wait3A_144 = tpu.memref_slice %arg4[%multiple_of3A_133] : memref<327680xi32, #tpu.memory_space<hbm>> -> memref<64xi32, #tpu.memory_space<hbm>>
          tpu.wait_dma2 semaphore(%run_scoped3A : memref<!tpu.dma_semaphore, #tpu.memory_space<semaphore_mem>>) src(%dma_wait3A_144 : memref<64xi32, #tpu.memory_space<hbm>>) dst(%arg10 : memref<64xi32, #tpu.memory_space<vmem>>)
          tpu.yield
        }) : () -> ()
        %mul3A_134 = arith.constant 64 : i32
        %mul3A_135 = arith.muli %add3A_54, %mul3A_134 : i32
        %multiple_of3A_136 = tpu.assume_multiple %mul3A_135, 8 : i32
        %dma_start3A_137 = tpu.memref_slice %arg7[%multiple_of3A_136] : memref<10240xi32, #tpu.memory_space<vmem>> -> memref<64xi32, #tpu.memory_space<vmem>>
        %dma_start3A_138 = arith.constant 0 : i32
        %dma_start3A_139 = arith.constant 0 : i32
        %dma_start3A_140 = tpu.memref_slice %arg2[%dma_start3A_138, %dma_start3A_139] : memref<10000x128xf32, #tpu.memory_space<hbm>> -> memref<10000x128xf32, #tpu.memory_space<hbm>>
        tpu.enqueue_indirect_dma source(%dma_start3A_140 : memref<10000x128xf32, #tpu.memory_space<hbm>>) target(%arg14 : memref<64x128xf32, #tpu.memory_space<vmem>>) offsets(%dma_start3A_137 : memref<64xi32, #tpu.memory_space<vmem>>) semaphore(%arg19 : memref<!tpu.dma_semaphore, #tpu.memory_space<semaphore_mem>>)
      } else {
      }
      %dma_wait3A_57 = arith.constant 0 : i32
      %dma_wait3A_58 = arith.constant 0 : i32
      %dma_wait3A_59 = tpu.memref_slice %arg5[%dma_wait3A_57, %dma_wait3A_58] : memref<10112x128xf32, #tpu.memory_space<hbm>> -> memref<64x128xf32, #tpu.memory_space<hbm>>
      %dma_wait3A_60 = arith.constant 0 : i32
      %dma_wait3A_61 = arith.constant 0 : i32
      %dma_wait3A_62 = tpu.memref_slice %arg5[%dma_wait3A_60, %dma_wait3A_61] : memref<10112x128xf32, #tpu.memory_space<hbm>> -> memref<64x128xf32, #tpu.memory_space<hbm>>
      tpu.wait_dma2 semaphore(%arg17 : memref<!tpu.dma_semaphore, #tpu.memory_space<semaphore_mem>>) src(%dma_wait3A_62 : memref<64x128xf32, #tpu.memory_space<hbm>>) dst(%arg12 : memref<64x128xf32, #tpu.memory_space<vmem>>)
      %dma_start3A_63 = arith.constant 0 : i32
      %dma_start3A_64 = arith.constant 0 : i32
      %dma_start3A_65 = tpu.memref_slice %arg16[%dma_start3A_63, %dma_start3A_64] : memref<10112x128xf32, #tpu.memory_space<vmem_shared>> -> memref<10112x128xf32, #tpu.memory_space<vmem_shared>>
      tpu.enqueue_indirect_dma source(%arg12 : memref<64x128xf32, #tpu.memory_space<vmem>>) target(%dma_start3A_65 : memref<10112x128xf32, #tpu.memory_space<vmem_shared>>) offsets(%arg8 : memref<64xi32, #tpu.memory_space<vmem>>) semaphore(%arg21 : memref<!tpu.dma_semaphore, #tpu.memory_space<semaphore_mem>>) {add = true}
      %mul3A_66 = arith.constant 4 : i32
      %mul3A_67 = arith.muli %scan3A_48, %mul3A_66 : i32
      %add3A_68 = arith.constant 1 : i32
      %add3A_69 = arith.addi %mul3A_67, %add3A_68 : i32
      %add3A_70 = arith.constant 2 : i32
      %add3A_71 = arith.addi %add3A_69, %add3A_70 : i32
      %lt3A_72 = arith.constant 160 : i32
      %lt3A_73 = arith.cmpi slt, %add3A_71, %lt3A_72 : i32
      %convert_element_type3A_74 = arith.extui %lt3A_73 : i1 to i32
      %cond3A_75 = arith.constant 0 : i32
      %cond3A_76 = arith.cmpi ne, %convert_element_type3A_74, %cond3A_75 : i32
      scf.if %cond3A_76 {
        %ge3A = arith.constant 2 : i32
        %ge3A_126 = arith.cmpi sge, %add3A_69, %ge3A : i32
        %convert_element_type3A_127 = arith.extui %ge3A_126 : i1 to i32
        %cond3A_128 = arith.constant 0 : i32
        %cond3A_129 = arith.cmpi ne, %convert_element_type3A_127, %cond3A_128 : i32
        scf.if %cond3A_129 {
          %dma_wait3A_141 = arith.constant 0 : i32
          %dma_wait3A_142 = arith.constant 0 : i32
          %dma_wait3A_143 = tpu.memref_slice %arg5[%dma_wait3A_141, %dma_wait3A_142] : memref<10112x128xf32, #tpu.memory_space<hbm>> -> memref<64x128xf32, #tpu.memory_space<hbm>>
          %dma_wait3A_144 = arith.constant 0 : i32
          %dma_wait3A_145 = arith.constant 0 : i32
          %dma_wait3A_146 = tpu.memref_slice %arg5[%dma_wait3A_144, %dma_wait3A_145] : memref<10112x128xf32, #tpu.memory_space<hbm>> -> memref<64x128xf32, #tpu.memory_space<hbm>>
          tpu.wait_dma2 semaphore(%arg24 : memref<!tpu.dma_semaphore, #tpu.memory_space<semaphore_mem>>) src(%dma_wait3A_146 : memref<64x128xf32, #tpu.memory_space<hbm>>) dst(%arg15 : memref<64x128xf32, #tpu.memory_space<vmem>>)
        } else {
        }
        %mul3A_130 = arith.constant 64 : i32
        %mul3A_131 = arith.muli %add3A_71, %mul3A_130 : i32
        %add3A_132 = arith.addi %mul3A_4, %mul3A_131 : i32
        %multiple_of3A_133 = tpu.assume_multiple %add3A_132, 8 : i32
        "tpu.region"() ({
          %run_scoped3A = tpu.sem_alloc : memref<!tpu.dma_semaphore, #tpu.memory_space<semaphore_mem>>
          %dma_start3A_141 = tpu.memref_slice %arg4[%multiple_of3A_133] : memref<327680xi32, #tpu.memory_space<hbm>> -> memref<64xi32, #tpu.memory_space<hbm>>
          %dma_start3A_142 = tpu.memref_slice %arg4[%multiple_of3A_133] : memref<327680xi32, #tpu.memory_space<hbm>> -> memref<64xi32, #tpu.memory_space<hbm>>
          tpu.enqueue_dma source(%dma_start3A_142 : memref<64xi32, #tpu.memory_space<hbm>>) target(%arg11 : memref<64xi32, #tpu.memory_space<vmem>>) target_semaphore(%run_scoped3A : memref<!tpu.dma_semaphore, #tpu.memory_space<semaphore_mem>>)
          %dma_wait3A_143 = tpu.memref_slice %arg4[%multiple_of3A_133] : memref<327680xi32, #tpu.memory_space<hbm>> -> memref<64xi32, #tpu.memory_space<hbm>>
          %dma_wait3A_144 = tpu.memref_slice %arg4[%multiple_of3A_133] : memref<327680xi32, #tpu.memory_space<hbm>> -> memref<64xi32, #tpu.memory_space<hbm>>
          tpu.wait_dma2 semaphore(%run_scoped3A : memref<!tpu.dma_semaphore, #tpu.memory_space<semaphore_mem>>) src(%dma_wait3A_144 : memref<64xi32, #tpu.memory_space<hbm>>) dst(%arg11 : memref<64xi32, #tpu.memory_space<vmem>>)
          tpu.yield
        }) : () -> ()
        %mul3A_134 = arith.constant 64 : i32
        %mul3A_135 = arith.muli %add3A_71, %mul3A_134 : i32
        %multiple_of3A_136 = tpu.assume_multiple %mul3A_135, 8 : i32
        %dma_start3A_137 = tpu.memref_slice %arg7[%multiple_of3A_136] : memref<10240xi32, #tpu.memory_space<vmem>> -> memref<64xi32, #tpu.memory_space<vmem>>
        %dma_start3A_138 = arith.constant 0 : i32
        %dma_start3A_139 = arith.constant 0 : i32
        %dma_start3A_140 = tpu.memref_slice %arg2[%dma_start3A_138, %dma_start3A_139] : memref<10000x128xf32, #tpu.memory_space<hbm>> -> memref<10000x128xf32, #tpu.memory_space<hbm>>
        tpu.enqueue_indirect_dma source(%dma_start3A_140 : memref<10000x128xf32, #tpu.memory_space<hbm>>) target(%arg15 : memref<64x128xf32, #tpu.memory_space<vmem>>) offsets(%dma_start3A_137 : memref<64xi32, #tpu.memory_space<vmem>>) semaphore(%arg20 : memref<!tpu.dma_semaphore, #tpu.memory_space<semaphore_mem>>)
      } else {
      }
      %dma_wait3A_77 = arith.constant 0 : i32
      %dma_wait3A_78 = arith.constant 0 : i32
      %dma_wait3A_79 = tpu.memref_slice %arg5[%dma_wait3A_77, %dma_wait3A_78] : memref<10112x128xf32, #tpu.memory_space<hbm>> -> memref<64x128xf32, #tpu.memory_space<hbm>>
      %dma_wait3A_80 = arith.constant 0 : i32
      %dma_wait3A_81 = arith.constant 0 : i32
      %dma_wait3A_82 = tpu.memref_slice %arg5[%dma_wait3A_80, %dma_wait3A_81] : memref<10112x128xf32, #tpu.memory_space<hbm>> -> memref<64x128xf32, #tpu.memory_space<hbm>>
      tpu.wait_dma2 semaphore(%arg18 : memref<!tpu.dma_semaphore, #tpu.memory_space<semaphore_mem>>) src(%dma_wait3A_82 : memref<64x128xf32, #tpu.memory_space<hbm>>) dst(%arg13 : memref<64x128xf32, #tpu.memory_space<vmem>>)
      %dma_start3A_83 = arith.constant 0 : i32
      %dma_start3A_84 = arith.constant 0 : i32
      %dma_start3A_85 = tpu.memref_slice %arg16[%dma_start3A_83, %dma_start3A_84] : memref<10112x128xf32, #tpu.memory_space<vmem_shared>> -> memref<10112x128xf32, #tpu.memory_space<vmem_shared>>
      tpu.enqueue_indirect_dma source(%arg13 : memref<64x128xf32, #tpu.memory_space<vmem>>) target(%dma_start3A_85 : memref<10112x128xf32, #tpu.memory_space<vmem_shared>>) offsets(%arg9 : memref<64xi32, #tpu.memory_space<vmem>>) semaphore(%arg22 : memref<!tpu.dma_semaphore, #tpu.memory_space<semaphore_mem>>) {add = true}
      %mul3A_86 = arith.constant 4 : i32
      %mul3A_87 = arith.muli %scan3A_48, %mul3A_86 : i32
      %add3A_88 = arith.constant 2 : i32
      %add3A_89 = arith.addi %mul3A_87, %add3A_88 : i32
      %add3A_90 = arith.constant 2 : i32
      %add3A_91 = arith.addi %add3A_89, %add3A_90 : i32
      %lt3A_92 = arith.constant 160 : i32
      %lt3A_93 = arith.cmpi slt, %add3A_91, %lt3A_92 : i32
      %convert_element_type3A_94 = arith.extui %lt3A_93 : i1 to i32
      %cond3A_95 = arith.constant 0 : i32
      %cond3A_96 = arith.cmpi ne, %convert_element_type3A_94, %cond3A_95 : i32
      scf.if %cond3A_96 {
        %ge3A = arith.constant 2 : i32
        %ge3A_126 = arith.cmpi sge, %add3A_89, %ge3A : i32
        %convert_element_type3A_127 = arith.extui %ge3A_126 : i1 to i32
        %cond3A_128 = arith.constant 0 : i32
        %cond3A_129 = arith.cmpi ne, %convert_element_type3A_127, %cond3A_128 : i32
        scf.if %cond3A_129 {
          %dma_wait3A_141 = arith.constant 0 : i32
          %dma_wait3A_142 = arith.constant 0 : i32
          %dma_wait3A_143 = tpu.memref_slice %arg5[%dma_wait3A_141, %dma_wait3A_142] : memref<10112x128xf32, #tpu.memory_space<hbm>> -> memref<64x128xf32, #tpu.memory_space<hbm>>
          %dma_wait3A_144 = arith.constant 0 : i32
          %dma_wait3A_145 = arith.constant 0 : i32
          %dma_wait3A_146 = tpu.memref_slice %arg5[%dma_wait3A_144, %dma_wait3A_145] : memref<10112x128xf32, #tpu.memory_space<hbm>> -> memref<64x128xf32, #tpu.memory_space<hbm>>
          tpu.wait_dma2 semaphore(%arg21 : memref<!tpu.dma_semaphore, #tpu.memory_space<semaphore_mem>>) src(%dma_wait3A_146 : memref<64x128xf32, #tpu.memory_space<hbm>>) dst(%arg12 : memref<64x128xf32, #tpu.memory_space<vmem>>)
        } else {
        }
        %mul3A_130 = arith.constant 64 : i32
        %mul3A_131 = arith.muli %add3A_91, %mul3A_130 : i32
        %add3A_132 = arith.addi %mul3A_4, %mul3A_131 : i32
        %multiple_of3A_133 = tpu.assume_multiple %add3A_132, 8 : i32
        "tpu.region"() ({
          %run_scoped3A = tpu.sem_alloc : memref<!tpu.dma_semaphore, #tpu.memory_space<semaphore_mem>>
          %dma_start3A_141 = tpu.memref_slice %arg4[%multiple_of3A_133] : memref<327680xi32, #tpu.memory_space<hbm>> -> memref<64xi32, #tpu.memory_space<hbm>>
          %dma_start3A_142 = tpu.memref_slice %arg4[%multiple_of3A_133] : memref<327680xi32, #tpu.memory_space<hbm>> -> memref<64xi32, #tpu.memory_space<hbm>>
          tpu.enqueue_dma source(%dma_start3A_142 : memref<64xi32, #tpu.memory_space<hbm>>) target(%arg8 : memref<64xi32, #tpu.memory_space<vmem>>) target_semaphore(%run_scoped3A : memref<!tpu.dma_semaphore, #tpu.memory_space<semaphore_mem>>)
          %dma_wait3A_143 = tpu.memref_slice %arg4[%multiple_of3A_133] : memref<327680xi32, #tpu.memory_space<hbm>> -> memref<64xi32, #tpu.memory_space<hbm>>
          %dma_wait3A_144 = tpu.memref_slice %arg4[%multiple_of3A_133] : memref<327680xi32, #tpu.memory_space<hbm>> -> memref<64xi32, #tpu.memory_space<hbm>>
          tpu.wait_dma2 semaphore(%run_scoped3A : memref<!tpu.dma_semaphore, #tpu.memory_space<semaphore_mem>>) src(%dma_wait3A_144 : memref<64xi32, #tpu.memory_space<hbm>>) dst(%arg8 : memref<64xi32, #tpu.memory_space<vmem>>)
          tpu.yield
        }) : () -> ()
        %mul3A_134 = arith.constant 64 : i32
        %mul3A_135 = arith.muli %add3A_91, %mul3A_134 : i32
        %multiple_of3A_136 = tpu.assume_multiple %mul3A_135, 8 : i32
        %dma_start3A_137 = tpu.memref_slice %arg7[%multiple_of3A_136] : memref<10240xi32, #tpu.memory_space<vmem>> -> memref<64xi32, #tpu.memory_space<vmem>>
        %dma_start3A_138 = arith.constant 0 : i32
        %dma_start3A_139 = arith.constant 0 : i32
        %dma_start3A_140 = tpu.memref_slice %arg2[%dma_start3A_138, %dma_start3A_139] : memref<10000x128xf32, #tpu.memory_space<hbm>> -> memref<10000x128xf32, #tpu.memory_space<hbm>>
        tpu.enqueue_indirect_dma source(%dma_start3A_140 : memref<10000x128xf32, #tpu.memory_space<hbm>>) target(%arg12 : memref<64x128xf32, #tpu.memory_space<vmem>>) offsets(%dma_start3A_137 : memref<64xi32, #tpu.memory_space<vmem>>) semaphore(%arg17 : memref<!tpu.dma_semaphore, #tpu.memory_space<semaphore_mem>>)
      } else {
      }
      %dma_wait3A_97 = arith.constant 0 : i32
      %dma_wait3A_98 = arith.constant 0 : i32
      %dma_wait3A_99 = tpu.memref_slice %arg5[%dma_wait3A_97, %dma_wait3A_98] : memref<10112x128xf32, #tpu.memory_space<hbm>> -> memref<64x128xf32, #tpu.memory_space<hbm>>
      %dma_wait3A_100 = arith.constant 0 : i32
      %dma_wait3A_101 = arith.constant 0 : i32
      %dma_wait3A_102 = tpu.memref_slice %arg5[%dma_wait3A_100, %dma_wait3A_101] : memref<10112x128xf32, #tpu.memory_space<hbm>> -> memref<64x128xf32, #tpu.memory_space<hbm>>
      tpu.wait_dma2 semaphore(%arg19 : memref<!tpu.dma_semaphore, #tpu.memory_space<semaphore_mem>>) src(%dma_wait3A_102 : memref<64x128xf32, #tpu.memory_space<hbm>>) dst(%arg14 : memref<64x128xf32, #tpu.memory_space<vmem>>)
      %dma_start3A_103 = arith.constant 0 : i32
      %dma_start3A_104 = arith.constant 0 : i32
      %dma_start3A_105 = tpu.memref_slice %arg16[%dma_start3A_103, %dma_start3A_104] : memref<10112x128xf32, #tpu.memory_space<vmem_shared>> -> memref<10112x128xf32, #tpu.memory_space<vmem_shared>>
      tpu.enqueue_indirect_dma source(%arg14 : memref<64x128xf32, #tpu.memory_space<vmem>>) target(%dma_start3A_105 : memref<10112x128xf32, #tpu.memory_space<vmem_shared>>) offsets(%arg10 : memref<64xi32, #tpu.memory_space<vmem>>) semaphore(%arg23 : memref<!tpu.dma_semaphore, #tpu.memory_space<semaphore_mem>>) {add = true}
      %mul3A_106 = arith.constant 4 : i32
      %mul3A_107 = arith.muli %scan3A_48, %mul3A_106 : i32
      %add3A_108 = arith.constant 3 : i32
      %add3A_109 = arith.addi %mul3A_107, %add3A_108 : i32
      %add3A_110 = arith.constant 2 : i32
      %add3A_111 = arith.addi %add3A_109, %add3A_110 : i32
      %lt3A_112 = arith.constant 160 : i32
      %lt3A_113 = arith.cmpi slt, %add3A_111, %lt3A_112 : i32
      %convert_element_type3A_114 = arith.extui %lt3A_113 : i1 to i32
      %cond3A_115 = arith.constant 0 : i32
      %cond3A_116 = arith.cmpi ne, %convert_element_type3A_114, %cond3A_115 : i32
      scf.if %cond3A_116 {
        %ge3A = arith.constant 2 : i32
        %ge3A_126 = arith.cmpi sge, %add3A_109, %ge3A : i32
        %convert_element_type3A_127 = arith.extui %ge3A_126 : i1 to i32
        %cond3A_128 = arith.constant 0 : i32
        %cond3A_129 = arith.cmpi ne, %convert_element_type3A_127, %cond3A_128 : i32
        scf.if %cond3A_129 {
          %dma_wait3A_141 = arith.constant 0 : i32
          %dma_wait3A_142 = arith.constant 0 : i32
          %dma_wait3A_143 = tpu.memref_slice %arg5[%dma_wait3A_141, %dma_wait3A_142] : memref<10112x128xf32, #tpu.memory_space<hbm>> -> memref<64x128xf32, #tpu.memory_space<hbm>>
          %dma_wait3A_144 = arith.constant 0 : i32
          %dma_wait3A_145 = arith.constant 0 : i32
          %dma_wait3A_146 = tpu.memref_slice %arg5[%dma_wait3A_144, %dma_wait3A_145] : memref<10112x128xf32, #tpu.memory_space<hbm>> -> memref<64x128xf32, #tpu.memory_space<hbm>>
          tpu.wait_dma2 semaphore(%arg22 : memref<!tpu.dma_semaphore, #tpu.memory_space<semaphore_mem>>) src(%dma_wait3A_146 : memref<64x128xf32, #tpu.memory_space<hbm>>) dst(%arg13 : memref<64x128xf32, #tpu.memory_space<vmem>>)
        } else {
        }
        %mul3A_130 = arith.constant 64 : i32
        %mul3A_131 = arith.muli %add3A_111, %mul3A_130 : i32
        %add3A_132 = arith.addi %mul3A_4, %mul3A_131 : i32
        %multiple_of3A_133 = tpu.assume_multiple %add3A_132, 8 : i32
        "tpu.region"() ({
          %run_scoped3A = tpu.sem_alloc : memref<!tpu.dma_semaphore, #tpu.memory_space<semaphore_mem>>
          %dma_start3A_141 = tpu.memref_slice %arg4[%multiple_of3A_133] : memref<327680xi32, #tpu.memory_space<hbm>> -> memref<64xi32, #tpu.memory_space<hbm>>
          %dma_start3A_142 = tpu.memref_slice %arg4[%multiple_of3A_133] : memref<327680xi32, #tpu.memory_space<hbm>> -> memref<64xi32, #tpu.memory_space<hbm>>
          tpu.enqueue_dma source(%dma_start3A_142 : memref<64xi32, #tpu.memory_space<hbm>>) target(%arg9 : memref<64xi32, #tpu.memory_space<vmem>>) target_semaphore(%run_scoped3A : memref<!tpu.dma_semaphore, #tpu.memory_space<semaphore_mem>>)
          %dma_wait3A_143 = tpu.memref_slice %arg4[%multiple_of3A_133] : memref<327680xi32, #tpu.memory_space<hbm>> -> memref<64xi32, #tpu.memory_space<hbm>>
          %dma_wait3A_144 = tpu.memref_slice %arg4[%multiple_of3A_133] : memref<327680xi32, #tpu.memory_space<hbm>> -> memref<64xi32, #tpu.memory_space<hbm>>
          tpu.wait_dma2 semaphore(%run_scoped3A : memref<!tpu.dma_semaphore, #tpu.memory_space<semaphore_mem>>) src(%dma_wait3A_144 : memref<64xi32, #tpu.memory_space<hbm>>) dst(%arg9 : memref<64xi32, #tpu.memory_space<vmem>>)
          tpu.yield
        }) : () -> ()
        %mul3A_134 = arith.constant 64 : i32
        %mul3A_135 = arith.muli %add3A_111, %mul3A_134 : i32
        %multiple_of3A_136 = tpu.assume_multiple %mul3A_135, 8 : i32
        %dma_start3A_137 = tpu.memref_slice %arg7[%multiple_of3A_136] : memref<10240xi32, #tpu.memory_space<vmem>> -> memref<64xi32, #tpu.memory_space<vmem>>
        %dma_start3A_138 = arith.constant 0 : i32
        %dma_start3A_139 = arith.constant 0 : i32
        %dma_start3A_140 = tpu.memref_slice %arg2[%dma_start3A_138, %dma_start3A_139] : memref<10000x128xf32, #tpu.memory_space<hbm>> -> memref<10000x128xf32, #tpu.memory_space<hbm>>
        tpu.enqueue_indirect_dma source(%dma_start3A_140 : memref<10000x128xf32, #tpu.memory_space<hbm>>) target(%arg13 : memref<64x128xf32, #tpu.memory_space<vmem>>) offsets(%dma_start3A_137 : memref<64xi32, #tpu.memory_space<vmem>>) semaphore(%arg18 : memref<!tpu.dma_semaphore, #tpu.memory_space<semaphore_mem>>)
      } else {
      }
      %dma_wait3A_117 = arith.constant 0 : i32
      %dma_wait3A_118 = arith.constant 0 : i32
      %dma_wait3A_119 = tpu.memref_slice %arg5[%dma_wait3A_117, %dma_wait3A_118] : memref<10112x128xf32, #tpu.memory_space<hbm>> -> memref<64x128xf32, #tpu.memory_space<hbm>>
      %dma_wait3A_120 = arith.constant 0 : i32
      %dma_wait3A_121 = arith.constant 0 : i32
      %dma_wait3A_122 = tpu.memref_slice %arg5[%dma_wait3A_120, %dma_wait3A_121] : memref<10112x128xf32, #tpu.memory_space<hbm>> -> memref<64x128xf32, #tpu.memory_space<hbm>>
      tpu.wait_dma2 semaphore(%arg20 : memref<!tpu.dma_semaphore, #tpu.memory_space<semaphore_mem>>) src(%dma_wait3A_122 : memref<64x128xf32, #tpu.memory_space<hbm>>) dst(%arg15 : memref<64x128xf32, #tpu.memory_space<vmem>>)
      %dma_start3A_123 = arith.constant 0 : i32
      %dma_start3A_124 = arith.constant 0 : i32
      %dma_start3A_125 = tpu.memref_slice %arg16[%dma_start3A_123, %dma_start3A_124] : memref<10112x128xf32, #tpu.memory_space<vmem_shared>> -> memref<10112x128xf32, #tpu.memory_space<vmem_shared>>
      tpu.enqueue_indirect_dma source(%arg15 : memref<64x128xf32, #tpu.memory_space<vmem>>) target(%dma_start3A_125 : memref<10112x128xf32, #tpu.memory_space<vmem_shared>>) offsets(%arg11 : memref<64xi32, #tpu.memory_space<vmem>>) semaphore(%arg24 : memref<!tpu.dma_semaphore, #tpu.memory_space<semaphore_mem>>) {add = true}
    }
    %scan3A_23 = arith.constant 40 : i32
    %dma_wait3A = arith.constant 0 : i32
    %dma_wait3A_24 = arith.constant 0 : i32
    %dma_wait3A_25 = tpu.memref_slice %arg5[%dma_wait3A, %dma_wait3A_24] : memref<10112x128xf32, #tpu.memory_space<hbm>> -> memref<64x128xf32, #tpu.memory_space<hbm>>
    %dma_wait3A_26 = arith.constant 0 : i32
    %dma_wait3A_27 = arith.constant 0 : i32
    %dma_wait3A_28 = tpu.memref_slice %arg5[%dma_wait3A_26, %dma_wait3A_27] : memref<10112x128xf32, #tpu.memory_space<hbm>> -> memref<64x128xf32, #tpu.memory_space<hbm>>
    tpu.wait_dma2 semaphore(%arg21 : memref<!tpu.dma_semaphore, #tpu.memory_space<semaphore_mem>>) src(%dma_wait3A_28 : memref<64x128xf32, #tpu.memory_space<hbm>>) dst(%arg12 : memref<64x128xf32, #tpu.memory_space<vmem>>)
    %dma_wait3A_29 = arith.constant 0 : i32
    %dma_wait3A_30 = arith.constant 0 : i32
    %dma_wait3A_31 = tpu.memref_slice %arg5[%dma_wait3A_29, %dma_wait3A_30] : memref<10112x128xf32, #tpu.memory_space<hbm>> -> memref<64x128xf32, #tpu.memory_space<hbm>>
    %dma_wait3A_32 = arith.constant 0 : i32
    %dma_wait3A_33 = arith.constant 0 : i32
    %dma_wait3A_34 = tpu.memref_slice %arg5[%dma_wait3A_32, %dma_wait3A_33] : memref<10112x128xf32, #tpu.memory_space<hbm>> -> memref<64x128xf32, #tpu.memory_space<hbm>>
    tpu.wait_dma2 semaphore(%arg22 : memref<!tpu.dma_semaphore, #tpu.memory_space<semaphore_mem>>) src(%dma_wait3A_34 : memref<64x128xf32, #tpu.memory_space<hbm>>) dst(%arg13 : memref<64x128xf32, #tpu.memory_space<vmem>>)
    %dma_wait3A_35 = arith.constant 0 : i32
    %dma_wait3A_36 = arith.constant 0 : i32
    %dma_wait3A_37 = tpu.memref_slice %arg5[%dma_wait3A_35, %dma_wait3A_36] : memref<10112x128xf32, #tpu.memory_space<hbm>> -> memref<64x128xf32, #tpu.memory_space<hbm>>
    %dma_wait3A_38 = arith.constant 0 : i32
    %dma_wait3A_39 = arith.constant 0 : i32
    %dma_wait3A_40 = tpu.memref_slice %arg5[%dma_wait3A_38, %dma_wait3A_39] : memref<10112x128xf32, #tpu.memory_space<hbm>> -> memref<64x128xf32, #tpu.memory_space<hbm>>
    tpu.wait_dma2 semaphore(%arg23 : memref<!tpu.dma_semaphore, #tpu.memory_space<semaphore_mem>>) src(%dma_wait3A_40 : memref<64x128xf32, #tpu.memory_space<hbm>>) dst(%arg14 : memref<64x128xf32, #tpu.memory_space<vmem>>)
    %dma_wait3A_41 = arith.constant 0 : i32
    %dma_wait3A_42 = arith.constant 0 : i32
    %dma_wait3A_43 = tpu.memref_slice %arg5[%dma_wait3A_41, %dma_wait3A_42] : memref<10112x128xf32, #tpu.memory_space<hbm>> -> memref<64x128xf32, #tpu.memory_space<hbm>>
    %dma_wait3A_44 = arith.constant 0 : i32
    %dma_wait3A_45 = arith.constant 0 : i32
    %dma_wait3A_46 = tpu.memref_slice %arg5[%dma_wait3A_44, %dma_wait3A_45] : memref<10112x128xf32, #tpu.memory_space<hbm>> -> memref<64x128xf32, #tpu.memory_space<hbm>>
    tpu.wait_dma2 semaphore(%arg24 : memref<!tpu.dma_semaphore, #tpu.memory_space<semaphore_mem>>) src(%dma_wait3A_46 : memref<64x128xf32, #tpu.memory_space<hbm>>) dst(%arg15 : memref<64x128xf32, #tpu.memory_space<vmem>>)
    %barrier3A_47 = arith.constant 0 : index
    tpu.barrier barrier_id(%barrier3A_47)
    "tpu.region"() ({
      %run_scoped3A = tpu.sem_alloc : memref<!tpu.dma_semaphore, #tpu.memory_space<semaphore_mem>>
      %dma_start3A_48 = arith.constant 0 : i32
      %dma_start3A_49 = tpu.memref_slice %arg6[%arg0, %mul3A_2, %dma_start3A_48] : memref<2x10112x128xf32, #tpu.memory_space<hbm>> -> memref<1x632x128xf32, #tpu.memory_space<hbm>>
      %dma_start3A_50 = tpu.memref_squeeze %dma_start3A_49 : memref<1x632x128xf32, #tpu.memory_space<hbm>> -> memref<632x128xf32, #tpu.memory_space<hbm>>
      %dma_start3A_51 = arith.constant 0 : i32
      %dma_start3A_52 = tpu.memref_slice %arg16[%mul3A_2, %dma_start3A_51] : memref<10112x128xf32, #tpu.memory_space<vmem_shared>> -> memref<632x128xf32, #tpu.memory_space<vmem_shared>>
      tpu.enqueue_dma source(%dma_start3A_52 : memref<632x128xf32, #tpu.memory_space<vmem_shared>>) target(%dma_start3A_50 : memref<632x128xf32, #tpu.memory_space<hbm>>) target_semaphore(%run_scoped3A : memref<!tpu.dma_semaphore, #tpu.memory_space<semaphore_mem>>)
      %dma_wait3A_53 = arith.constant 0 : i32
      %dma_wait3A_54 = tpu.memref_slice %arg6[%arg0, %mul3A_2, %dma_wait3A_53] : memref<2x10112x128xf32, #tpu.memory_space<hbm>> -> memref<1x632x128xf32, #tpu.memory_space<hbm>>
      %dma_wait3A_55 = tpu.memref_squeeze %dma_wait3A_54 : memref<1x632x128xf32, #tpu.memory_space<hbm>> -> memref<632x128xf32, #tpu.memory_space<hbm>>
      %dma_wait3A_56 = arith.constant 0 : i32
      %dma_wait3A_57 = tpu.memref_slice %arg16[%mul3A_2, %dma_wait3A_56] : memref<10112x128xf32, #tpu.memory_space<vmem_shared>> -> memref<632x128xf32, #tpu.memory_space<vmem_shared>>
      tpu.wait_dma2 semaphore(%run_scoped3A : memref<!tpu.dma_semaphore, #tpu.memory_space<semaphore_mem>>) src(%dma_wait3A_57 : memref<632x128xf32, #tpu.memory_space<vmem_shared>>) dst(%dma_wait3A_55 : memref<632x128xf32, #tpu.memory_space<hbm>>)
      tpu.yield
    }) : () -> ()
    return
  }
}

module attributes {stable_mosaic.version = 14 : i64} {
  func.func @_prep_body(%arg0: i32, %arg1: memref<1000x128xf32, #tpu.memory_space<vmem>>, %arg2: memref<128x128xf32, #tpu.memory_space<vmem>>, %arg3: memref<1x128xf32, #tpu.memory_space<vmem>>, %arg4: memref<2x1000x128xf32, #tpu.memory_space<vmem>>, %arg5: memref<1000x128xf32, #tpu.memory_space<vmem>>, %arg6: memref<1000x128xf32, #tpu.memory_space<vmem>>, %arg7: memref<1000x1xf32, #tpu.memory_space<vmem>>, %arg8: memref<1000x1xf32, #tpu.memory_space<vmem>>) attributes {dimension_semantics = [#tpu.dimension_semantics<arbitrary>], iteration_bounds = array<i64: 10>, scalar_prefetch = 0 : i64, scratch_operands = 0 : i64, tpu.core_type = #tpu.core_type<tc>, window_params = [{transform_indices = @transform_0, window_bounds = array<i64: 1000, 128>}, {pipeline_mode = #tpu.pipeline_mode<synchronous>, transform_indices = @transform_1, window_bounds = array<i64: 128, 128>}, {pipeline_mode = #tpu.pipeline_mode<synchronous>, transform_indices = @transform_2, window_bounds = array<i64: 1, 128>}, {transform_indices = @transform_3, window_bounds = array<i64: 2, 1000, 128>}, {transform_indices = @transform_4, window_bounds = array<i64: 1000, 128>}, {transform_indices = @transform_5, window_bounds = array<i64: 1000, 128>}, {transform_indices = @transform_6, window_bounds = array<i64: 1000, 1>}, {transform_indices = @transform_7, window_bounds = array<i64: 1000, 1>}]} {
    %get3A = arith.constant 0 : index
    %get3A_0 = arith.constant 0 : index
    %get3A_1 = arith.constant 0 : index
    %get3A_2 = vector.load %arg4[%get3A, %get3A_0, %get3A_1] : memref<2x1000x128xf32, #tpu.memory_space<vmem>>, vector<1x1000x1xf32>
    %get3A_3 = vector.shape_cast %get3A_2 : vector<1x1000x1xf32> to vector<1000x1xf32>
    %add3A = arith.constant 1.000000e+00 : f32
    %add3A_4 = vector.broadcast %add3A : f32 to vector<1000x1xf32>
    %add3A_5 = arith.addf %get3A_3, %add3A_4 : vector<1000x1xf32>
    %rsqrt3A = math.rsqrt %add3A_5 : vector<1000x1xf32>
    %get3A_6 = arith.constant 1 : index
    %get3A_7 = arith.constant 0 : index
    %get3A_8 = arith.constant 0 : index
    %get3A_9 = vector.load %arg4[%get3A_6, %get3A_7, %get3A_8] : memref<2x1000x128xf32, #tpu.memory_space<vmem>>, vector<1x1000x1xf32>
    %get3A_10 = vector.shape_cast %get3A_9 : vector<1x1000x1xf32> to vector<1000x1xf32>
    %add3A_11 = arith.constant 1.000000e+00 : f32
    %add3A_12 = vector.broadcast %add3A_11 : f32 to vector<1000x1xf32>
    %add3A_13 = arith.addf %get3A_10, %add3A_12 : vector<1000x1xf32>
    %rsqrt3A_14 = math.rsqrt %add3A_13 : vector<1000x1xf32>
    %get3A_15 = arith.constant 0 : index
    %get3A_16 = arith.constant 0 : index
    %get3A_17 = vector.load %arg1[%get3A_15, %get3A_16] : memref<1000x128xf32, #tpu.memory_space<vmem>>, vector<1000x128xf32>
    %get3A_18 = arith.constant 0 : index
    %get3A_19 = arith.constant 0 : index
    %get3A_20 = vector.load %arg2[%get3A_18, %get3A_19] : memref<128x128xf32, #tpu.memory_space<vmem>>, vector<128x128xf32>
    %dot_general3A = arith.constant dense<0.000000e+00> : vector<1000x128xf32>
    %dot_general3A_21 = tpu.matmul %get3A_17, %get3A_20, %dot_general3A {dimension_numbers = #tpu.dot_dimension_numbers<[1], [0], [0], [1], [0, 0, 1, 1], [], []>, precision = #tpu.contract_precision<fp32>, transpose_lhs_hint = false} : vector<1000x128xf32>, vector<128x128xf32>, vector<1000x128xf32> -> vector<1000x128xf32>
    %get3A_22 = arith.constant 0 : index
    %get3A_23 = arith.constant 0 : index
    %get3A_24 = vector.load %arg3[%get3A_22, %get3A_23] : memref<1x128xf32, #tpu.memory_space<vmem>>, vector<1x128xf32>
    %add3A_25 = vector.broadcast %get3A_24 : vector<1x128xf32> to vector<1000x128xf32>
    %add3A_26 = arith.addf %dot_general3A_21, %add3A_25 : vector<1000x128xf32>
    %max3A = arith.constant 0.000000e+00 : f32
    %max3A_27 = vector.broadcast %max3A : f32 to vector<1000x128xf32>
    %max3A_28 = arith.maximumf %add3A_26, %max3A_27 : vector<1000x128xf32>
    %swap3A = arith.constant 0 : index
    %swap3A_29 = arith.constant 0 : index
    %swap3A_30 = vector.load %arg5[%swap3A, %swap3A_29] : memref<1000x128xf32, #tpu.memory_space<vmem>>, vector<1000x128xf32>
    tpu.vector_store %arg5[%swap3A, %swap3A_29], %max3A_28 {strides = array<i32>} : memref<1000x128xf32, #tpu.memory_space<vmem>>, vector<1000x128xf32>,
    %mul3A = vector.broadcast %rsqrt3A : vector<1000x1xf32> to vector<1000x128xf32>
    %mul3A_31 = arith.mulf %max3A_28, %mul3A : vector<1000x128xf32>
    %swap3A_32 = arith.constant 0 : index
    %swap3A_33 = arith.constant 0 : index
    %swap3A_34 = vector.load %arg6[%swap3A_32, %swap3A_33] : memref<1000x128xf32, #tpu.memory_space<vmem>>, vector<1000x128xf32>
    tpu.vector_store %arg6[%swap3A_32, %swap3A_33], %mul3A_31 {strides = array<i32>} : memref<1000x128xf32, #tpu.memory_space<vmem>>, vector<1000x128xf32>,
    %swap3A_35 = arith.constant 0 : index
    %swap3A_36 = arith.constant 0 : index
    %swap3A_37 = vector.load %arg7[%swap3A_35, %swap3A_36] : memref<1000x1xf32, #tpu.memory_space<vmem>>, vector<1000x1xf32>
    tpu.vector_store %arg7[%swap3A_35, %swap3A_36], %rsqrt3A {strides = array<i32>} : memref<1000x1xf32, #tpu.memory_space<vmem>>, vector<1000x1xf32>,
    %swap3A_38 = arith.constant 0 : index
    %swap3A_39 = arith.constant 0 : index
    %swap3A_40 = vector.load %arg8[%swap3A_38, %swap3A_39] : memref<1000x1xf32, #tpu.memory_space<vmem>>, vector<1000x1xf32>
    tpu.vector_store %arg8[%swap3A_38, %swap3A_39], %rsqrt3A_14 {strides = array<i32>} : memref<1000x1xf32, #tpu.memory_space<vmem>>, vector<1000x1xf32>,
    return
  }
  func.func @transform_0(%arg0: i32) -> (i32, i32) {
    %c0_i32 = arith.constant 0 : i32
    %c0_i32_0 = arith.constant 0 : i32
    return %arg0, %c0_i32 : i32, i32
  }
  func.func @transform_1(%arg0: i32) -> (i32, i32) {
    %c0_i32 = arith.constant 0 : i32
    %c0_i32_0 = arith.constant 0 : i32
    %c0_i32_1 = arith.constant 0 : i32
    return %c0_i32, %c0_i32_0 : i32, i32
  }
  func.func @transform_2(%arg0: i32) -> (i32, i32) {
    %c0_i32 = arith.constant 0 : i32
    %c0_i32_0 = arith.constant 0 : i32
    %c0_i32_1 = arith.constant 0 : i32
    return %c0_i32, %c0_i32_0 : i32, i32
  }
  func.func @transform_3(%arg0: i32) -> (i32, i32, i32) {
    %c0_i32 = arith.constant 0 : i32
    %c0_i32_0 = arith.constant 0 : i32
    %c0_i32_1 = arith.constant 0 : i32
    return %c0_i32, %arg0, %c0_i32_0 : i32, i32, i32
  }
  func.func @transform_4(%arg0: i32) -> (i32, i32) {
    %c0_i32 = arith.constant 0 : i32
    %c0_i32_0 = arith.constant 0 : i32
    return %arg0, %c0_i32 : i32, i32
  }
  func.func @transform_5(%arg0: i32) -> (i32, i32) {
    %c0_i32 = arith.constant 0 : i32
    %c0_i32_0 = arith.constant 0 : i32
    return %arg0, %c0_i32 : i32, i32
  }
  func.func @transform_6(%arg0: i32) -> (i32, i32) {
    %c0_i32 = arith.constant 0 : i32
    %c0_i32_0 = arith.constant 0 : i32
    return %arg0, %c0_i32 : i32, i32
  }
  func.func @transform_7(%arg0: i32) -> (i32, i32) {
    %c0_i32 = arith.constant 0 : i32
    %c0_i32_0 = arith.constant 0 : i32
    return %arg0, %c0_i32 : i32, i32
  }
}

module attributes {stable_mosaic.version = 14 : i64} {
  func.func @_rest0_body(%arg0: i32, %arg1: memref<2x1000x128xf32, #tpu.memory_space<vmem>>, %arg2: memref<1000x128xf32, #tpu.memory_space<vmem>>, %arg3: memref<1000x128xf32, #tpu.memory_space<vmem>>, %arg4: memref<1000x1xf32, #tpu.memory_space<vmem>>, %arg5: memref<1000x1xf32, #tpu.memory_space<vmem>>, %arg6: memref<128x128xf32, #tpu.memory_space<vmem>>, %arg7: memref<1x128xf32, #tpu.memory_space<vmem>>, %arg8: memref<1000x128xf32, #tpu.memory_space<vmem>>) attributes {dimension_semantics = [#tpu.dimension_semantics<arbitrary>], iteration_bounds = array<i64: 10>, scalar_prefetch = 0 : i64, scratch_operands = 0 : i64, tpu.core_type = #tpu.core_type<tc>, window_params = [{transform_indices = @transform_0, window_bounds = array<i64: 2, 1000, 128>}, {transform_indices = @transform_1, window_bounds = array<i64: 1000, 128>}, {transform_indices = @transform_2, window_bounds = array<i64: 1000, 128>}, {transform_indices = @transform_3, window_bounds = array<i64: 1000, 1>}, {transform_indices = @transform_4, window_bounds = array<i64: 1000, 1>}, {pipeline_mode = #tpu.pipeline_mode<synchronous>, transform_indices = @transform_5, window_bounds = array<i64: 128, 128>}, {pipeline_mode = #tpu.pipeline_mode<synchronous>, transform_indices = @transform_6, window_bounds = array<i64: 1, 128>}, {transform_indices = @transform_7, window_bounds = array<i64: 1000, 128>}]} {
    %get3A = arith.constant 0 : index
    %get3A_0 = arith.constant 0 : index
    %get3A_1 = arith.constant 0 : index
    %get3A_2 = vector.load %arg1[%get3A, %get3A_0, %get3A_1] : memref<2x1000x128xf32, #tpu.memory_space<vmem>>, vector<1x1000x128xf32>
    %get3A_3 = vector.shape_cast %get3A_2 : vector<1x1000x128xf32> to vector<1000x128xf32>
    %get3A_4 = arith.constant 1 : index
    %get3A_5 = arith.constant 0 : index
    %get3A_6 = arith.constant 0 : index
    %get3A_7 = vector.load %arg1[%get3A_4, %get3A_5, %get3A_6] : memref<2x1000x128xf32, #tpu.memory_space<vmem>>, vector<1x1000x128xf32>
    %get3A_8 = vector.shape_cast %get3A_7 : vector<1x1000x128xf32> to vector<1000x128xf32>
    %add3A = arith.addf %get3A_3, %get3A_8 : vector<1000x128xf32>
    %get3A_9 = arith.constant 0 : index
    %get3A_10 = arith.constant 0 : index
    %get3A_11 = vector.load %arg2[%get3A_9, %get3A_10] : memref<1000x128xf32, #tpu.memory_space<vmem>>, vector<1000x128xf32>
    %add3A_12 = arith.addf %add3A, %get3A_11 : vector<1000x128xf32>
    %get3A_13 = arith.constant 0 : index
    %get3A_14 = arith.constant 0 : index
    %get3A_15 = vector.load %arg4[%get3A_13, %get3A_14] : memref<1000x1xf32, #tpu.memory_space<vmem>>, vector<1000x1xf32>
    %mul3A = vector.broadcast %get3A_15 : vector<1000x1xf32> to vector<1000x128xf32>
    %mul3A_16 = arith.mulf %add3A_12, %mul3A : vector<1000x128xf32>
    %get3A_17 = arith.constant 0 : index
    %get3A_18 = arith.constant 0 : index
    %get3A_19 = vector.load %arg3[%get3A_17, %get3A_18] : memref<1000x128xf32, #tpu.memory_space<vmem>>, vector<1000x128xf32>
    %add3A_20 = arith.addf %mul3A_16, %get3A_19 : vector<1000x128xf32>
    %mul3A_21 = arith.constant 5.000000e-01 : f32
    %mul3A_22 = vector.broadcast %mul3A_21 : f32 to vector<1000x128xf32>
    %mul3A_23 = arith.mulf %mul3A_22, %add3A_20 : vector<1000x128xf32>
    %mul3A_24 = arith.constant 0.306852818 : f32
    %mul3A_25 = vector.broadcast %mul3A_24 : f32 to vector<1000x128xf32>
    %mul3A_26 = arith.mulf %mul3A_25, %mul3A_23 : vector<1000x128xf32>
    %get3A_27 = arith.constant 0 : index
    %get3A_28 = arith.constant 0 : index
    %get3A_29 = vector.load %arg6[%get3A_27, %get3A_28] : memref<128x128xf32, #tpu.memory_space<vmem>>, vector<128x128xf32>
    %dot_general3A = arith.constant dense<0.000000e+00> : vector<1000x128xf32>
    %dot_general3A_30 = tpu.matmul %mul3A_23, %get3A_29, %dot_general3A {dimension_numbers = #tpu.dot_dimension_numbers<[1], [0], [0], [1], [0, 0, 1, 1], [], []>, precision = #tpu.contract_precision<fp32>, transpose_lhs_hint = false} : vector<1000x128xf32>, vector<128x128xf32>, vector<1000x128xf32> -> vector<1000x128xf32>
    %mul3A_31 = arith.constant 0.693147182 : f32
    %mul3A_32 = vector.broadcast %mul3A_31 : f32 to vector<1000x128xf32>
    %mul3A_33 = arith.mulf %mul3A_32, %dot_general3A_30 : vector<1000x128xf32>
    %add3A_34 = arith.addf %mul3A_26, %mul3A_33 : vector<1000x128xf32>
    %get3A_35 = arith.constant 0 : index
    %get3A_36 = arith.constant 0 : index
    %get3A_37 = vector.load %arg7[%get3A_35, %get3A_36] : memref<1x128xf32, #tpu.memory_space<vmem>>, vector<1x128xf32>
    %add3A_38 = vector.broadcast %get3A_37 : vector<1x128xf32> to vector<1000x128xf32>
    %add3A_39 = arith.addf %add3A_34, %add3A_38 : vector<1000x128xf32>
    %get3A_40 = arith.constant 0 : index
    %get3A_41 = arith.constant 0 : index
    %get3A_42 = vector.load %arg5[%get3A_40, %get3A_41] : memref<1000x1xf32, #tpu.memory_space<vmem>>, vector<1000x1xf32>
    %mul3A_43 = vector.broadcast %get3A_42 : vector<1000x1xf32> to vector<1000x128xf32>
    %mul3A_44 = arith.mulf %add3A_39, %mul3A_43 : vector<1000x128xf32>
    %swap3A = arith.constant 0 : index
    %swap3A_45 = arith.constant 0 : index
    %swap3A_46 = vector.load %arg8[%swap3A, %swap3A_45] : memref<1000x128xf32, #tpu.memory_space<vmem>>, vector<1000x128xf32>
    tpu.vector_store %arg8[%swap3A, %swap3A_45], %mul3A_44 {strides = array<i32>} : memref<1000x128xf32, #tpu.memory_space<vmem>>, vector<1000x128xf32>,
    return
  }
  func.func @transform_0(%arg0: i32) -> (i32, i32, i32) {
    %c0_i32 = arith.constant 0 : i32
    %c0_i32_0 = arith.constant 0 : i32
    %c0_i32_1 = arith.constant 0 : i32
    return %c0_i32, %arg0, %c0_i32_0 : i32, i32, i32
  }
  func.func @transform_1(%arg0: i32) -> (i32, i32) {
    %c0_i32 = arith.constant 0 : i32
    %c0_i32_0 = arith.constant 0 : i32
    return %arg0, %c0_i32 : i32, i32
  }
  func.func @transform_2(%arg0: i32) -> (i32, i32) {
    %c0_i32 = arith.constant 0 : i32
    %c0_i32_0 = arith.constant 0 : i32
    return %arg0, %c0_i32 : i32, i32
  }
  func.func @transform_3(%arg0: i32) -> (i32, i32) {
    %c0_i32 = arith.constant 0 : i32
    %c0_i32_0 = arith.constant 0 : i32
    return %arg0, %c0_i32 : i32, i32
  }
  func.func @transform_4(%arg0: i32) -> (i32, i32) {
    %c0_i32 = arith.constant 0 : i32
    %c0_i32_0 = arith.constant 0 : i32
    return %arg0, %c0_i32 : i32, i32
  }
  func.func @transform_5(%arg0: i32) -> (i32, i32) {
    %c0_i32 = arith.constant 0 : i32
    %c0_i32_0 = arith.constant 0 : i32
    %c0_i32_1 = arith.constant 0 : i32
    return %c0_i32, %c0_i32_0 : i32, i32
  }
  func.func @transform_6(%arg0: i32) -> (i32, i32) {
    %c0_i32 = arith.constant 0 : i32
    %c0_i32_0 = arith.constant 0 : i32
    %c0_i32_1 = arith.constant 0 : i32
    return %c0_i32, %c0_i32_0 : i32, i32
  }
  func.func @transform_7(%arg0: i32) -> (i32, i32) {
    %c0_i32 = arith.constant 0 : i32
    %c0_i32_0 = arith.constant 0 : i32
    return %arg0, %c0_i32 : i32, i32
  }
}

module attributes {stable_mosaic.version = 14 : i64} {
  func.func @_rest1_body(%arg0: i32, %arg1: memref<2x1000x128xf32, #tpu.memory_space<vmem>>, %arg2: memref<1000x128xf32, #tpu.memory_space<vmem>>, %arg3: memref<1000x128xf32, #tpu.memory_space<vmem>>, %arg4: memref<1000x1xf32, #tpu.memory_space<vmem>>, %arg5: memref<128x128xf32, #tpu.memory_space<vmem>>, %arg6: memref<1x128xf32, #tpu.memory_space<vmem>>, %arg7: memref<128x128xf32, #tpu.memory_space<vmem>>, %arg8: memref<1x128xf32, #tpu.memory_space<vmem>>, %arg9: memref<1000x128xf32, #tpu.memory_space<vmem>>) attributes {dimension_semantics = [#tpu.dimension_semantics<arbitrary>], iteration_bounds = array<i64: 10>, scalar_prefetch = 0 : i64, scratch_operands = 0 : i64, tpu.core_type = #tpu.core_type<tc>, window_params = [{transform_indices = @transform_0, window_bounds = array<i64: 2, 1000, 128>}, {transform_indices = @transform_1, window_bounds = array<i64: 1000, 128>}, {transform_indices = @transform_2, window_bounds = array<i64: 1000, 128>}, {transform_indices = @transform_3, window_bounds = array<i64: 1000, 1>}, {pipeline_mode = #tpu.pipeline_mode<synchronous>, transform_indices = @transform_4, window_bounds = array<i64: 128, 128>}, {pipeline_mode = #tpu.pipeline_mode<synchronous>, transform_indices = @transform_5, window_bounds = array<i64: 1, 128>}, {pipeline_mode = #tpu.pipeline_mode<synchronous>, transform_indices = @transform_6, window_bounds = array<i64: 128, 128>}, {pipeline_mode = #tpu.pipeline_mode<synchronous>, transform_indices = @transform_7, window_bounds = array<i64: 1, 128>}, {transform_indices = @transform_8, window_bounds = array<i64: 1000, 128>}]} {
    %get3A = arith.constant 0 : index
    %get3A_0 = arith.constant 0 : index
    %get3A_1 = arith.constant 0 : index
    %get3A_2 = vector.load %arg1[%get3A, %get3A_0, %get3A_1] : memref<2x1000x128xf32, #tpu.memory_space<vmem>>, vector<1x1000x128xf32>
    %get3A_3 = vector.shape_cast %get3A_2 : vector<1x1000x128xf32> to vector<1000x128xf32>
    %get3A_4 = arith.constant 1 : index
    %get3A_5 = arith.constant 0 : index
    %get3A_6 = arith.constant 0 : index
    %get3A_7 = vector.load %arg1[%get3A_4, %get3A_5, %get3A_6] : memref<2x1000x128xf32, #tpu.memory_space<vmem>>, vector<1x1000x128xf32>
    %get3A_8 = vector.shape_cast %get3A_7 : vector<1x1000x128xf32> to vector<1000x128xf32>
    %add3A = arith.addf %get3A_3, %get3A_8 : vector<1000x128xf32>
    %get3A_9 = arith.constant 0 : index
    %get3A_10 = arith.constant 0 : index
    %get3A_11 = vector.load %arg2[%get3A_9, %get3A_10] : memref<1000x128xf32, #tpu.memory_space<vmem>>, vector<1000x128xf32>
    %add3A_12 = arith.addf %add3A, %get3A_11 : vector<1000x128xf32>
    %get3A_13 = arith.constant 0 : index
    %get3A_14 = arith.constant 0 : index
    %get3A_15 = vector.load %arg4[%get3A_13, %get3A_14] : memref<1000x1xf32, #tpu.memory_space<vmem>>, vector<1000x1xf32>
    %mul3A = vector.broadcast %get3A_15 : vector<1000x1xf32> to vector<1000x128xf32>
    %mul3A_16 = arith.mulf %add3A_12, %mul3A : vector<1000x128xf32>
    %get3A_17 = arith.constant 0 : index
    %get3A_18 = arith.constant 0 : index
    %get3A_19 = vector.load %arg3[%get3A_17, %get3A_18] : memref<1000x128xf32, #tpu.memory_space<vmem>>, vector<1000x128xf32>
    %add3A_20 = arith.addf %mul3A_16, %get3A_19 : vector<1000x128xf32>
    %mul3A_21 = arith.constant 5.000000e-01 : f32
    %mul3A_22 = vector.broadcast %mul3A_21 : f32 to vector<1000x128xf32>
    %mul3A_23 = arith.mulf %mul3A_22, %add3A_20 : vector<1000x128xf32>
    %mul3A_24 = arith.constant 0.594534874 : f32
    %mul3A_25 = vector.broadcast %mul3A_24 : f32 to vector<1000x128xf32>
    %mul3A_26 = arith.mulf %mul3A_25, %mul3A_23 : vector<1000x128xf32>
    %get3A_27 = arith.constant 0 : index
    %get3A_28 = arith.constant 0 : index
    %get3A_29 = vector.load %arg5[%get3A_27, %get3A_28] : memref<128x128xf32, #tpu.memory_space<vmem>>, vector<128x128xf32>
    %dot_general3A = arith.constant dense<0.000000e+00> : vector<1000x128xf32>
    %dot_general3A_30 = tpu.matmul %mul3A_23, %get3A_29, %dot_general3A {dimension_numbers = #tpu.dot_dimension_numbers<[1], [0], [0], [1], [0, 0, 1, 1], [], []>, precision = #tpu.contract_precision<fp32>, transpose_lhs_hint = false} : vector<1000x128xf32>, vector<128x128xf32>, vector<1000x128xf32> -> vector<1000x128xf32>
    %mul3A_31 = arith.constant 0.405465096 : f32
    %mul3A_32 = vector.broadcast %mul3A_31 : f32 to vector<1000x128xf32>
    %mul3A_33 = arith.mulf %mul3A_32, %dot_general3A_30 : vector<1000x128xf32>
    %add3A_34 = arith.addf %mul3A_26, %mul3A_33 : vector<1000x128xf32>
    %get3A_35 = arith.constant 0 : index
    %get3A_36 = arith.constant 0 : index
    %get3A_37 = vector.load %arg6[%get3A_35, %get3A_36] : memref<1x128xf32, #tpu.memory_space<vmem>>, vector<1x128xf32>
    %add3A_38 = vector.broadcast %get3A_37 : vector<1x128xf32> to vector<1000x128xf32>
    %add3A_39 = arith.addf %add3A_34, %add3A_38 : vector<1000x128xf32>
    %get3A_40 = arith.constant 0 : index
    %get3A_41 = arith.constant 0 : index
    %get3A_42 = vector.load %arg7[%get3A_40, %get3A_41] : memref<128x128xf32, #tpu.memory_space<vmem>>, vector<128x128xf32>
    %dot_general3A_43 = arith.constant dense<0.000000e+00> : vector<1000x128xf32>
    %dot_general3A_44 = tpu.matmul %add3A_39, %get3A_42, %dot_general3A_43 {dimension_numbers = #tpu.dot_dimension_numbers<[1], [0], [0], [1], [0, 0, 1, 1], [], []>, precision = #tpu.contract_precision<fp32>, transpose_lhs_hint = false} : vector<1000x128xf32>, vector<128x128xf32>, vector<1000x128xf32> -> vector<1000x128xf32>
    %get3A_45 = arith.constant 0 : index
    %get3A_46 = arith.constant 0 : index
    %get3A_47 = vector.load %arg8[%get3A_45, %get3A_46] : memref<1x128xf32, #tpu.memory_space<vmem>>, vector<1x128xf32>
    %add3A_48 = vector.broadcast %get3A_47 : vector<1x128xf32> to vector<1000x128xf32>
    %add3A_49 = arith.addf %dot_general3A_44, %add3A_48 : vector<1000x128xf32>
    %max3A = arith.constant 0.000000e+00 : f32
    %max3A_50 = vector.broadcast %max3A : f32 to vector<1000x128xf32>
    %max3A_51 = arith.maximumf %add3A_49, %max3A_50 : vector<1000x128xf32>
    %swap3A = arith.constant 0 : index
    %swap3A_52 = arith.constant 0 : index
    %swap3A_53 = vector.load %arg9[%swap3A, %swap3A_52] : memref<1000x128xf32, #tpu.memory_space<vmem>>, vector<1000x128xf32>
    tpu.vector_store %arg9[%swap3A, %swap3A_52], %max3A_51 {strides = array<i32>} : memref<1000x128xf32, #tpu.memory_space<vmem>>, vector<1000x128xf32>,
    return
  }
  func.func @transform_0(%arg0: i32) -> (i32, i32, i32) {
    %c0_i32 = arith.constant 0 : i32
    %c0_i32_0 = arith.constant 0 : i32
    %c0_i32_1 = arith.constant 0 : i32
    return %c0_i32, %arg0, %c0_i32_0 : i32, i32, i32
  }
  func.func @transform_1(%arg0: i32) -> (i32, i32) {
    %c0_i32 = arith.constant 0 : i32
    %c0_i32_0 = arith.constant 0 : i32
    return %arg0, %c0_i32 : i32, i32
  }
  func.func @transform_2(%arg0: i32) -> (i32, i32) {
    %c0_i32 = arith.constant 0 : i32
    %c0_i32_0 = arith.constant 0 : i32
    return %arg0, %c0_i32 : i32, i32
  }
  func.func @transform_3(%arg0: i32) -> (i32, i32) {
    %c0_i32 = arith.constant 0 : i32
    %c0_i32_0 = arith.constant 0 : i32
    return %arg0, %c0_i32 : i32, i32
  }
  func.func @transform_4(%arg0: i32) -> (i32, i32) {
    %c0_i32 = arith.constant 0 : i32
    %c0_i32_0 = arith.constant 0 : i32
    %c0_i32_1 = arith.constant 0 : i32
    return %c0_i32, %c0_i32_0 : i32, i32
  }
  func.func @transform_5(%arg0: i32) -> (i32, i32) {
    %c0_i32 = arith.constant 0 : i32
    %c0_i32_0 = arith.constant 0 : i32
    %c0_i32_1 = arith.constant 0 : i32
    return %c0_i32, %c0_i32_0 : i32, i32
  }
  func.func @transform_6(%arg0: i32) -> (i32, i32) {
    %c0_i32 = arith.constant 0 : i32
    %c0_i32_0 = arith.constant 0 : i32
    %c0_i32_1 = arith.constant 0 : i32
    return %c0_i32, %c0_i32_0 : i32, i32
  }
  func.func @transform_7(%arg0: i32) -> (i32, i32) {
    %c0_i32 = arith.constant 0 : i32
    %c0_i32_0 = arith.constant 0 : i32
    %c0_i32_1 = arith.constant 0 : i32
    return %c0_i32, %c0_i32_0 : i32, i32
  }
  func.func @transform_8(%arg0: i32) -> (i32, i32) {
    %c0_i32 = arith.constant 0 : i32
    %c0_i32_0 = arith.constant 0 : i32
    return %arg0, %c0_i32 : i32, i32
  }
}

</mosaic_0001>

<sc_bundles>
// kernel: kernel.11.cloned.1.call-start
scs
__scs_entry_jumppad:
0x0: {  	(pc) =	sbr.rel $0x88, $3  }
0x1: {  	(tag) =	ssettag $0x0;
	lr =	simm.s32 $0x1  }
0x2: {  	[smem:$0x3F97] =	sst lr;
	_ =	strace $0xD0000000  }
0x3: {  	_ = 	snop  }
0x4: {  	_ = 	snop  }
0x5: {  	_ = 	snop  }
0x6: {  	_ = 	snop  }
0x7: {  	_ = 	snop  }
__scs_overlays_trampoline_lowered:
0x8: {  	[smem:$0x3FA6] =	sst s0  }
0x9: {  	[smem:$0x3FA7] =	sst s1  }
0xa: {  	[smem:$0x3FA8] =	sst s2  }
0xb: {  	[smem:$0x3FA9] =	sst s3  }
0xc: {  	[smem:$0x3FAA] =	sst s4  }
0xd: {  	[smem:$0x3FAB] =	sst s5  }
0xe: {  	[smem:$0x3FAC] =	sst s6  }
0xf: {  	[smem:$0x3FAD] =	sst s7  }
0x10: {  	[smem:$0x3FAE] =	sst s8  }
0x11: {  	[smem:$0x3FAF] =	sst s9;
	s0 =	simm.s32 @!p0 $0x0  }
0x12: {  	s1 =	sld [smem:$0x3F95];
	s0 =	simm.s32 @p0 $0x1  }
0x13: {  	[smem:$0x3FB0] =	sst s0;
	s0 =	simm.s32 @!p1 $0x0  }
0x14: {  	s2 =	sld [smem:$0x3F94];
	s0 =	simm.s32 @p1 $0x1  }
0x15: {  	[smem:$0x3FB1] =	sst s0;
	s0 =	simm.s32 @!p2 $0x0  }
0x16: {  	s3 =	sld [smem:$0x3FDB];
	s0 =	simm.s32 @p2 $0x1  }
0x17: {  	s4 =	simm.s32 $0x1BF5;
	[smem:$0x3FB3] =	sst s0  }
0x18: {  	s0 =	sld [smem:$0x3F96];
	_ =	swait.ge [sflag:s4], $0x0  }
0x19: {  	s7 =	sld [smem:$0x3F97]  }
0x1a: {  	s8 =	sadd.s32 $0xFFFFE003, lr  }
0x1b: {  	s9 =	sadd.s32 $0xFFFFFEF7, lr;
	s5 =	simm.s32 $0xFFFFFFFF;
	p2 =	slt.u32 s8, $0xFFFFF086  }
0x1c: {  	p1 =	slt.u32 s9, $0xF7A;
	s5 =	simm.s32 @!p2 $0x0  }
0x1d: {  	s5 =	simm.s32 @p1 $0x1;
	p0 =	seq.s32 s7, s2  }
0x1e: {  	s7 =	smul.u32 @!p0 $0xF7A, s2;
	p2 =	seq.s32 @!p0 s5, $0x0  }
0x1f: {  	s9 =	smul.u32 $0xF7A, s1;
	s8 =	simm.s32 @!p0 $0x1BF5;
	p2 =	por !p2, p0  }
0x20: {  	[sflag:s8] =	ssyncset.s32 @!p0 $0xFFFFF086;
	s6 =	sadd.s32 @!p0 s3, s7;
	s7 =	simm.s32 @!p0 $0x108  }
0x21: {  	s3 =	sadd.s32 s3, s9;
	s6 =	sadd.s32 @!p0 $0x88, s6;
	s7 =	simm.s32 @p2 $0x1082  }
0x22: {  	[simem:s7], [sflag:s8] =	dma.local @!p0 [hbm:s6], $0xF7A  }
0x23: {  	s9 =	sor.u32 $0xD0000000, s2;
	s6 =	simm.s32 $0x108;
	_ =	swait.ge @!p0 [sflag:s8], $0x0  }
0x24: {  	s3 =	sadd.s32 $0x88, s3;
	s6 =	simm.s32 @!p1 $0x1082;
	[sflag:s4] =	ssyncset.s32 $0xFFFFF086  }
0x25: {  	[simem:s6], [sflag:s4] =	dma.local [hbm:s3], $0xF7A  }
0x26: {  	[smem:$0x3F97] =	sst s1;
	(tag) =	ssettag s2;
	_ =	strace s9  }
0x27: {  	s1 =	sld [smem:$0x3FA7]  }
0x28: {  	s2 =	sld [smem:$0x3FA8]  }
0x29: {  	s4 =	sld [smem:$0x3FAA]  }
0x2a: {  	p0 =	seq.s32 s5, $0x0;
	s5 =	sld [smem:$0x3FAB]  }
0x2b: {  	s6 =	sld [smem:$0x3FAC]  }
0x2c: {  	s7 =	sld [smem:$0x3FAD]  }
0x2d: {  	s3 =	simm.s32 $0x108;
	s8 =	sld [smem:$0x3FAE]  }
0x2e: {  	s3 =	simm.s32 @!p0 $0x1082;
	s9 =	sld [smem:$0x3FAF]  }
0x2f: {  	lr =	sadd.s32 s0, s3;
	s0 =	sld [smem:$0x3FA6]  }
0x30: {  	s3 =	sld [smem:$0x3FA9]  }
0x31: {  	[smem:$0x3FB2] =	sst s10  }
0x32: {  	s10 =	sld [smem:$0x3FB0];
	_ =	sdelay $0x3  }
0x33: {  	p0 =	seq.s32 s10, $0x1;
	s10 =	sld [smem:$0x3FB2];
	_ =	sdelay $0x3  }
0x34: {  	[smem:$0x3FB2] =	sst s10  }
0x35: {  	s10 =	sld [smem:$0x3FB1];
	_ =	sdelay $0x3  }
0x36: {  	p1 =	seq.s32 s10, $0x1;
	s10 =	sld [smem:$0x3FB2];
	_ =	sdelay $0x3  }
0x37: {  	[smem:$0x3FB2] =	sst s10  }
0x38: {  	s10 =	sld [smem:$0x3FB3]  }
0x39: {  	_ = 	snop;
	(pc) =	sbr.ind lr, $3  }
0x3a: {  	_ = 	snop  }
0x3b: {  	_ = 	snop  }
0x3c: {  	p2 =	seq.s32 s10, $0x1;
	s10 =	sld [smem:$0x3FB2]  }
0x3d: {  	_ =	shalt  }
0x3e: {  	_ =	shalt  }
0x3f: {  	_ =	shalt  }
0x40: {  	_ =	shalt  }
0x41: {  	_ =	shalt  }
0x42: {  	_ =	shalt  }
0x43: {  	_ =	shalt  }
0x44: {  	_ =	shalt  }
0x45: {  	_ =	shalt  }
0x46: {  	_ =	shalt  }
0x47: {  	_ =	shalt  }
0x48: {  	_ =	shalt  }
0x49: {  	_ =	shalt  }
0x4a: {  	_ =	shalt  }
0x4b: {  	_ =	shalt  }
0x4c: {  	_ =	shalt  }
0x4d: {  	_ =	shalt  }
0x4e: {  	_ =	shalt  }
0x4f: {  	_ =	shalt  }
0x50: {  	_ =	shalt  }
0x51: {  	_ =	shalt  }
0x52: {  	_ =	shalt  }
0x53: {  	_ =	shalt  }
0x54: {  	_ =	shalt  }
0x55: {  	_ =	shalt  }
0x56: {  	_ =	shalt  }
0x57: {  	_ =	shalt  }
0x58: {  	_ =	shalt  }
0x59: {  	_ =	shalt  }
0x5a: {  	_ =	shalt  }
0x5b: {  	_ =	shalt  }
0x5c: {  	_ =	shalt  }
0x5d: {  	_ =	shalt  }
0x5e: {  	_ =	shalt  }
0x5f: {  	_ =	shalt  }
0x60: {  	_ =	shalt  }
0x61: {  	_ =	shalt  }
0x62: {  	_ =	shalt  }
0x63: {  	_ =	shalt  }
0x64: {  	_ =	shalt  }
0x65: {  	_ =	shalt  }
0x66: {  	_ =	shalt  }
0x67: {  	_ =	shalt  }
0x68: {  	_ =	shalt  }
0x69: {  	_ =	shalt  }
0x6a: {  	_ =	shalt  }
0x6b: {  	_ =	shalt  }
0x6c: {  	_ =	shalt  }
0x6d: {  	_ =	shalt  }
0x6e: {  	_ =	shalt  }
0x6f: {  	_ =	shalt  }
0x70: {  	_ =	shalt  }
0x71: {  	_ =	shalt  }
0x72: {  	_ =	shalt  }
0x73: {  	_ =	shalt  }
0x74: {  	_ =	shalt  }
0x75: {  	_ =	shalt  }
0x76: {  	_ =	shalt  }
0x77: {  	_ =	shalt  }
0x78: {  	_ =	shalt  }
0x79: {  	_ =	shalt  }
0x7a: {  	_ =	shalt  }
0x7b: {  	_ =	shalt  }
0x7c: {  	_ =	shalt  }
0x7d: {  	_ =	shalt  }
0x7e: {  	_ =	shalt  }
0x7f: {  	_ =	shalt  }
0x80: {  	_ =	shalt  }
0x81: {  	_ =	shalt  }
0x82: {  	_ =	shalt  }
0x83: {  	_ =	shalt  }
0x84: {  	_ =	shalt  }
0x85: {  	_ =	shalt  }
0x86: {  	_ =	shalt  }
0x87: {  	_ =	shalt  }
.Lfunc_end0:
.L_simem_size_0:
called_computation.1_lowered:
.L_overlay_start_0:
0x88: {  	s2 =	sld [smem:$0x3FD9]  }
0x89: {  	s3 =	sld [smem:$0x3FFE];
	_ =	sdelay $0x1  }
0x8a: {  	s1 =	srdreg.scid  }
0x8b: {  	s0 =	sand.u32 $0x1, s1  }
0x8c: {  	s17 =	sshll.u32 s0, $0xA;
	s2 =	sadd.s32 s3, s2  }
0x8d: {  	s2 =	sadd.s32 s2, s17  }
0x8e: {  	[smem:$0x3FBE] =	sst s2  }
0x8f: {  	_ = 	snop  }
0x90: {  	s2 =	sld [smem:$0x3FD0];
	(tm) =	ssettm $0x1  }
0x91: {  	s18 =	sld [smem:$0x3FFB];
	_ =	sdelay $0x3  }
0x92: {  	_ =	strace s18  }
0x93: {  	s3 =	sld [smem:$0x3FFC];
	_ =	sdelay $0x3  }
0x94: {  	_ =	strace s3  }
0x95: {  	s3 =	sld [smem:$0x3FFD];
	_ =	sdelay $0x3  }
0x96: {  	_ =	strace s3  }
0x97: {  	_ =	strace $0x8FFFFFFF  }
0x98: {  	s19 =	sld [smem:$0x3FDB];
	_ =	sdelay $0x1  }
0x99: {  	s4 =	simm.s32 $_scs_section_size  }
0x9a: {  	s5 =	simm.s32 $_size__tile_overlayer_lowered;
	s6 =	simm.s32 $_tile_overlayer_lowered  }
0x9b: {  	s22 =	simm.s32 $0x1BFF;
	s21 =	sshll.u32 s6, $0x1;
	s3 =	sadd.s32 s4, s19  }
0x9c: {  	s7 =	simm.s32 $0x0;
	s20 =	sshll.u32 s5, $0x1;
	s5 =	sadd.s32 s21, s3  }
0x9d: {  	[timem:s7], [sflag:s22] =	dma.local [hbm:s5], s20  }
0x9e: {  	_ =	swait.ge [sflag:s22], s20  }
0x9f: {  	s4 =	ssub.s32 $0x0, s20;
	[sflag:s22] =	ssyncset.done $0x0  }
0xa0: {  	[sflag:s22] =	ssyncadd.s32 s4;
	_ =	sdelay $0x1  }
0xa1: {  	s23 =	simm.s32 $0x1B8B  }
0xa2: {  	_ =	swait.ge [sflag:s23], $0x1  }
0xa3: {  	[sflag:s23] =	ssyncset.done $0x0  }
0xa4: {  	s25 =	simm.s32 $0x1B8E;
	s24 =	sld [smem:$0x3FFE];
	[sflag:s23] =	ssyncadd.s32 $0xFFFFFFFF  }
0xa5: {  	s26 =	simm.s32 $execute0_lowered;
	[smem:$0x3FD2] =	sst s25  }
0xa6: {  	s5 =	sshll.u32 s26, $0x1;
	_ =	strace $0x80000049;
	[dreg:$0x1] =	wrdreg $0xFFFFFFFF  }
0xa7: {  	s28 =	simm.s32 $_size_execute0_lowered;
	s3 =	sadd.s32 s3, s5;
	[dreg:$0x0] =	wrdreg $0x0  }
0xa8: {  	s5 =	sshll.u32 s28, $0x1;
	[dreg:$0x2] =	wrdreg s3  }
0xa9: {  	[dreg:$0x3] =	wrdreg s5  }
0xaa: {  	[dreg:$0x4] =	wrdreg $0xC0  }
0xab: {  	_ =	task [dreg:s7], $0x5FFFF  }
0xac: {  	[dreg:$0x1] =	wrdreg $0xFFFFFFFF  }
0xad: {  	[dreg:$0x0] =	wrdreg $0x60  }
0xae: {  	[dreg:$0x2] =	wrdreg s2  }
0xaf: {  	[dreg:$0x3] =	wrdreg s24  }
0xb0: {  	[dreg:$0x4] =	wrdreg $0xAA000  }
0xb1: {  	[dreg:$0x5] =	wrdreg $0x9  }
0xb2: {  	_ =	task.clear_ibuf [dreg:s7], $0x6FFFF;
	_ =	strace $0x90000049  }
0xb3: {  	s29 =	simm.s32 $0x9;
	_ =	strace $0x8000004B  }
0xb4: {  	_ =	swait.ge [sflag:s29], $0x1  }
0xb5: {  	[sflag:s29] =	ssyncadd.s32 $0xFFFFFFFF  }
0xb6: {  	_ =	strace $0x9000004B  }
0xb7: {  	_ =	sfence  }
0xb8: {  	s30 =	sld [smem:$0x0];
	_ =	sdelay $0x2  }
0xb9: {  	s31 =	sshll.u32 s1, $0xD;
	s1 =	sshrl.u32 s1, $0x2  }
0xba: {  	s3 =	sand.u32 $0x4000, s31;
	s1 =	sadd.s32 s1, s30  }
0xbb: {  	s0 =	sor.u32 s3, s0;
	s1 =	sshll.u32 s1, $0x11  }
0xbc: {  	s0 =	sor.u32 s1, s0  }
0xbd: {  	s0 =	sadd.s32 $0x8F2B, s0  }
0xbe: {  	[sflag:s0] =	ssyncadd.remote.s32 $0x1  }
0xbf: {  	_ =	sfence.sel $0xFFFF  }
0xc0: {  	[dreg:$0x0] =	wrdreg $0xFFFFFFFF;
	(pc) =	sbr.abs _section_cstart, $3  }
0xc1: {  	[dreg:$0x1] =	wrdreg $0xFFFFFFFF  }
0xc2: {  	_ =	task.clear_ibuf [dreg:s7], $0x2FFFF;
	_ =	strace $0x9FFFFFFF  }
0xc3: {  	(tm) =	ssettm $0x7FFFFFFF  }
tec
execute0_lowered:
.L_overlay_start_1:
0x0: {  	(tag) =	ssettag $0x1  }
0x1: {  	s1 =	rddreg [dreg:$0x0]  }
0x2: {  	s0 =	srdreg.scid;
	s2 =	rddreg [dreg:$0x1]  }
0x3: {  	s14 =	stileid.u32;
	s3 =	rddreg [dreg:$0x2]  }
0x4: {  	s30 =	simm.s32 $0x2900;
	s31 =	simm.s32 $0x6A00;
	s6 =	smul.u32 $0x13C00, s14  }
0x5: {  	s28 =	simm.s32 $0x4;
	s0 =	sand.u32 $0x1, s0;
	s17 =	smul.u32 $0x4F000, s14  }
0x6: {  	s4 =	sshll.u32 s14, $0x1;
	s9 =	sadd.s32 $0xCA00, s2;
	s12 =	smul.u32 $0x5000, s14  }
0x7: {  	s19 =	sshll.u32 s14, $0x6;
	s5 =	sor.u32 s0, s4;
	s7 =	smul.u32 $0x13C000, s0  }
0x8: {  	s4 =	simm.s32 $0x0;
	s11 =	ssub.s32 $0x2, s0;
	s0 =	smul.u32 $0x2800, s0  }
0x9: {  	s5 =	smul.u32 $0x2800, s5;
	[smem:$0x7FF] =	sst s4;
	s10 =	sshrl.u32 s6, $0x3  }
0xa: {  	s13 =	sshrl.u32 s11, $0x1;
	_ =	strace $0x8000004A;
	s10 =	sadd.s32 s10, s2  }
0xb: {  	s6 =	sadd.s32 s6, s7;
	s7 =	sshrl.u32 s17, $0x2;
	s11 =	ssub.s32 s11, s13  }
0xc: {  	s0 =	sadd.s32 s0, s12;
	s17 =	simm.s32 $0x9;
	[dreg:$0x4] =	wrdreg s30  }
0xd: {  	[dreg:$0x5] =	wrdreg s31;
	s5 =	sshrl.u32 s5, $0x3;
	s6 =	sshrl.u32 s6, $0x3  }
0xe: {  	s7 =	sadd.s32 s7, s3;
	s18 =	sadd.s32 $0x16A00, s10;
	s21 =	sor.u32 $0x100, s0  }
0xf: {  	s23 =	smax.u32 s11, $0x1;
	s25 =	sor.u32 $0xC0, s0;
	s26 =	sor.u32 $0x80, s0  }
0x10: {  	s0 =	sor.u32 $0x140, s0;
	s8 =	sadd.s32 s5, s2;
	s2 =	sadd.s32 s6, s2  }
0x11: {  	[dreg:$0x6] =	wrdreg s18;
	s6 =	sor.u32 $0x1C09, s19;
	s20 =	sadd.s32 s9, s5  }
0x12: {  	s5 =	sshrl.u32 s21, $0x3;
	[dreg:$0xb] =	wrdreg s23;
	s0 =	sshrl.u32 s0, $0x3  }
0x13: {  	s16 =	sshrl.u32 s7, $0x3;
	s18 =	simm.s32 $0x2800;
	s19 =	simm.s32 $0x40  }
0x14: {  	s21 =	simm.s32 $0x2880;
	s23 =	simm.s32 $0x1;
	s8 =	sadd.s32 $0x2A00, s8  }
0x15: {  	[dreg:$0x7] =	wrdreg s20;
	s22 =	sadd.s32 $0x8, s20;
	s2 =	sadd.s32 $0x65400, s2  }
0x16: {  	s24 =	sadd.s32 s5, s9;
	s5 =	sshrl.u32 s26, $0x3;
	[dreg:$0x8] =	wrdreg s8  }
0x17: {  	s15 =	sadd.s32 s0, s9;
	s20 =	simm.s32 $0x2A00;
	[dreg:$0x9] =	wrdreg s22  }
0x18: {  	s26 =	simm.s32 $0x2;
	s0 =	simm.s32 $0x0;
	[dreg:$0xa] =	wrdreg s2  }
0x19: {  	[dreg:$0xc] =	wrdreg s24;
	s2 =	sshrl.u32 s25, $0x3;
	s29 =	sadd.s32 s5, s9  }
0x1a: {  	s22 =	simm.s32 $0x4A00;
	s2 =	sadd.s32 s2, s9;
	[dreg:$0xe] =	wrdreg s29  }
0x1b: {  	s24 =	simm.s32 $0x2980;
	s25 =	simm.s32 $0x8A00;
	[dreg:$0xd] =	wrdreg s2  }
.LBB2_1:
0x1c: {  	s2 =	rddreg [dreg:$0x6]  }
0x1d: {  	[spmem:s16], [sflag:s6] =	dma.local [hbm:s2], $0x2780  }
0x1e: {  	_ =	swait.ge [sflag:s17], $0x2780  }
0x1f: {  	[sflag:s17] =	ssyncset.done $0x0  }
0x20: {  	s10 =	rddreg [dreg:$0x8];
	[sflag:s17] =	ssyncadd.s32 $0xFFFFD880  }
0x21: {  	[tilespmem:s4], [sflag:$0x9] =	stream.linear.gather [hbm4b:s10+s4], $0x2800, $0x38;
	[tilespmem:$0x1E600] =	vst v63  }
0x22: {  	_ =	swait.ge [sflag:s17], $0x2800  }
0x23: {  	[sflag:s17] =	ssyncset.done $0x0  }
0x24: {  	[sflag:s17] =	ssyncadd.s32 $0xFFFFD800  }
0x25: {  	[bflag:$0x0] =	sbarrier.arrive $0xFFFF  }
0x26: {  	s11 =	rddreg [dreg:$0x7]  }
0x27: {  	[tilespmem:s18], [sflag:$0x9] =	stream.linear.gather [hbm4b:s11+s4], $0x40, $0x38;
	[tilespmem:$0x1E600] =	vst v63  }
0x28: {  	_ =	swait.ge [sflag:s17], $0x40  }
0x29: {  	[sflag:s17] =	ssyncset.done $0x0  }
0x2a: {  	[sflag:s17] =	ssyncadd.s32 $0xFFFFFFC0  }
0x2b: {  	[tilespmem:s20], [sflag:$0x1] =	stream.indirect.gather [hbm4b:s1+s19], $0x80, s4, s19, $0xb8;
	[tilespmem:$0x1E600] =	vst v63  }
0x2c: {  	s12 =	rddreg [dreg:$0x9]  }
0x2d: {  	[tilespmem:s21], [sflag:$0x9] =	stream.linear.gather [hbm4b:s12+s4], $0x40, $0x38;
	[tilespmem:$0x1E600] =	vst v63  }
0x2e: {  	_ =	swait.ge [sflag:s17], $0x40  }
0x2f: {  	p0 =	por $0x1, $0x1;
	[sflag:s17] =	ssyncset.done $0x0  }
0x30: {  	s5 =	simm.s32 @!p0 $0x7;
	[sflag:s17] =	ssyncadd.s32 $0xFFFFFFC0  }
0x31: {  	[tilespmem:s22], [sflag:$0x2] =	stream.indirect.gather [hbm4b:s1+s19], $0x80, s19, s19, $0xb8;
	[tilespmem:$0x1E600] =	vst v63  }
0x32: {  	_ =	swait.ge @!p0 [sflag:s5], $0x2000  }
0x33: {  	s7 =	rddreg [dreg:$0x4];
	[sflag:s5] =	ssyncset.done @!p0 $0x0  }
0x34: {  	s12 =	rddreg [dreg:$0xe];
	[sflag:s5] =	ssyncadd.s32 @!p0 $0xFFFFE000  }
0x35: {  	[tilespmem:s7], [sflag:$0x9] =	stream.linear.gather [hbm4b:s12+s4], $0x40, $0x38;
	[tilespmem:$0x1E600] =	vst v63  }
0x36: {  	_ =	swait.ge [sflag:s17], $0x40  }
0x37: {  	[sflag:s17] =	ssyncset.done $0x0  }
0x38: {  	s29 =	simm.s32 $0x80;
	s13 =	rddreg [dreg:$0x5];
	[sflag:s17] =	ssyncadd.s32 $0xFFFFFFC0  }
0x39: {  	[tilespmem:s13], [sflag:$0x3] =	stream.indirect.gather [hbm4b:s1+s19], $0x80, s29, s19, $0xb8;
	[tilespmem:$0x1E600] =	vst v63  }
0x3a: {  	_ =	swait.ge [sflag:s23], $0x2000  }
0x3b: {  	[sflag:s23] =	ssyncset.done $0x0  }
0x3c: {  	s5 =	simm.s32 @!p0 $0x8;
	[sflag:s23] =	ssyncadd.s32 $0xFFFFE000  }
0x3d: {  	[spmem:s3] =	stream.indirect.scatter.add.f32 [tilespmem:s20], [sflag:$0x5], $0x80, s18, s19, $0xb8;
	[tilespmem:$0x1E600] =	vst v63  }
0x3e: {  	_ =	swait.ge @!p0 [sflag:s5], $0x2000  }
0x3f: {  	[sflag:s5] =	ssyncset.done @!p0 $0x0  }
0x40: {  	s30 =	rddreg [dreg:$0xd];
	[sflag:s5] =	ssyncadd.s32 @!p0 $0xFFFFE000  }
0x41: {  	[tilespmem:s24], [sflag:$0x9] =	stream.linear.gather [hbm4b:s30+s4], $0x40, $0x38;
	[tilespmem:$0x1E600] =	vst v63  }
0x42: {  	_ =	swait.ge [sflag:s17], $0x40  }
0x43: {  	[sflag:s17] =	ssyncset.done $0x0  }
0x44: {  	s31 =	simm.s32 $0xC0;
	[sflag:s17] =	ssyncadd.s32 $0xFFFFFFC0  }
0x45: {  	[tilespmem:s25], [sflag:$0x4] =	stream.indirect.gather [hbm4b:s1+s19], $0x80, s31, s19, $0xb8;
	[tilespmem:$0x1E600] =	vst v63  }
0x46: {  	_ =	swait.ge [sflag:s26], $0x2000  }
0x47: {  	p0 =	por $0x0, $0x0;
	[sflag:s26] =	ssyncset.done $0x0  }
0x48: {  	s5 =	simm.s32 @p0 $0x3;
	[sflag:s26] =	ssyncadd.s32 $0xFFFFE000  }
0x49: {  	[spmem:s3] =	stream.indirect.scatter.add.f32 [tilespmem:s22], [sflag:$0x6], $0x80, s21, s19, $0xb8;
	[tilespmem:$0x1E600] =	vst v63  }
0x4a: {  	_ =	swait.ge @p0 [sflag:s5], $0x2000  }
0x4b: {  	s7 =	simm.s32 @p0 $0x6A00;
	s8 =	simm.s32 @p0 $0x40;
	[sflag:s5] =	ssyncset.done @p0 $0x0  }
0x4c: {  	s9 =	simm.s32 @p0 $0x2900;
	[sflag:s5] =	ssyncadd.s32 @p0 $0xFFFFE000;
	s5 =	simm.s32 @!p0 $0x5  }
0x4d: {  	[spmem:s3] =	stream.indirect.scatter.add.f32 @p0 [tilespmem:s7], [sflag:$0x7], $0x80, s9, s8, $0xb8;
	[tilespmem:$0x1E600] =	vst v63  }
0x4e: {  	_ =	swait.ge @!p0 [sflag:s5], $0x2000  }
0x4f: {  	s7 =	simm.s32 @!p0 $0x0;
	s8 =	simm.s32 @!p0 $0x2800;
	[sflag:s5] =	ssyncset.done @!p0 $0x0  }
0x50: {  	s2 =	rddreg [dreg:$0xc];
	[sflag:s5] =	ssyncadd.s32 @!p0 $0xFFFFE000;
	s5 =	simm.s32 @!p0 $0x9  }
0x51: {  	[tilespmem:s8], [sflag:$0x9] =	stream.linear.gather @!p0 [hbm4b:s2+s7], $0x40, $0x38;
	[tilespmem:$0x1E600] =	vst v63  }
0x52: {  	_ =	swait.ge @!p0 [sflag:s5], $0x40  }
0x53: {  	s10 =	simm.s32 @!p0 $0x40;
	s11 =	simm.s32 @!p0 $0x3;
	[sflag:s5] =	ssyncset.done @!p0 $0x0  }
0x54: {  	s9 =	simm.s32 @!p0 $0x2A00;
	s8 =	simm.s32 @!p0 $0x100;
	[sflag:s5] =	ssyncadd.s32 @!p0 $0xFFFFFFC0  }
0x55: {  	[tilespmem:s9], [sflag:$0x1] =	stream.indirect.gather @!p0 [hbm4b:s1+s10], $0x80, s8, s10, $0xb8;
	[tilespmem:$0x1E600] =	vst v63  }
0x56: {  	_ =	swait.ge @!p0 [sflag:s11], $0x2000  }
0x57: {  	s8 =	simm.s32 @!p0 $0x2900;
	[sflag:s11] =	ssyncset.done @!p0 $0x0  }
0x58: {  	s9 =	simm.s32 @!p0 $0x6A00;
	[sflag:s11] =	ssyncadd.s32 @!p0 $0xFFFFE000;
	s11 =	simm.s32 @!p0 $0x6  }
0x59: {  	[spmem:s3] =	stream.indirect.scatter.add.f32 @!p0 [tilespmem:s9], [sflag:$0x7], $0x80, s8, s10, $0xb8;
	[tilespmem:$0x1E600] =	vst v63  }
0x5a: {  	_ =	swait.ge @!p0 [sflag:s11], $0x2000  }
0x5b: {  	[sflag:s11] =	ssyncset.done @!p0 $0x0  }
0x5c: {  	s8 =	simm.s32 @!p0 $0x2880;
	[sflag:s11] =	ssyncadd.s32 @!p0 $0xFFFFE000  }
0x5d: {  	[tilespmem:s8], [sflag:$0x9] =	stream.linear.gather @!p0 [hbm4b:s15+s7], $0x40, $0x38;
	[tilespmem:$0x1E600] =	vst v63  }
0x5e: {  	s14 =	smov.u32 s6;
	_ =	swait.ge @!p0 [sflag:s5], $0x40  }
0x5f: {  	p1 =	por $0x0, $0x0;
	s9 =	simm.s32 $0x400;
	[sflag:s5] =	ssyncset.done @!p0 $0x0  }
0x60: {  	s11 =	simm.s32 @!p0 $0x4A00;
	s8 =	simm.s32 @!p0 $0x140;
	[sflag:s5] =	ssyncadd.s32 @!p0 $0xFFFFFFC0  }
0x61: {  	[tilespmem:s11], [sflag:$0x2] =	stream.indirect.gather @!p0 [hbm4b:s1+s10], $0x80, s8, s10, $0xb8;
	[tilespmem:$0x1E600] =	vst v63  }
0x62: {  	s7 =	simm.s32 $0x800;
	s5 =	sadd.s32 $0x20, s15;
	s10 =	sadd.s32 $0x20, s30  }
0x63: {  	s11 =	sadd.s32 $0x20, s12;
	s8 =	sadd.s32 $0x20, s2;
	_ =	swait.ge [sflag:s28], $0x2000  }
.LBB2_2:
0x64: {  	[sflag:s28] =	ssyncset.done $0x0  }
0x65: {  	s30 =	simm.s32 @!p1 $0x7;
	[sflag:s28] =	ssyncadd.s32 $0xFFFFE000  }
0x66: {  	[spmem:s3] =	stream.indirect.scatter.add.f32 [tilespmem:s25], [sflag:$0x8], $0x80, s24, s19, $0xb8;
	[tilespmem:$0x1E600] =	vst v63  }
0x67: {  	_ =	swait.ge @!p1 [sflag:s30], $0x2000  }
0x68: {  	[sflag:s30] =	ssyncset.done @!p1 $0x0  }
0x69: {  	s31 =	rddreg [dreg:$0x4];
	[sflag:s30] =	ssyncadd.s32 @!p1 $0xFFFFE000  }
0x6a: {  	[tilespmem:s31], [sflag:$0x9] =	stream.linear.gather [hbm4b:s11+s4], $0x40, $0x38;
	[tilespmem:$0x1E600] =	vst v63  }
0x6b: {  	_ =	swait.ge [sflag:s17], $0x40  }
0x6c: {  	s12 =	sshra.s32 s9, $0x2;
	[sflag:s17] =	ssyncset.done $0x0  }
0x6d: {  	s2 =	sadd.s32 $0x80, s12;
	s13 =	rddreg [dreg:$0x5];
	[sflag:s17] =	ssyncadd.s32 $0xFFFFFFC0  }
0x6e: {  	[tilespmem:s13], [sflag:$0x3] =	stream.indirect.gather [hbm4b:s1+s19], $0x80, s2, s19, $0xb8;
	[tilespmem:$0x1E600] =	vst v63  }
0x6f: {  	_ =	swait.ge [sflag:s23], $0x2000  }
0x70: {  	[sflag:s23] =	ssyncset.done $0x0  }
0x71: {  	s2 =	simm.s32 @!p1 $0x8;
	[sflag:s23] =	ssyncadd.s32 $0xFFFFE000  }
0x72: {  	[spmem:s3] =	stream.indirect.scatter.add.f32 [tilespmem:s20], [sflag:$0x5], $0x80, s18, s19, $0xb8;
	[tilespmem:$0x1E600] =	vst v63  }
0x73: {  	_ =	swait.ge @!p1 [sflag:s2], $0x2000  }
0x74: {  	[sflag:s2] =	ssyncset.done @!p1 $0x0  }
0x75: {  	[sflag:s2] =	ssyncadd.s32 @!p1 $0xFFFFE000  }
0x76: {  	[tilespmem:s24], [sflag:$0x9] =	stream.linear.gather [hbm4b:s10+s4], $0x40, $0x38;
	[tilespmem:$0x1E600] =	vst v63  }
0x77: {  	_ =	swait.ge [sflag:s17], $0x40  }
0x78: {  	[sflag:s17] =	ssyncset.done $0x0  }
0x79: {  	s31 =	sadd.s32 $0xC0, s12;
	[sflag:s17] =	ssyncadd.s32 $0xFFFFFFC0  }
0x7a: {  	[tilespmem:s25], [sflag:$0x4] =	stream.indirect.gather [hbm4b:s1+s19], $0x80, s31, s19, $0xb8;
	[tilespmem:$0x1E600] =	vst v63  }
0x7b: {  	_ =	swait.ge [sflag:s26], $0x2000  }
0x7c: {  	p1 =	seq.s32 s9, $0x9C00;
	[sflag:s26] =	ssyncset.done $0x0  }
0x7d: {  	s2 =	simm.s32 @p1 $0x3;
	[sflag:s26] =	ssyncadd.s32 $0xFFFFE000  }
0x7e: {  	[spmem:s3] =	stream.indirect.scatter.add.f32 [tilespmem:s22], [sflag:$0x6], $0x80, s21, s19, $0xb8;
	[tilespmem:$0x1E600] =	vst v63  }
0x7f: {  	_ =	swait.ge @p1 [sflag:s2], $0x2000  }
0x80: {  	s30 =	simm.s32 @p1 $0x6A00;
	s6 =	simm.s32 @p1 $0x40;
	[sflag:s2] =	ssyncset.done @p1 $0x0  }
0x81: {  	s12 =	simm.s32 @p1 $0x2900;
	[sflag:s2] =	ssyncadd.s32 @p1 $0xFFFFE000;
	s2 =	simm.s32 @!p1 $0x5  }
0x82: {  	[spmem:s3] =	stream.indirect.scatter.add.f32 @p1 [tilespmem:s30], [sflag:$0x7], $0x80, s12, s6, $0xb8;
	[tilespmem:$0x1E600] =	vst v63  }
0x83: {  	s29 =	smov.u32 s7;
	_ =	swait.ge @!p1 [sflag:s2], $0x2000  }
0x84: {  	s9 =	sshra.s32 @!p1 s9, $0x2;
	s6 =	simm.s32 @!p1 $0x0;
	[sflag:s2] =	ssyncset.done @!p1 $0x0  }
0x85: {  	s12 =	simm.s32 @!p1 $0x2800;
	[sflag:s2] =	ssyncadd.s32 @!p1 $0xFFFFE000;
	s2 =	simm.s32 @!p1 $0x9  }
0x86: {  	[tilespmem:s12], [sflag:$0x9] =	stream.linear.gather @!p1 [hbm4b:s8+s6], $0x40, $0x38;
	[tilespmem:$0x1E600] =	vst v63  }
0x87: {  	s13 =	sadd.s32 @!p1 $0x140, s9;
	s31 =	sadd.s32 @!p1 $0x100, s9;
	_ =	swait.ge @!p1 [sflag:s2], $0x40  }
0x88: {  	s9 =	smov.u32 s29;
	s29 =	simm.s32 @!p1 $0x2A00;
	[sflag:s2] =	ssyncset.done @!p1 $0x0  }
0x89: {  	s30 =	simm.s32 @!p1 $0x3;
	s12 =	simm.s32 @!p1 $0x40;
	[sflag:s2] =	ssyncadd.s32 @!p1 $0xFFFFFFC0  }
0x8a: {  	[tilespmem:s29], [sflag:$0x1] =	stream.indirect.gather @!p1 [hbm4b:s1+s12], $0x80, s31, s12, $0xb8;
	[tilespmem:$0x1E600] =	vst v63  }
0x8b: {  	_ =	swait.ge @!p1 [sflag:s30], $0x2000  }
0x8c: {  	s29 =	simm.s32 @!p1 $0x2900;
	[sflag:s30] =	ssyncset.done @!p1 $0x0  }
0x8d: {  	s31 =	simm.s32 @!p1 $0x6A00;
	[sflag:s30] =	ssyncadd.s32 @!p1 $0xFFFFE000;
	s30 =	simm.s32 @!p1 $0x6  }
0x8e: {  	[spmem:s3] =	stream.indirect.scatter.add.f32 @!p1 [tilespmem:s31], [sflag:$0x7], $0x80, s29, s12, $0xb8;
	[tilespmem:$0x1E600] =	vst v63  }
0x8f: {  	_ =	swait.ge @!p1 [sflag:s30], $0x2000  }
0x90: {  	s7 =	sadd.s32 $0x400, s7;
	[sflag:s30] =	ssyncset.done @!p1 $0x0  }
0x91: {  	p0 =	sne.s32 s7, $0xA000;
	s29 =	simm.s32 @!p1 $0x2880;
	[sflag:s30] =	ssyncadd.s32 @!p1 $0xFFFFE000  }
0x92: {  	[tilespmem:s29], [sflag:$0x9] =	stream.linear.gather @!p1 [hbm4b:s5+s6], $0x40, $0x38;
	[tilespmem:$0x1E600] =	vst v63  }
.Ltmp0:
0x93: {  	_ =	swait.ge @!p1 [sflag:s2], $0x40;
	(pc) =	sbr.rel @p0 .LBB2_2-.Ltmp0, $4  }
0x94: {  	s11 =	sadd.s32 $0x20, s11;
	s10 =	sadd.s32 $0x20, s10;
	[sflag:s2] =	ssyncset.done @!p1 $0x0  }
0x95: {  	s8 =	sadd.s32 $0x20, s8;
	s6 =	simm.s32 @!p1 $0x4A00;
	[sflag:s2] =	ssyncadd.s32 @!p1 $0xFFFFFFC0  }
0x96: {  	[tilespmem:s6], [sflag:$0x2] =	stream.indirect.gather @!p1 [hbm4b:s1+s12], $0x80, s13, s12, $0xb8;
	[tilespmem:$0x1E600] =	vst v63  }
0x97: {  	s5 =	sadd.s32 $0x20, s5;
	p1 =	seq.s32 s9, $0x0;
	_ =	swait.ge [sflag:s28], $0x2000  }
0x98: {  	[sflag:s28] =	ssyncset.done $0x0  }
0x99: {  	s2 =	simm.s32 @!p1 $0x7;
	[sflag:s28] =	ssyncadd.s32 $0xFFFFE000  }
0x9a: {  	[spmem:s3] =	stream.indirect.scatter.add.f32 [tilespmem:s25], [sflag:$0x8], $0x80, s24, s19, $0xb8;
	[tilespmem:$0x1E600] =	vst v63  }
0x9b: {  	_ =	swait.ge @!p1 [sflag:s2], $0x2000  }
0x9c: {  	[sflag:s2] =	ssyncset.done @!p1 $0x0  }
0x9d: {  	s6 =	rddreg [dreg:$0x4];
	[sflag:s2] =	ssyncadd.s32 @!p1 $0xFFFFE000  }
0x9e: {  	[tilespmem:s6], [sflag:$0x9] =	stream.linear.gather [hbm4b:s11+s4], $0x40, $0x38;
	[tilespmem:$0x1E600] =	vst v63  }
0x9f: {  	_ =	swait.ge [sflag:s17], $0x40  }
0xa0: {  	s31 =	sshra.s32 s9, $0x2;
	[sflag:s17] =	ssyncset.done $0x0  }
0xa1: {  	s7 =	sadd.s32 $0x80, s31;
	s30 =	rddreg [dreg:$0x5];
	[sflag:s17] =	ssyncadd.s32 $0xFFFFFFC0  }
0xa2: {  	[tilespmem:s30], [sflag:$0x3] =	stream.indirect.gather [hbm4b:s1+s19], $0x80, s7, s19, $0xb8;
	[tilespmem:$0x1E600] =	vst v63  }
0xa3: {  	_ =	swait.ge [sflag:s23], $0x2000  }
0xa4: {  	[sflag:s23] =	ssyncset.done $0x0  }
0xa5: {  	s2 =	simm.s32 @!p1 $0x8;
	[sflag:s23] =	ssyncadd.s32 $0xFFFFE000  }
0xa6: {  	[spmem:s3] =	stream.indirect.scatter.add.f32 [tilespmem:s20], [sflag:$0x5], $0x80, s18, s19, $0xb8;
	[tilespmem:$0x1E600] =	vst v63  }
0xa7: {  	_ =	swait.ge @!p1 [sflag:s2], $0x2000  }
0xa8: {  	[sflag:s2] =	ssyncset.done @!p1 $0x0  }
0xa9: {  	[sflag:s2] =	ssyncadd.s32 @!p1 $0xFFFFE000  }
0xaa: {  	[tilespmem:s24], [sflag:$0x9] =	stream.linear.gather [hbm4b:s10+s4], $0x40, $0x38;
	[tilespmem:$0x1E600] =	vst v63  }
0xab: {  	_ =	swait.ge [sflag:s17], $0x40  }
0xac: {  	[sflag:s17] =	ssyncset.done $0x0  }
0xad: {  	s10 =	sadd.s32 $0xC0, s31;
	[sflag:s17] =	ssyncadd.s32 $0xFFFFFFC0  }
0xae: {  	[tilespmem:s25], [sflag:$0x4] =	stream.indirect.gather [hbm4b:s1+s19], $0x80, s10, s19, $0xb8;
	[tilespmem:$0x1E600] =	vst v63  }
0xaf: {  	_ =	swait.ge [sflag:s26], $0x2000  }
0xb0: {  	p0 =	seq.s32 s9, $0x9C00;
	[sflag:s26] =	ssyncset.done $0x0  }
0xb1: {  	s2 =	simm.s32 @p0 $0x3;
	[sflag:s26] =	ssyncadd.s32 $0xFFFFE000  }
0xb2: {  	[spmem:s3] =	stream.indirect.scatter.add.f32 [tilespmem:s22], [sflag:$0x6], $0x80, s21, s19, $0xb8;
	[tilespmem:$0x1E600] =	vst v63  }
0xb3: {  	_ =	swait.ge @p0 [sflag:s2], $0x2000  }
0xb4: {  	s6 =	simm.s32 @p0 $0x6A00;
	s7 =	simm.s32 @p0 $0x40;
	[sflag:s2] =	ssyncset.done @p0 $0x0  }
0xb5: {  	s10 =	simm.s32 @p0 $0x2900;
	[sflag:s2] =	ssyncadd.s32 @p0 $0xFFFFE000;
	s2 =	simm.s32 @!p0 $0x5  }
0xb6: {  	[spmem:s3] =	stream.indirect.scatter.add.f32 @p0 [tilespmem:s6], [sflag:$0x7], $0x80, s10, s7, $0xb8;
	[tilespmem:$0x1E600] =	vst v63  }
0xb7: {  	_ =	swait.ge @!p0 [sflag:s2], $0x2000  }
0xb8: {  	s6 =	simm.s32 @!p0 $0x0;
	[sflag:s2] =	ssyncset.done @!p0 $0x0  }
0xb9: {  	s7 =	simm.s32 @!p0 $0x2800;
	[sflag:s2] =	ssyncadd.s32 @!p0 $0xFFFFE000;
	s2 =	simm.s32 @!p0 $0x9  }
0xba: {  	[tilespmem:s7], [sflag:$0x9] =	stream.linear.gather @!p0 [hbm4b:s8+s6], $0x40, $0x38;
	[tilespmem:$0x1E600] =	vst v63  }
0xbb: {  	_ =	swait.ge @!p0 [sflag:s2], $0x40  }
0xbc: {  	s10 =	simm.s32 @!p0 $0x2A00;
	s7 =	sshra.s32 @!p0 s9, $0x2;
	[sflag:s2] =	ssyncset.done @!p0 $0x0  }
0xbd: {  	s9 =	simm.s32 @!p0 $0x40;
	s8 =	sadd.s32 @!p0 $0x100, s7;
	[sflag:s2] =	ssyncadd.s32 @!p0 $0xFFFFFFC0  }
0xbe: {  	[tilespmem:s10], [sflag:$0x1] =	stream.indirect.gather @!p0 [hbm4b:s1+s9], $0x80, s8, s9, $0xb8;
	[tilespmem:$0x1E600] =	vst v63  }
0xbf: {  	s8 =	simm.s32 @!p0 $0x3  }
0xc0: {  	_ =	swait.ge @!p0 [sflag:s8], $0x2000  }
0xc1: {  	[sflag:s8] =	ssyncset.done @!p0 $0x0  }
0xc2: {  	s10 =	simm.s32 @!p0 $0x2900;
	[sflag:s8] =	ssyncadd.s32 @!p0 $0xFFFFE000;
	s8 =	simm.s32 @!p0 $0x6A00  }
0xc3: {  	[spmem:s3] =	stream.indirect.scatter.add.f32 @!p0 [tilespmem:s8], [sflag:$0x7], $0x80, s10, s9, $0xb8;
	[tilespmem:$0x1E600] =	vst v63  }
0xc4: {  	s8 =	simm.s32 @!p0 $0x6  }
0xc5: {  	_ =	swait.ge @!p0 [sflag:s8], $0x2000  }
0xc6: {  	[sflag:s8] =	ssyncset.done @!p0 $0x0  }
0xc7: {  	[sflag:s8] =	ssyncadd.s32 @!p0 $0xFFFFE000;
	s8 =	simm.s32 @!p0 $0x2880  }
0xc8: {  	[tilespmem:s8], [sflag:$0x9] =	stream.linear.gather @!p0 [hbm4b:s5+s6], $0x40, $0x38;
	[tilespmem:$0x1E600] =	vst v63  }
0xc9: {  	_ =	swait.ge @!p0 [sflag:s2], $0x40  }
0xca: {  	[sflag:s2] =	ssyncset.done @!p0 $0x0  }
0xcb: {  	s5 =	sadd.s32 @!p0 $0x140, s7;
	[sflag:s2] =	ssyncadd.s32 @!p0 $0xFFFFFFC0;
	s2 =	simm.s32 @!p0 $0x4A00  }
0xcc: {  	[tilespmem:s2], [sflag:$0x2] =	stream.indirect.gather @!p0 [hbm4b:s1+s9], $0x80, s5, s9, $0xb8;
	[tilespmem:$0x1E600] =	vst v63  }
0xcd: {  	_ =	swait.ge [sflag:s28], $0x2000  }
0xce: {  	[sflag:s28] =	ssyncset.done $0x0  }
0xcf: {  	s11 =	simm.s32 $0x5;
	[sflag:s28] =	ssyncadd.s32 $0xFFFFE000  }
0xd0: {  	[spmem:s3] =	stream.indirect.scatter.add.f32 [tilespmem:s25], [sflag:$0x8], $0x80, s24, s19, $0xb8;
	[tilespmem:$0x1E600] =	vst v63  }
0xd1: {  	_ =	swait.ge [sflag:s11], $0x2000  }
0xd2: {  	[sflag:s11] =	ssyncset.done $0x0  }
0xd3: {  	s12 =	simm.s32 $0x6;
	[sflag:s11] =	ssyncadd.s32 $0xFFFFE000  }
0xd4: {  	_ =	swait.ge [sflag:s12], $0x2000  }
0xd5: {  	[sflag:s12] =	ssyncset.done $0x0  }
0xd6: {  	s13 =	simm.s32 $0x7;
	[sflag:s12] =	ssyncadd.s32 $0xFFFFE000  }
0xd7: {  	_ =	swait.ge [sflag:s13], $0x2000  }
0xd8: {  	[sflag:s13] =	ssyncset.done $0x0  }
0xd9: {  	s29 =	simm.s32 $0x8;
	[sflag:s13] =	ssyncadd.s32 $0xFFFFE000  }
0xda: {  	_ =	swait.ge [sflag:s29], $0x2000  }
0xdb: {  	[sflag:s29] =	ssyncset.done $0x0  }
0xdc: {  	[sflag:s29] =	ssyncadd.s32 $0xFFFFE000  }
0xdd: {  	[bflag:$0x0] =	sbarrier.arrive $0xFFFF  }
0xde: {  	s30 =	rddreg [dreg:$0xa]  }
0xdf: {  	[hbm:s30], [sflag:s14] =	dma.local [spmem:s16], $0x2780  }
0xe0: {  	_ =	swait.ge [sflag:s17], $0x2780  }
0xe1: {  	s0 =	sadd.s32 $0x1, s0;
	s31 =	rddreg [dreg:$0xb]  }
0xe2: {  	p0 =	sne.s32 s0, s31  }
.Ltmp1:
0xe3: {  	_ = 	snop;
	(pc) =	sbr.rel @p0 .LBB2_1-.Ltmp1, $3  }
0xe4: {  	_ =	sdelay $0x1  }
0xe5: {  	[sflag:s17] =	ssyncset.done $0x0  }
0xe6: {  	s6 =	smov.u32 s14;
	[sflag:s17] =	ssyncadd.s32 $0xFFFFD880  }
0xe7: {  	_ =	sfence.sel $0x180000  }
0xe8: {  	[bflag:$0x0] =	sbarrier.arrive $0xFFFF  }
0xe9: {  	_ =	strace $0x9000004A  }
0xea: {  	s0 =	stileid.u32;
	[bflag:$0x2] =	sbarrier.arrive $0xFFFF  }
0xeb: {  	p0 =	sne.s32 s0, $0x0;
	s0 =	rddreg [dreg:$0x3]  }
0xec: {  	s0 =	sadd.s32 @!p0 $0x100000, s0  }
0xed: {  	[sflag:s0] =	ssyncadd.tile.s32 @!p0 $0x1;
	_ =	shalt  }
.Lfunc_end2:
_tile_overlayer_lowered:
.L_overlay_start_2:
0xee: {  	(tag) =	ssettag $0x2  }
0xef: {  	s0 =	rddreg [dreg:$0x0];
	s2 =	stileid.u32  }
0xf0: {  	s1 =	rddreg [dreg:$0x1];
	p0 =	sne.s32 s2, $0x0  }
0xf1: {  	s3 =	rddreg [dreg:$0x2];
	[bflag:$0x3] =	sbarrier.arrive $0xFFFF;
	s2 =	simm.s32 @!p0 $0x1C09  }
0xf2: {  	[timem:s3], [sflag:s2] =	dma.local @!p0 [hbm:s0], s1  }
0xf3: {  	s0 =	simm.s32 @!p0 $0x9  }
0xf4: {  	_ =	swait.ge @!p0 [sflag:s0], s1  }
0xf5: {  	s1 =	ssub.s32 @!p0 $0x0, s1;
	[sflag:s0] =	ssyncset.done @!p0 $0x0  }
0xf6: {  	[sflag:s0] =	ssyncadd.s32 @!p0 s1  }
0xf7: {  	[bflag:$0x3] =	sbarrier.arrive $0xFFFF  }
0xf8: {  	_ =	shalt  }

// kernel: kernel.14.cloned.1.call-start
scs
__scs_entry_jumppad:
0x0: {  	(pc) =	sbr.rel $0x88, $3  }
0x1: {  	(tag) =	ssettag $0x0;
	lr =	simm.s32 $0x1  }
0x2: {  	[smem:$0x3F97] =	sst lr;
	_ =	strace $0xD0000000  }
0x3: {  	_ = 	snop  }
0x4: {  	_ = 	snop  }
0x5: {  	_ = 	snop  }
0x6: {  	_ = 	snop  }
0x7: {  	_ = 	snop  }
__scs_overlays_trampoline_lowered:
0x8: {  	[smem:$0x3FA6] =	sst s0  }
0x9: {  	[smem:$0x3FA7] =	sst s1  }
0xa: {  	[smem:$0x3FA8] =	sst s2  }
0xb: {  	[smem:$0x3FA9] =	sst s3  }
0xc: {  	[smem:$0x3FAA] =	sst s4  }
0xd: {  	[smem:$0x3FAB] =	sst s5  }
0xe: {  	[smem:$0x3FAC] =	sst s6  }
0xf: {  	[smem:$0x3FAD] =	sst s7  }
0x10: {  	[smem:$0x3FAE] =	sst s8  }
0x11: {  	[smem:$0x3FAF] =	sst s9;
	s0 =	simm.s32 @!p0 $0x0  }
0x12: {  	s1 =	sld [smem:$0x3F95];
	s0 =	simm.s32 @p0 $0x1  }
0x13: {  	[smem:$0x3FB0] =	sst s0;
	s0 =	simm.s32 @!p1 $0x0  }
0x14: {  	s2 =	sld [smem:$0x3F94];
	s0 =	simm.s32 @p1 $0x1  }
0x15: {  	[smem:$0x3FB1] =	sst s0;
	s0 =	simm.s32 @!p2 $0x0  }
0x16: {  	s3 =	sld [smem:$0x3FDB];
	s0 =	simm.s32 @p2 $0x1  }
0x17: {  	s4 =	simm.s32 $0x1BF5;
	[smem:$0x3FB3] =	sst s0  }
0x18: {  	s0 =	sld [smem:$0x3F96];
	_ =	swait.ge [sflag:s4], $0x0  }
0x19: {  	s7 =	sld [smem:$0x3F97]  }
0x1a: {  	s8 =	sadd.s32 $0xFFFFE003, lr  }
0x1b: {  	s9 =	sadd.s32 $0xFFFFFEF7, lr;
	s5 =	simm.s32 $0xFFFFFFFF;
	p2 =	slt.u32 s8, $0xFFFFF086  }
0x1c: {  	p1 =	slt.u32 s9, $0xF7A;
	s5 =	simm.s32 @!p2 $0x0  }
0x1d: {  	s5 =	simm.s32 @p1 $0x1;
	p0 =	seq.s32 s7, s2  }
0x1e: {  	s7 =	smul.u32 @!p0 $0xF7A, s2;
	p2 =	seq.s32 @!p0 s5, $0x0  }
0x1f: {  	s9 =	smul.u32 $0xF7A, s1;
	s8 =	simm.s32 @!p0 $0x1BF5;
	p2 =	por !p2, p0  }
0x20: {  	[sflag:s8] =	ssyncset.s32 @!p0 $0xFFFFF086;
	s6 =	sadd.s32 @!p0 s3, s7;
	s7 =	simm.s32 @!p0 $0x108  }
0x21: {  	s3 =	sadd.s32 s3, s9;
	s6 =	sadd.s32 @!p0 $0x88, s6;
	s7 =	simm.s32 @p2 $0x1082  }
0x22: {  	[simem:s7], [sflag:s8] =	dma.local @!p0 [hbm:s6], $0xF7A  }
0x23: {  	s9 =	sor.u32 $0xD0000000, s2;
	s6 =	simm.s32 $0x108;
	_ =	swait.ge @!p0 [sflag:s8], $0x0  }
0x24: {  	s3 =	sadd.s32 $0x88, s3;
	s6 =	simm.s32 @!p1 $0x1082;
	[sflag:s4] =	ssyncset.s32 $0xFFFFF086  }
0x25: {  	[simem:s6], [sflag:s4] =	dma.local [hbm:s3], $0xF7A  }
0x26: {  	[smem:$0x3F97] =	sst s1;
	(tag) =	ssettag s2;
	_ =	strace s9  }
0x27: {  	s1 =	sld [smem:$0x3FA7]  }
0x28: {  	s2 =	sld [smem:$0x3FA8]  }
0x29: {  	s4 =	sld [smem:$0x3FAA]  }
0x2a: {  	p0 =	seq.s32 s5, $0x0;
	s5 =	sld [smem:$0x3FAB]  }
0x2b: {  	s6 =	sld [smem:$0x3FAC]  }
0x2c: {  	s7 =	sld [smem:$0x3FAD]  }
0x2d: {  	s3 =	simm.s32 $0x108;
	s8 =	sld [smem:$0x3FAE]  }
0x2e: {  	s3 =	simm.s32 @!p0 $0x1082;
	s9 =	sld [smem:$0x3FAF]  }
0x2f: {  	lr =	sadd.s32 s0, s3;
	s0 =	sld [smem:$0x3FA6]  }
0x30: {  	s3 =	sld [smem:$0x3FA9]  }
0x31: {  	[smem:$0x3FB2] =	sst s10  }
0x32: {  	s10 =	sld [smem:$0x3FB0];
	_ =	sdelay $0x3  }
0x33: {  	p0 =	seq.s32 s10, $0x1;
	s10 =	sld [smem:$0x3FB2];
	_ =	sdelay $0x3  }
0x34: {  	[smem:$0x3FB2] =	sst s10  }
0x35: {  	s10 =	sld [smem:$0x3FB1];
	_ =	sdelay $0x3  }
0x36: {  	p1 =	seq.s32 s10, $0x1;
	s10 =	sld [smem:$0x3FB2];
	_ =	sdelay $0x3  }
0x37: {  	[smem:$0x3FB2] =	sst s10  }
0x38: {  	s10 =	sld [smem:$0x3FB3]  }
0x39: {  	_ = 	snop;
	(pc) =	sbr.ind lr, $3  }
0x3a: {  	_ = 	snop  }
0x3b: {  	_ = 	snop  }
0x3c: {  	p2 =	seq.s32 s10, $0x1;
	s10 =	sld [smem:$0x3FB2]  }
0x3d: {  	_ =	shalt  }
0x3e: {  	_ =	shalt  }
0x3f: {  	_ =	shalt  }
0x40: {  	_ =	shalt  }
0x41: {  	_ =	shalt  }
0x42: {  	_ =	shalt  }
0x43: {  	_ =	shalt  }
0x44: {  	_ =	shalt  }
0x45: {  	_ =	shalt  }
0x46: {  	_ =	shalt  }
0x47: {  	_ =	shalt  }
0x48: {  	_ =	shalt  }
0x49: {  	_ =	shalt  }
0x4a: {  	_ =	shalt  }
0x4b: {  	_ =	shalt  }
0x4c: {  	_ =	shalt  }
0x4d: {  	_ =	shalt  }
0x4e: {  	_ =	shalt  }
0x4f: {  	_ =	shalt  }
0x50: {  	_ =	shalt  }
0x51: {  	_ =	shalt  }
0x52: {  	_ =	shalt  }
0x53: {  	_ =	shalt  }
0x54: {  	_ =	shalt  }
0x55: {  	_ =	shalt  }
0x56: {  	_ =	shalt  }
0x57: {  	_ =	shalt  }
0x58: {  	_ =	shalt  }
0x59: {  	_ =	shalt  }
0x5a: {  	_ =	shalt  }
0x5b: {  	_ =	shalt  }
0x5c: {  	_ =	shalt  }
0x5d: {  	_ =	shalt  }
0x5e: {  	_ =	shalt  }
0x5f: {  	_ =	shalt  }
0x60: {  	_ =	shalt  }
0x61: {  	_ =	shalt  }
0x62: {  	_ =	shalt  }
0x63: {  	_ =	shalt  }
0x64: {  	_ =	shalt  }
0x65: {  	_ =	shalt  }
0x66: {  	_ =	shalt  }
0x67: {  	_ =	shalt  }
0x68: {  	_ =	shalt  }
0x69: {  	_ =	shalt  }
0x6a: {  	_ =	shalt  }
0x6b: {  	_ =	shalt  }
0x6c: {  	_ =	shalt  }
0x6d: {  	_ =	shalt  }
0x6e: {  	_ =	shalt  }
0x6f: {  	_ =	shalt  }
0x70: {  	_ =	shalt  }
0x71: {  	_ =	shalt  }
0x72: {  	_ =	shalt  }
0x73: {  	_ =	shalt  }
0x74: {  	_ =	shalt  }
0x75: {  	_ =	shalt  }
0x76: {  	_ =	shalt  }
0x77: {  	_ =	shalt  }
0x78: {  	_ =	shalt  }
0x79: {  	_ =	shalt  }
0x7a: {  	_ =	shalt  }
0x7b: {  	_ =	shalt  }
0x7c: {  	_ =	shalt  }
0x7d: {  	_ =	shalt  }
0x7e: {  	_ =	shalt  }
0x7f: {  	_ =	shalt  }
0x80: {  	_ =	shalt  }
0x81: {  	_ =	shalt  }
0x82: {  	_ =	shalt  }
0x83: {  	_ =	shalt  }
0x84: {  	_ =	shalt  }
0x85: {  	_ =	shalt  }
0x86: {  	_ =	shalt  }
0x87: {  	_ =	shalt  }
.Lfunc_end0:
.L_simem_size_0:
called_computation.2_lowered:
.L_overlay_start_0:
0x88: {  	s2 =	sld [smem:$0x3FD9]  }
0x89: {  	s3 =	sld [smem:$0x3FFE];
	_ =	sdelay $0x1  }
0x8a: {  	s1 =	srdreg.scid  }
0x8b: {  	s0 =	sand.u32 $0x1, s1  }
0x8c: {  	s17 =	sshll.u32 s0, $0xA;
	s2 =	sadd.s32 s3, s2  }
0x8d: {  	s2 =	sadd.s32 s2, s17  }
0x8e: {  	[smem:$0x3FBE] =	sst s2  }
0x8f: {  	_ = 	snop  }
0x90: {  	s2 =	sld [smem:$0x3FD0];
	(tm) =	ssettm $0x1  }
0x91: {  	s18 =	sld [smem:$0x3FFB];
	_ =	sdelay $0x3  }
0x92: {  	_ =	strace s18  }
0x93: {  	s3 =	sld [smem:$0x3FFC];
	_ =	sdelay $0x3  }
0x94: {  	_ =	strace s3  }
0x95: {  	s3 =	sld [smem:$0x3FFD];
	_ =	sdelay $0x3  }
0x96: {  	_ =	strace s3  }
0x97: {  	_ =	strace $0x8FFFFFFF  }
0x98: {  	s19 =	sld [smem:$0x3FDB];
	_ =	sdelay $0x1  }
0x99: {  	s4 =	simm.s32 $_scs_section_size  }
0x9a: {  	s5 =	simm.s32 $_size__tile_overlayer_lowered;
	s6 =	simm.s32 $_tile_overlayer_lowered  }
0x9b: {  	s22 =	simm.s32 $0x1BFF;
	s21 =	sshll.u32 s6, $0x1;
	s3 =	sadd.s32 s4, s19  }
0x9c: {  	s7 =	simm.s32 $0x0;
	s20 =	sshll.u32 s5, $0x1;
	s5 =	sadd.s32 s21, s3  }
0x9d: {  	[timem:s7], [sflag:s22] =	dma.local [hbm:s5], s20  }
0x9e: {  	_ =	swait.ge [sflag:s22], s20  }
0x9f: {  	s4 =	ssub.s32 $0x0, s20;
	[sflag:s22] =	ssyncset.done $0x0  }
0xa0: {  	[sflag:s22] =	ssyncadd.s32 s4;
	_ =	sdelay $0x1  }
0xa1: {  	s23 =	simm.s32 $0x1B8B  }
0xa2: {  	_ =	swait.ge [sflag:s23], $0x1  }
0xa3: {  	[sflag:s23] =	ssyncset.done $0x0  }
0xa4: {  	s25 =	simm.s32 $0x1B8E;
	s24 =	sld [smem:$0x3FFE];
	[sflag:s23] =	ssyncadd.s32 $0xFFFFFFFF  }
0xa5: {  	s26 =	simm.s32 $execute0_lowered;
	[smem:$0x3FD2] =	sst s25  }
0xa6: {  	s5 =	sshll.u32 s26, $0x1;
	_ =	strace $0x8000004C;
	[dreg:$0x1] =	wrdreg $0xFFFFFFFF  }
0xa7: {  	s28 =	simm.s32 $_size_execute0_lowered;
	s3 =	sadd.s32 s3, s5;
	[dreg:$0x0] =	wrdreg $0x0  }
0xa8: {  	s5 =	sshll.u32 s28, $0x1;
	[dreg:$0x2] =	wrdreg s3  }
0xa9: {  	[dreg:$0x3] =	wrdreg s5  }
0xaa: {  	[dreg:$0x4] =	wrdreg $0xC0  }
0xab: {  	_ =	task [dreg:s7], $0x5FFFF  }
0xac: {  	[dreg:$0x1] =	wrdreg $0xFFFFFFFF  }
0xad: {  	[dreg:$0x0] =	wrdreg $0x60  }
0xae: {  	[dreg:$0x2] =	wrdreg s2  }
0xaf: {  	[dreg:$0x3] =	wrdreg s24  }
0xb0: {  	[dreg:$0x4] =	wrdreg $0xAA000  }
0xb1: {  	[dreg:$0x5] =	wrdreg $0x9  }
0xb2: {  	_ =	task.clear_ibuf [dreg:s7], $0x6FFFF;
	_ =	strace $0x9000004C  }
0xb3: {  	s29 =	simm.s32 $0x9;
	_ =	strace $0x8000004E  }
0xb4: {  	_ =	swait.ge [sflag:s29], $0x1  }
0xb5: {  	[sflag:s29] =	ssyncadd.s32 $0xFFFFFFFF  }
0xb6: {  	_ =	strace $0x9000004E  }
0xb7: {  	_ =	sfence  }
0xb8: {  	s30 =	sld [smem:$0x0];
	_ =	sdelay $0x2  }
0xb9: {  	s31 =	sshll.u32 s1, $0xD;
	s1 =	sshrl.u32 s1, $0x2  }
0xba: {  	s3 =	sand.u32 $0x4000, s31;
	s1 =	sadd.s32 s1, s30  }
0xbb: {  	s0 =	sor.u32 s3, s0;
	s1 =	sshll.u32 s1, $0x11  }
0xbc: {  	s0 =	sor.u32 s1, s0  }
0xbd: {  	s0 =	sadd.s32 $0x8F2B, s0  }
0xbe: {  	[sflag:s0] =	ssyncadd.remote.s32 $0x1  }
0xbf: {  	_ =	sfence.sel $0xFFFF  }
0xc0: {  	[dreg:$0x0] =	wrdreg $0xFFFFFFFF;
	(pc) =	sbr.abs _section_cstart, $3  }
0xc1: {  	[dreg:$0x1] =	wrdreg $0xFFFFFFFF  }
0xc2: {  	_ =	task.clear_ibuf [dreg:s7], $0x2FFFF;
	_ =	strace $0x9FFFFFFF  }
0xc3: {  	(tm) =	ssettm $0x7FFFFFFF  }
tec
execute0_lowered:
.L_overlay_start_1:
0x0: {  	(tag) =	ssettag $0x1  }
0x1: {  	s1 =	rddreg [dreg:$0x0]  }
0x2: {  	s0 =	srdreg.scid;
	s2 =	rddreg [dreg:$0x1]  }
0x3: {  	s14 =	stileid.u32;
	s3 =	rddreg [dreg:$0x2]  }
0x4: {  	s30 =	simm.s32 $0x2900;
	s31 =	simm.s32 $0x6A00;
	s6 =	smul.u32 $0x13C00, s14  }
0x5: {  	s28 =	simm.s32 $0x4;
	s0 =	sand.u32 $0x1, s0;
	s17 =	smul.u32 $0x4F000, s14  }
0x6: {  	s4 =	sshll.u32 s14, $0x1;
	s9 =	sadd.s32 $0xCA00, s2;
	s12 =	smul.u32 $0x5000, s14  }
0x7: {  	s19 =	sshll.u32 s14, $0x6;
	s5 =	sor.u32 s0, s4;
	s7 =	smul.u32 $0x13C000, s0  }
0x8: {  	s4 =	simm.s32 $0x0;
	s11 =	ssub.s32 $0x2, s0;
	s0 =	smul.u32 $0x2800, s0  }
0x9: {  	s5 =	smul.u32 $0x2800, s5;
	[smem:$0x7FF] =	sst s4;
	s10 =	sshrl.u32 s6, $0x3  }
0xa: {  	s13 =	sshrl.u32 s11, $0x1;
	_ =	strace $0x8000004D;
	s10 =	sadd.s32 s10, s2  }
0xb: {  	s6 =	sadd.s32 s6, s7;
	s7 =	sshrl.u32 s17, $0x2;
	s11 =	ssub.s32 s11, s13  }
0xc: {  	s0 =	sadd.s32 s0, s12;
	s17 =	simm.s32 $0x9;
	[dreg:$0x4] =	wrdreg s30  }
0xd: {  	[dreg:$0x5] =	wrdreg s31;
	s5 =	sshrl.u32 s5, $0x3;
	s6 =	sshrl.u32 s6, $0x3  }
0xe: {  	s7 =	sadd.s32 s7, s3;
	s18 =	sadd.s32 $0x16A00, s10;
	s21 =	sor.u32 $0x100, s0  }
0xf: {  	s23 =	smax.u32 s11, $0x1;
	s25 =	sor.u32 $0xC0, s0;
	s26 =	sor.u32 $0x80, s0  }
0x10: {  	s0 =	sor.u32 $0x140, s0;
	s8 =	sadd.s32 s5, s2;
	s2 =	sadd.s32 s6, s2  }
0x11: {  	[dreg:$0x6] =	wrdreg s18;
	s6 =	sor.u32 $0x1C09, s19;
	s20 =	sadd.s32 s9, s5  }
0x12: {  	s5 =	sshrl.u32 s21, $0x3;
	[dreg:$0xb] =	wrdreg s23;
	s0 =	sshrl.u32 s0, $0x3  }
0x13: {  	s16 =	sshrl.u32 s7, $0x3;
	s18 =	simm.s32 $0x2800;
	s19 =	simm.s32 $0x40  }
0x14: {  	s21 =	simm.s32 $0x2880;
	s23 =	simm.s32 $0x1;
	s8 =	sadd.s32 $0x2A00, s8  }
0x15: {  	[dreg:$0x7] =	wrdreg s20;
	s22 =	sadd.s32 $0x8, s20;
	s2 =	sadd.s32 $0x3E200, s2  }
0x16: {  	s24 =	sadd.s32 s5, s9;
	s5 =	sshrl.u32 s26, $0x3;
	[dreg:$0x8] =	wrdreg s8  }
0x17: {  	s15 =	sadd.s32 s0, s9;
	s20 =	simm.s32 $0x2A00;
	[dreg:$0x9] =	wrdreg s22  }
0x18: {  	s26 =	simm.s32 $0x2;
	s0 =	simm.s32 $0x0;
	[dreg:$0xa] =	wrdreg s2  }
0x19: {  	[dreg:$0xc] =	wrdreg s24;
	s2 =	sshrl.u32 s25, $0x3;
	s29 =	sadd.s32 s5, s9  }
0x1a: {  	s22 =	simm.s32 $0x4A00;
	s2 =	sadd.s32 s2, s9;
	[dreg:$0xe] =	wrdreg s29  }
0x1b: {  	s24 =	simm.s32 $0x2980;
	s25 =	simm.s32 $0x8A00;
	[dreg:$0xd] =	wrdreg s2  }
.LBB2_1:
0x1c: {  	s2 =	rddreg [dreg:$0x6]  }
0x1d: {  	[spmem:s16], [sflag:s6] =	dma.local [hbm:s2], $0x2780  }
0x1e: {  	_ =	swait.ge [sflag:s17], $0x2780  }
0x1f: {  	[sflag:s17] =	ssyncset.done $0x0  }
0x20: {  	s10 =	rddreg [dreg:$0x8];
	[sflag:s17] =	ssyncadd.s32 $0xFFFFD880  }
0x21: {  	[tilespmem:s4], [sflag:$0x9] =	stream.linear.gather [hbm4b:s10+s4], $0x2800, $0x38;
	[tilespmem:$0x1E600] =	vst v63  }
0x22: {  	_ =	swait.ge [sflag:s17], $0x2800  }
0x23: {  	[sflag:s17] =	ssyncset.done $0x0  }
0x24: {  	[sflag:s17] =	ssyncadd.s32 $0xFFFFD800  }
0x25: {  	[bflag:$0x0] =	sbarrier.arrive $0xFFFF  }
0x26: {  	s11 =	rddreg [dreg:$0x7]  }
0x27: {  	[tilespmem:s18], [sflag:$0x9] =	stream.linear.gather [hbm4b:s11+s4], $0x40, $0x38;
	[tilespmem:$0x1E600] =	vst v63  }
0x28: {  	_ =	swait.ge [sflag:s17], $0x40  }
0x29: {  	[sflag:s17] =	ssyncset.done $0x0  }
0x2a: {  	[sflag:s17] =	ssyncadd.s32 $0xFFFFFFC0  }
0x2b: {  	[tilespmem:s20], [sflag:$0x1] =	stream.indirect.gather [hbm4b:s1+s19], $0x80, s4, s19, $0xb8;
	[tilespmem:$0x1E600] =	vst v63  }
0x2c: {  	s12 =	rddreg [dreg:$0x9]  }
0x2d: {  	[tilespmem:s21], [sflag:$0x9] =	stream.linear.gather [hbm4b:s12+s4], $0x40, $0x38;
	[tilespmem:$0x1E600] =	vst v63  }
0x2e: {  	_ =	swait.ge [sflag:s17], $0x40  }
0x2f: {  	p0 =	por $0x1, $0x1;
	[sflag:s17] =	ssyncset.done $0x0  }
0x30: {  	s5 =	simm.s32 @!p0 $0x7;
	[sflag:s17] =	ssyncadd.s32 $0xFFFFFFC0  }
0x31: {  	[tilespmem:s22], [sflag:$0x2] =	stream.indirect.gather [hbm4b:s1+s19], $0x80, s19, s19, $0xb8;
	[tilespmem:$0x1E600] =	vst v63  }
0x32: {  	_ =	swait.ge @!p0 [sflag:s5], $0x2000  }
0x33: {  	s7 =	rddreg [dreg:$0x4];
	[sflag:s5] =	ssyncset.done @!p0 $0x0  }
0x34: {  	s12 =	rddreg [dreg:$0xe];
	[sflag:s5] =	ssyncadd.s32 @!p0 $0xFFFFE000  }
0x35: {  	[tilespmem:s7], [sflag:$0x9] =	stream.linear.gather [hbm4b:s12+s4], $0x40, $0x38;
	[tilespmem:$0x1E600] =	vst v63  }
0x36: {  	_ =	swait.ge [sflag:s17], $0x40  }
0x37: {  	[sflag:s17] =	ssyncset.done $0x0  }
0x38: {  	s29 =	simm.s32 $0x80;
	s13 =	rddreg [dreg:$0x5];
	[sflag:s17] =	ssyncadd.s32 $0xFFFFFFC0  }
0x39: {  	[tilespmem:s13], [sflag:$0x3] =	stream.indirect.gather [hbm4b:s1+s19], $0x80, s29, s19, $0xb8;
	[tilespmem:$0x1E600] =	vst v63  }
0x3a: {  	_ =	swait.ge [sflag:s23], $0x2000  }
0x3b: {  	[sflag:s23] =	ssyncset.done $0x0  }
0x3c: {  	s5 =	simm.s32 @!p0 $0x8;
	[sflag:s23] =	ssyncadd.s32 $0xFFFFE000  }
0x3d: {  	[spmem:s3] =	stream.indirect.scatter.add.f32 [tilespmem:s20], [sflag:$0x5], $0x80, s18, s19, $0xb8;
	[tilespmem:$0x1E600] =	vst v63  }
0x3e: {  	_ =	swait.ge @!p0 [sflag:s5], $0x2000  }
0x3f: {  	[sflag:s5] =	ssyncset.done @!p0 $0x0  }
0x40: {  	s30 =	rddreg [dreg:$0xd];
	[sflag:s5] =	ssyncadd.s32 @!p0 $0xFFFFE000  }
0x41: {  	[tilespmem:s24], [sflag:$0x9] =	stream.linear.gather [hbm4b:s30+s4], $0x40, $0x38;
	[tilespmem:$0x1E600] =	vst v63  }
0x42: {  	_ =	swait.ge [sflag:s17], $0x40  }
0x43: {  	[sflag:s17] =	ssyncset.done $0x0  }
0x44: {  	s31 =	simm.s32 $0xC0;
	[sflag:s17] =	ssyncadd.s32 $0xFFFFFFC0  }
0x45: {  	[tilespmem:s25], [sflag:$0x4] =	stream.indirect.gather [hbm4b:s1+s19], $0x80, s31, s19, $0xb8;
	[tilespmem:$0x1E600] =	vst v63  }
0x46: {  	_ =	swait.ge [sflag:s26], $0x2000  }
0x47: {  	p0 =	por $0x0, $0x0;
	[sflag:s26] =	ssyncset.done $0x0  }
0x48: {  	s5 =	simm.s32 @p0 $0x3;
	[sflag:s26] =	ssyncadd.s32 $0xFFFFE000  }
0x49: {  	[spmem:s3] =	stream.indirect.scatter.add.f32 [tilespmem:s22], [sflag:$0x6], $0x80, s21, s19, $0xb8;
	[tilespmem:$0x1E600] =	vst v63  }
0x4a: {  	_ =	swait.ge @p0 [sflag:s5], $0x2000  }
0x4b: {  	s7 =	simm.s32 @p0 $0x6A00;
	s8 =	simm.s32 @p0 $0x40;
	[sflag:s5] =	ssyncset.done @p0 $0x0  }
0x4c: {  	s9 =	simm.s32 @p0 $0x2900;
	[sflag:s5] =	ssyncadd.s32 @p0 $0xFFFFE000;
	s5 =	simm.s32 @!p0 $0x5  }
0x4d: {  	[spmem:s3] =	stream.indirect.scatter.add.f32 @p0 [tilespmem:s7], [sflag:$0x7], $0x80, s9, s8, $0xb8;
	[tilespmem:$0x1E600] =	vst v63  }
0x4e: {  	_ =	swait.ge @!p0 [sflag:s5], $0x2000  }
0x4f: {  	s7 =	simm.s32 @!p0 $0x0;
	s8 =	simm.s32 @!p0 $0x2800;
	[sflag:s5] =	ssyncset.done @!p0 $0x0  }
0x50: {  	s2 =	rddreg [dreg:$0xc];
	[sflag:s5] =	ssyncadd.s32 @!p0 $0xFFFFE000;
	s5 =	simm.s32 @!p0 $0x9  }
0x51: {  	[tilespmem:s8], [sflag:$0x9] =	stream.linear.gather @!p0 [hbm4b:s2+s7], $0x40, $0x38;
	[tilespmem:$0x1E600] =	vst v63  }
0x52: {  	_ =	swait.ge @!p0 [sflag:s5], $0x40  }
0x53: {  	s10 =	simm.s32 @!p0 $0x40;
	s11 =	simm.s32 @!p0 $0x3;
	[sflag:s5] =	ssyncset.done @!p0 $0x0  }
0x54: {  	s9 =	simm.s32 @!p0 $0x2A00;
	s8 =	simm.s32 @!p0 $0x100;
	[sflag:s5] =	ssyncadd.s32 @!p0 $0xFFFFFFC0  }
0x55: {  	[tilespmem:s9], [sflag:$0x1] =	stream.indirect.gather @!p0 [hbm4b:s1+s10], $0x80, s8, s10, $0xb8;
	[tilespmem:$0x1E600] =	vst v63  }
0x56: {  	_ =	swait.ge @!p0 [sflag:s11], $0x2000  }
0x57: {  	s8 =	simm.s32 @!p0 $0x2900;
	[sflag:s11] =	ssyncset.done @!p0 $0x0  }
0x58: {  	s9 =	simm.s32 @!p0 $0x6A00;
	[sflag:s11] =	ssyncadd.s32 @!p0 $0xFFFFE000;
	s11 =	simm.s32 @!p0 $0x6  }
0x59: {  	[spmem:s3] =	stream.indirect.scatter.add.f32 @!p0 [tilespmem:s9], [sflag:$0x7], $0x80, s8, s10, $0xb8;
	[tilespmem:$0x1E600] =	vst v63  }
0x5a: {  	_ =	swait.ge @!p0 [sflag:s11], $0x2000  }
0x5b: {  	[sflag:s11] =	ssyncset.done @!p0 $0x0  }
0x5c: {  	s8 =	simm.s32 @!p0 $0x2880;
	[sflag:s11] =	ssyncadd.s32 @!p0 $0xFFFFE000  }
0x5d: {  	[tilespmem:s8], [sflag:$0x9] =	stream.linear.gather @!p0 [hbm4b:s15+s7], $0x40, $0x38;
	[tilespmem:$0x1E600] =	vst v63  }
0x5e: {  	s14 =	smov.u32 s6;
	_ =	swait.ge @!p0 [sflag:s5], $0x40  }
0x5f: {  	p1 =	por $0x0, $0x0;
	s9 =	simm.s32 $0x400;
	[sflag:s5] =	ssyncset.done @!p0 $0x0  }
0x60: {  	s11 =	simm.s32 @!p0 $0x4A00;
	s8 =	simm.s32 @!p0 $0x140;
	[sflag:s5] =	ssyncadd.s32 @!p0 $0xFFFFFFC0  }
0x61: {  	[tilespmem:s11], [sflag:$0x2] =	stream.indirect.gather @!p0 [hbm4b:s1+s10], $0x80, s8, s10, $0xb8;
	[tilespmem:$0x1E600] =	vst v63  }
0x62: {  	s7 =	simm.s32 $0x800;
	s5 =	sadd.s32 $0x20, s15;
	s10 =	sadd.s32 $0x20, s30  }
0x63: {  	s11 =	sadd.s32 $0x20, s12;
	s8 =	sadd.s32 $0x20, s2;
	_ =	swait.ge [sflag:s28], $0x2000  }
.LBB2_2:
0x64: {  	[sflag:s28] =	ssyncset.done $0x0  }
0x65: {  	s30 =	simm.s32 @!p1 $0x7;
	[sflag:s28] =	ssyncadd.s32 $0xFFFFE000  }
0x66: {  	[spmem:s3] =	stream.indirect.scatter.add.f32 [tilespmem:s25], [sflag:$0x8], $0x80, s24, s19, $0xb8;
	[tilespmem:$0x1E600] =	vst v63  }
0x67: {  	_ =	swait.ge @!p1 [sflag:s30], $0x2000  }
0x68: {  	[sflag:s30] =	ssyncset.done @!p1 $0x0  }
0x69: {  	s31 =	rddreg [dreg:$0x4];
	[sflag:s30] =	ssyncadd.s32 @!p1 $0xFFFFE000  }
0x6a: {  	[tilespmem:s31], [sflag:$0x9] =	stream.linear.gather [hbm4b:s11+s4], $0x40, $0x38;
	[tilespmem:$0x1E600] =	vst v63  }
0x6b: {  	_ =	swait.ge [sflag:s17], $0x40  }
0x6c: {  	s12 =	sshra.s32 s9, $0x2;
	[sflag:s17] =	ssyncset.done $0x0  }
0x6d: {  	s2 =	sadd.s32 $0x80, s12;
	s13 =	rddreg [dreg:$0x5];
	[sflag:s17] =	ssyncadd.s32 $0xFFFFFFC0  }
0x6e: {  	[tilespmem:s13], [sflag:$0x3] =	stream.indirect.gather [hbm4b:s1+s19], $0x80, s2, s19, $0xb8;
	[tilespmem:$0x1E600] =	vst v63  }
0x6f: {  	_ =	swait.ge [sflag:s23], $0x2000  }
0x70: {  	[sflag:s23] =	ssyncset.done $0x0  }
0x71: {  	s2 =	simm.s32 @!p1 $0x8;
	[sflag:s23] =	ssyncadd.s32 $0xFFFFE000  }
0x72: {  	[spmem:s3] =	stream.indirect.scatter.add.f32 [tilespmem:s20], [sflag:$0x5], $0x80, s18, s19, $0xb8;
	[tilespmem:$0x1E600] =	vst v63  }
0x73: {  	_ =	swait.ge @!p1 [sflag:s2], $0x2000  }
0x74: {  	[sflag:s2] =	ssyncset.done @!p1 $0x0  }
0x75: {  	[sflag:s2] =	ssyncadd.s32 @!p1 $0xFFFFE000  }
0x76: {  	[tilespmem:s24], [sflag:$0x9] =	stream.linear.gather [hbm4b:s10+s4], $0x40, $0x38;
	[tilespmem:$0x1E600] =	vst v63  }
0x77: {  	_ =	swait.ge [sflag:s17], $0x40  }
0x78: {  	[sflag:s17] =	ssyncset.done $0x0  }
0x79: {  	s31 =	sadd.s32 $0xC0, s12;
	[sflag:s17] =	ssyncadd.s32 $0xFFFFFFC0  }
0x7a: {  	[tilespmem:s25], [sflag:$0x4] =	stream.indirect.gather [hbm4b:s1+s19], $0x80, s31, s19, $0xb8;
	[tilespmem:$0x1E600] =	vst v63  }
0x7b: {  	_ =	swait.ge [sflag:s26], $0x2000  }
0x7c: {  	p1 =	seq.s32 s9, $0x9C00;
	[sflag:s26] =	ssyncset.done $0x0  }
0x7d: {  	s2 =	simm.s32 @p1 $0x3;
	[sflag:s26] =	ssyncadd.s32 $0xFFFFE000  }
0x7e: {  	[spmem:s3] =	stream.indirect.scatter.add.f32 [tilespmem:s22], [sflag:$0x6], $0x80, s21, s19, $0xb8;
	[tilespmem:$0x1E600] =	vst v63  }
0x7f: {  	_ =	swait.ge @p1 [sflag:s2], $0x2000  }
0x80: {  	s30 =	simm.s32 @p1 $0x6A00;
	s6 =	simm.s32 @p1 $0x40;
	[sflag:s2] =	ssyncset.done @p1 $0x0  }
0x81: {  	s12 =	simm.s32 @p1 $0x2900;
	[sflag:s2] =	ssyncadd.s32 @p1 $0xFFFFE000;
	s2 =	simm.s32 @!p1 $0x5  }
0x82: {  	[spmem:s3] =	stream.indirect.scatter.add.f32 @p1 [tilespmem:s30], [sflag:$0x7], $0x80, s12, s6, $0xb8;
	[tilespmem:$0x1E600] =	vst v63  }
0x83: {  	s29 =	smov.u32 s7;
	_ =	swait.ge @!p1 [sflag:s2], $0x2000  }
0x84: {  	s9 =	sshra.s32 @!p1 s9, $0x2;
	s6 =	simm.s32 @!p1 $0x0;
	[sflag:s2] =	ssyncset.done @!p1 $0x0  }
0x85: {  	s12 =	simm.s32 @!p1 $0x2800;
	[sflag:s2] =	ssyncadd.s32 @!p1 $0xFFFFE000;
	s2 =	simm.s32 @!p1 $0x9  }
0x86: {  	[tilespmem:s12], [sflag:$0x9] =	stream.linear.gather @!p1 [hbm4b:s8+s6], $0x40, $0x38;
	[tilespmem:$0x1E600] =	vst v63  }
0x87: {  	s13 =	sadd.s32 @!p1 $0x140, s9;
	s31 =	sadd.s32 @!p1 $0x100, s9;
	_ =	swait.ge @!p1 [sflag:s2], $0x40  }
0x88: {  	s9 =	smov.u32 s29;
	s29 =	simm.s32 @!p1 $0x2A00;
	[sflag:s2] =	ssyncset.done @!p1 $0x0  }
0x89: {  	s30 =	simm.s32 @!p1 $0x3;
	s12 =	simm.s32 @!p1 $0x40;
	[sflag:s2] =	ssyncadd.s32 @!p1 $0xFFFFFFC0  }
0x8a: {  	[tilespmem:s29], [sflag:$0x1] =	stream.indirect.gather @!p1 [hbm4b:s1+s12], $0x80, s31, s12, $0xb8;
	[tilespmem:$0x1E600] =	vst v63  }
0x8b: {  	_ =	swait.ge @!p1 [sflag:s30], $0x2000  }
0x8c: {  	s29 =	simm.s32 @!p1 $0x2900;
	[sflag:s30] =	ssyncset.done @!p1 $0x0  }
0x8d: {  	s31 =	simm.s32 @!p1 $0x6A00;
	[sflag:s30] =	ssyncadd.s32 @!p1 $0xFFFFE000;
	s30 =	simm.s32 @!p1 $0x6  }
0x8e: {  	[spmem:s3] =	stream.indirect.scatter.add.f32 @!p1 [tilespmem:s31], [sflag:$0x7], $0x80, s29, s12, $0xb8;
	[tilespmem:$0x1E600] =	vst v63  }
0x8f: {  	_ =	swait.ge @!p1 [sflag:s30], $0x2000  }
0x90: {  	s7 =	sadd.s32 $0x400, s7;
	[sflag:s30] =	ssyncset.done @!p1 $0x0  }
0x91: {  	p0 =	sne.s32 s7, $0xA000;
	s29 =	simm.s32 @!p1 $0x2880;
	[sflag:s30] =	ssyncadd.s32 @!p1 $0xFFFFE000  }
0x92: {  	[tilespmem:s29], [sflag:$0x9] =	stream.linear.gather @!p1 [hbm4b:s5+s6], $0x40, $0x38;
	[tilespmem:$0x1E600] =	vst v63  }
.Ltmp0:
0x93: {  	_ =	swait.ge @!p1 [sflag:s2], $0x40;
	(pc) =	sbr.rel @p0 .LBB2_2-.Ltmp0, $4  }
0x94: {  	s11 =	sadd.s32 $0x20, s11;
	s10 =	sadd.s32 $0x20, s10;
	[sflag:s2] =	ssyncset.done @!p1 $0x0  }
0x95: {  	s8 =	sadd.s32 $0x20, s8;
	s6 =	simm.s32 @!p1 $0x4A00;
	[sflag:s2] =	ssyncadd.s32 @!p1 $0xFFFFFFC0  }
0x96: {  	[tilespmem:s6], [sflag:$0x2] =	stream.indirect.gather @!p1 [hbm4b:s1+s12], $0x80, s13, s12, $0xb8;
	[tilespmem:$0x1E600] =	vst v63  }
0x97: {  	s5 =	sadd.s32 $0x20, s5;
	p1 =	seq.s32 s9, $0x0;
	_ =	swait.ge [sflag:s28], $0x2000  }
0x98: {  	[sflag:s28] =	ssyncset.done $0x0  }
0x99: {  	s2 =	simm.s32 @!p1 $0x7;
	[sflag:s28] =	ssyncadd.s32 $0xFFFFE000  }
0x9a: {  	[spmem:s3] =	stream.indirect.scatter.add.f32 [tilespmem:s25], [sflag:$0x8], $0x80, s24, s19, $0xb8;
	[tilespmem:$0x1E600] =	vst v63  }
0x9b: {  	_ =	swait.ge @!p1 [sflag:s2], $0x2000  }
0x9c: {  	[sflag:s2] =	ssyncset.done @!p1 $0x0  }
0x9d: {  	s6 =	rddreg [dreg:$0x4];
	[sflag:s2] =	ssyncadd.s32 @!p1 $0xFFFFE000  }
0x9e: {  	[tilespmem:s6], [sflag:$0x9] =	stream.linear.gather [hbm4b:s11+s4], $0x40, $0x38;
	[tilespmem:$0x1E600] =	vst v63  }
0x9f: {  	_ =	swait.ge [sflag:s17], $0x40  }
0xa0: {  	s31 =	sshra.s32 s9, $0x2;
	[sflag:s17] =	ssyncset.done $0x0  }
0xa1: {  	s7 =	sadd.s32 $0x80, s31;
	s30 =	rddreg [dreg:$0x5];
	[sflag:s17] =	ssyncadd.s32 $0xFFFFFFC0  }
0xa2: {  	[tilespmem:s30], [sflag:$0x3] =	stream.indirect.gather [hbm4b:s1+s19], $0x80, s7, s19, $0xb8;
	[tilespmem:$0x1E600] =	vst v63  }
0xa3: {  	_ =	swait.ge [sflag:s23], $0x2000  }
0xa4: {  	[sflag:s23] =	ssyncset.done $0x0  }
0xa5: {  	s2 =	simm.s32 @!p1 $0x8;
	[sflag:s23] =	ssyncadd.s32 $0xFFFFE000  }
0xa6: {  	[spmem:s3] =	stream.indirect.scatter.add.f32 [tilespmem:s20], [sflag:$0x5], $0x80, s18, s19, $0xb8;
	[tilespmem:$0x1E600] =	vst v63  }
0xa7: {  	_ =	swait.ge @!p1 [sflag:s2], $0x2000  }
0xa8: {  	[sflag:s2] =	ssyncset.done @!p1 $0x0  }
0xa9: {  	[sflag:s2] =	ssyncadd.s32 @!p1 $0xFFFFE000  }
0xaa: {  	[tilespmem:s24], [sflag:$0x9] =	stream.linear.gather [hbm4b:s10+s4], $0x40, $0x38;
	[tilespmem:$0x1E600] =	vst v63  }
0xab: {  	_ =	swait.ge [sflag:s17], $0x40  }
0xac: {  	[sflag:s17] =	ssyncset.done $0x0  }
0xad: {  	s10 =	sadd.s32 $0xC0, s31;
	[sflag:s17] =	ssyncadd.s32 $0xFFFFFFC0  }
0xae: {  	[tilespmem:s25], [sflag:$0x4] =	stream.indirect.gather [hbm4b:s1+s19], $0x80, s10, s19, $0xb8;
	[tilespmem:$0x1E600] =	vst v63  }
0xaf: {  	_ =	swait.ge [sflag:s26], $0x2000  }
0xb0: {  	p0 =	seq.s32 s9, $0x9C00;
	[sflag:s26] =	ssyncset.done $0x0  }
0xb1: {  	s2 =	simm.s32 @p0 $0x3;
	[sflag:s26] =	ssyncadd.s32 $0xFFFFE000  }
0xb2: {  	[spmem:s3] =	stream.indirect.scatter.add.f32 [tilespmem:s22], [sflag:$0x6], $0x80, s21, s19, $0xb8;
	[tilespmem:$0x1E600] =	vst v63  }
0xb3: {  	_ =	swait.ge @p0 [sflag:s2], $0x2000  }
0xb4: {  	s6 =	simm.s32 @p0 $0x6A00;
	s7 =	simm.s32 @p0 $0x40;
	[sflag:s2] =	ssyncset.done @p0 $0x0  }
0xb5: {  	s10 =	simm.s32 @p0 $0x2900;
	[sflag:s2] =	ssyncadd.s32 @p0 $0xFFFFE000;
	s2 =	simm.s32 @!p0 $0x5  }
0xb6: {  	[spmem:s3] =	stream.indirect.scatter.add.f32 @p0 [tilespmem:s6], [sflag:$0x7], $0x80, s10, s7, $0xb8;
	[tilespmem:$0x1E600] =	vst v63  }
0xb7: {  	_ =	swait.ge @!p0 [sflag:s2], $0x2000  }
0xb8: {  	s6 =	simm.s32 @!p0 $0x0;
	[sflag:s2] =	ssyncset.done @!p0 $0x0  }
0xb9: {  	s7 =	simm.s32 @!p0 $0x2800;
	[sflag:s2] =	ssyncadd.s32 @!p0 $0xFFFFE000;
	s2 =	simm.s32 @!p0 $0x9  }
0xba: {  	[tilespmem:s7], [sflag:$0x9] =	stream.linear.gather @!p0 [hbm4b:s8+s6], $0x40, $0x38;
	[tilespmem:$0x1E600] =	vst v63  }
0xbb: {  	_ =	swait.ge @!p0 [sflag:s2], $0x40  }
0xbc: {  	s10 =	simm.s32 @!p0 $0x2A00;
	s7 =	sshra.s32 @!p0 s9, $0x2;
	[sflag:s2] =	ssyncset.done @!p0 $0x0  }
0xbd: {  	s9 =	simm.s32 @!p0 $0x40;
	s8 =	sadd.s32 @!p0 $0x100, s7;
	[sflag:s2] =	ssyncadd.s32 @!p0 $0xFFFFFFC0  }
0xbe: {  	[tilespmem:s10], [sflag:$0x1] =	stream.indirect.gather @!p0 [hbm4b:s1+s9], $0x80, s8, s9, $0xb8;
	[tilespmem:$0x1E600] =	vst v63  }
0xbf: {  	s8 =	simm.s32 @!p0 $0x3  }
0xc0: {  	_ =	swait.ge @!p0 [sflag:s8], $0x2000  }
0xc1: {  	[sflag:s8] =	ssyncset.done @!p0 $0x0  }
0xc2: {  	s10 =	simm.s32 @!p0 $0x2900;
	[sflag:s8] =	ssyncadd.s32 @!p0 $0xFFFFE000;
	s8 =	simm.s32 @!p0 $0x6A00  }
0xc3: {  	[spmem:s3] =	stream.indirect.scatter.add.f32 @!p0 [tilespmem:s8], [sflag:$0x7], $0x80, s10, s9, $0xb8;
	[tilespmem:$0x1E600] =	vst v63  }
0xc4: {  	s8 =	simm.s32 @!p0 $0x6  }
0xc5: {  	_ =	swait.ge @!p0 [sflag:s8], $0x2000  }
0xc6: {  	[sflag:s8] =	ssyncset.done @!p0 $0x0  }
0xc7: {  	[sflag:s8] =	ssyncadd.s32 @!p0 $0xFFFFE000;
	s8 =	simm.s32 @!p0 $0x2880  }
0xc8: {  	[tilespmem:s8], [sflag:$0x9] =	stream.linear.gather @!p0 [hbm4b:s5+s6], $0x40, $0x38;
	[tilespmem:$0x1E600] =	vst v63  }
0xc9: {  	_ =	swait.ge @!p0 [sflag:s2], $0x40  }
0xca: {  	[sflag:s2] =	ssyncset.done @!p0 $0x0  }
0xcb: {  	s5 =	sadd.s32 @!p0 $0x140, s7;
	[sflag:s2] =	ssyncadd.s32 @!p0 $0xFFFFFFC0;
	s2 =	simm.s32 @!p0 $0x4A00  }
0xcc: {  	[tilespmem:s2], [sflag:$0x2] =	stream.indirect.gather @!p0 [hbm4b:s1+s9], $0x80, s5, s9, $0xb8;
	[tilespmem:$0x1E600] =	vst v63  }
0xcd: {  	_ =	swait.ge [sflag:s28], $0x2000  }
0xce: {  	[sflag:s28] =	ssyncset.done $0x0  }
0xcf: {  	s11 =	simm.s32 $0x5;
	[sflag:s28] =	ssyncadd.s32 $0xFFFFE000  }
0xd0: {  	[spmem:s3] =	stream.indirect.scatter.add.f32 [tilespmem:s25], [sflag:$0x8], $0x80, s24, s19, $0xb8;
	[tilespmem:$0x1E600] =	vst v63  }
0xd1: {  	_ =	swait.ge [sflag:s11], $0x2000  }
0xd2: {  	[sflag:s11] =	ssyncset.done $0x0  }
0xd3: {  	s12 =	simm.s32 $0x6;
	[sflag:s11] =	ssyncadd.s32 $0xFFFFE000  }
0xd4: {  	_ =	swait.ge [sflag:s12], $0x2000  }
0xd5: {  	[sflag:s12] =	ssyncset.done $0x0  }
0xd6: {  	s13 =	simm.s32 $0x7;
	[sflag:s12] =	ssyncadd.s32 $0xFFFFE000  }
0xd7: {  	_ =	swait.ge [sflag:s13], $0x2000  }
0xd8: {  	[sflag:s13] =	ssyncset.done $0x0  }
0xd9: {  	s29 =	simm.s32 $0x8;
	[sflag:s13] =	ssyncadd.s32 $0xFFFFE000  }
0xda: {  	_ =	swait.ge [sflag:s29], $0x2000  }
0xdb: {  	[sflag:s29] =	ssyncset.done $0x0  }
0xdc: {  	[sflag:s29] =	ssyncadd.s32 $0xFFFFE000  }
0xdd: {  	[bflag:$0x0] =	sbarrier.arrive $0xFFFF  }
0xde: {  	s30 =	rddreg [dreg:$0xa]  }
0xdf: {  	[hbm:s30], [sflag:s14] =	dma.local [spmem:s16], $0x2780  }
0xe0: {  	_ =	swait.ge [sflag:s17], $0x2780  }
0xe1: {  	s0 =	sadd.s32 $0x1, s0;
	s31 =	rddreg [dreg:$0xb]  }
0xe2: {  	p0 =	sne.s32 s0, s31  }
.Ltmp1:
0xe3: {  	_ = 	snop;
	(pc) =	sbr.rel @p0 .LBB2_1-.Ltmp1, $3  }
0xe4: {  	_ =	sdelay $0x1  }
0xe5: {  	[sflag:s17] =	ssyncset.done $0x0  }
0xe6: {  	s6 =	smov.u32 s14;
	[sflag:s17] =	ssyncadd.s32 $0xFFFFD880  }
0xe7: {  	_ =	sfence.sel $0x180000  }
0xe8: {  	[bflag:$0x0] =	sbarrier.arrive $0xFFFF  }
0xe9: {  	_ =	strace $0x9000004D  }
0xea: {  	s0 =	stileid.u32;
	[bflag:$0x2] =	sbarrier.arrive $0xFFFF  }
0xeb: {  	p0 =	sne.s32 s0, $0x0;
	s0 =	rddreg [dreg:$0x3]  }
0xec: {  	s0 =	sadd.s32 @!p0 $0x100000, s0  }
0xed: {  	[sflag:s0] =	ssyncadd.tile.s32 @!p0 $0x1;
	_ =	shalt  }
.Lfunc_end2:
_tile_overlayer_lowered:
.L_overlay_start_2:
0xee: {  	(tag) =	ssettag $0x2  }
0xef: {  	s0 =	rddreg [dreg:$0x0];
	s2 =	stileid.u32  }
0xf0: {  	s1 =	rddreg [dreg:$0x1];
	p0 =	sne.s32 s2, $0x0  }
0xf1: {  	s3 =	rddreg [dreg:$0x2];
	[bflag:$0x3] =	sbarrier.arrive $0xFFFF;
	s2 =	simm.s32 @!p0 $0x1C09  }
0xf2: {  	[timem:s3], [sflag:s2] =	dma.local @!p0 [hbm:s0], s1  }
0xf3: {  	s0 =	simm.s32 @!p0 $0x9  }
0xf4: {  	_ =	swait.ge @!p0 [sflag:s0], s1  }
0xf5: {  	s1 =	ssub.s32 @!p0 $0x0, s1;
	[sflag:s0] =	ssyncset.done @!p0 $0x0  }
0xf6: {  	[sflag:s0] =	ssyncadd.s32 @!p0 s1  }
0xf7: {  	[bflag:$0x3] =	sbarrier.arrive $0xFFFF  }
0xf8: {  	_ =	shalt  }

// kernel: kernel.8.cloned.1.call-start
scs
__scs_entry_jumppad:
0x0: {  	(pc) =	sbr.rel $0x88, $3  }
0x1: {  	(tag) =	ssettag $0x0;
	lr =	simm.s32 $0x1  }
0x2: {  	[smem:$0x3F97] =	sst lr;
	_ =	strace $0xD0000000  }
0x3: {  	_ = 	snop  }
0x4: {  	_ = 	snop  }
0x5: {  	_ = 	snop  }
0x6: {  	_ = 	snop  }
0x7: {  	_ = 	snop  }
__scs_overlays_trampoline_lowered:
0x8: {  	[smem:$0x3FA6] =	sst s0  }
0x9: {  	[smem:$0x3FA7] =	sst s1  }
0xa: {  	[smem:$0x3FA8] =	sst s2  }
0xb: {  	[smem:$0x3FA9] =	sst s3  }
0xc: {  	[smem:$0x3FAA] =	sst s4  }
0xd: {  	[smem:$0x3FAB] =	sst s5  }
0xe: {  	[smem:$0x3FAC] =	sst s6  }
0xf: {  	[smem:$0x3FAD] =	sst s7  }
0x10: {  	[smem:$0x3FAE] =	sst s8  }
0x11: {  	[smem:$0x3FAF] =	sst s9;
	s0 =	simm.s32 @!p0 $0x0  }
0x12: {  	s1 =	sld [smem:$0x3F95];
	s0 =	simm.s32 @p0 $0x1  }
0x13: {  	[smem:$0x3FB0] =	sst s0;
	s0 =	simm.s32 @!p1 $0x0  }
0x14: {  	s2 =	sld [smem:$0x3F94];
	s0 =	simm.s32 @p1 $0x1  }
0x15: {  	[smem:$0x3FB1] =	sst s0;
	s0 =	simm.s32 @!p2 $0x0  }
0x16: {  	s3 =	sld [smem:$0x3FDB];
	s0 =	simm.s32 @p2 $0x1  }
0x17: {  	s4 =	simm.s32 $0x1BF5;
	[smem:$0x3FB3] =	sst s0  }
0x18: {  	s0 =	sld [smem:$0x3F96];
	_ =	swait.ge [sflag:s4], $0x0  }
0x19: {  	s7 =	sld [smem:$0x3F97]  }
0x1a: {  	s8 =	sadd.s32 $0xFFFFE003, lr  }
0x1b: {  	s9 =	sadd.s32 $0xFFFFFEF7, lr;
	s5 =	simm.s32 $0xFFFFFFFF;
	p2 =	slt.u32 s8, $0xFFFFF086  }
0x1c: {  	p1 =	slt.u32 s9, $0xF7A;
	s5 =	simm.s32 @!p2 $0x0  }
0x1d: {  	s5 =	simm.s32 @p1 $0x1;
	p0 =	seq.s32 s7, s2  }
0x1e: {  	s7 =	smul.u32 @!p0 $0xF7A, s2;
	p2 =	seq.s32 @!p0 s5, $0x0  }
0x1f: {  	s9 =	smul.u32 $0xF7A, s1;
	s8 =	simm.s32 @!p0 $0x1BF5;
	p2 =	por !p2, p0  }
0x20: {  	[sflag:s8] =	ssyncset.s32 @!p0 $0xFFFFF086;
	s6 =	sadd.s32 @!p0 s3, s7;
	s7 =	simm.s32 @!p0 $0x108  }
0x21: {  	s3 =	sadd.s32 s3, s9;
	s6 =	sadd.s32 @!p0 $0x88, s6;
	s7 =	simm.s32 @p2 $0x1082  }
0x22: {  	[simem:s7], [sflag:s8] =	dma.local @!p0 [hbm:s6], $0xF7A  }
0x23: {  	s9 =	sor.u32 $0xD0000000, s2;
	s6 =	simm.s32 $0x108;
	_ =	swait.ge @!p0 [sflag:s8], $0x0  }
0x24: {  	s3 =	sadd.s32 $0x88, s3;
	s6 =	simm.s32 @!p1 $0x1082;
	[sflag:s4] =	ssyncset.s32 $0xFFFFF086  }
0x25: {  	[simem:s6], [sflag:s4] =	dma.local [hbm:s3], $0xF7A  }
0x26: {  	[smem:$0x3F97] =	sst s1;
	(tag) =	ssettag s2;
	_ =	strace s9  }
0x27: {  	s1 =	sld [smem:$0x3FA7]  }
0x28: {  	s2 =	sld [smem:$0x3FA8]  }
0x29: {  	s4 =	sld [smem:$0x3FAA]  }
0x2a: {  	p0 =	seq.s32 s5, $0x0;
	s5 =	sld [smem:$0x3FAB]  }
0x2b: {  	s6 =	sld [smem:$0x3FAC]  }
0x2c: {  	s7 =	sld [smem:$0x3FAD]  }
0x2d: {  	s3 =	simm.s32 $0x108;
	s8 =	sld [smem:$0x3FAE]  }
0x2e: {  	s3 =	simm.s32 @!p0 $0x1082;
	s9 =	sld [smem:$0x3FAF]  }
0x2f: {  	lr =	sadd.s32 s0, s3;
	s0 =	sld [smem:$0x3FA6]  }
0x30: {  	s3 =	sld [smem:$0x3FA9]  }
0x31: {  	[smem:$0x3FB2] =	sst s10  }
0x32: {  	s10 =	sld [smem:$0x3FB0];
	_ =	sdelay $0x3  }
0x33: {  	p0 =	seq.s32 s10, $0x1;
	s10 =	sld [smem:$0x3FB2];
	_ =	sdelay $0x3  }
0x34: {  	[smem:$0x3FB2] =	sst s10  }
0x35: {  	s10 =	sld [smem:$0x3FB1];
	_ =	sdelay $0x3  }
0x36: {  	p1 =	seq.s32 s10, $0x1;
	s10 =	sld [smem:$0x3FB2];
	_ =	sdelay $0x3  }
0x37: {  	[smem:$0x3FB2] =	sst s10  }
0x38: {  	s10 =	sld [smem:$0x3FB3]  }
0x39: {  	_ = 	snop;
	(pc) =	sbr.ind lr, $3  }
0x3a: {  	_ = 	snop  }
0x3b: {  	_ = 	snop  }
0x3c: {  	p2 =	seq.s32 s10, $0x1;
	s10 =	sld [smem:$0x3FB2]  }
0x3d: {  	_ =	shalt  }
0x3e: {  	_ =	shalt  }
0x3f: {  	_ =	shalt  }
0x40: {  	_ =	shalt  }
0x41: {  	_ =	shalt  }
0x42: {  	_ =	shalt  }
0x43: {  	_ =	shalt  }
0x44: {  	_ =	shalt  }
0x45: {  	_ =	shalt  }
0x46: {  	_ =	shalt  }
0x47: {  	_ =	shalt  }
0x48: {  	_ =	shalt  }
0x49: {  	_ =	shalt  }
0x4a: {  	_ =	shalt  }
0x4b: {  	_ =	shalt  }
0x4c: {  	_ =	shalt  }
0x4d: {  	_ =	shalt  }
0x4e: {  	_ =	shalt  }
0x4f: {  	_ =	shalt  }
0x50: {  	_ =	shalt  }
0x51: {  	_ =	shalt  }
0x52: {  	_ =	shalt  }
0x53: {  	_ =	shalt  }
0x54: {  	_ =	shalt  }
0x55: {  	_ =	shalt  }
0x56: {  	_ =	shalt  }
0x57: {  	_ =	shalt  }
0x58: {  	_ =	shalt  }
0x59: {  	_ =	shalt  }
0x5a: {  	_ =	shalt  }
0x5b: {  	_ =	shalt  }
0x5c: {  	_ =	shalt  }
0x5d: {  	_ =	shalt  }
0x5e: {  	_ =	shalt  }
0x5f: {  	_ =	shalt  }
0x60: {  	_ =	shalt  }
0x61: {  	_ =	shalt  }
0x62: {  	_ =	shalt  }
0x63: {  	_ =	shalt  }
0x64: {  	_ =	shalt  }
0x65: {  	_ =	shalt  }
0x66: {  	_ =	shalt  }
0x67: {  	_ =	shalt  }
0x68: {  	_ =	shalt  }
0x69: {  	_ =	shalt  }
0x6a: {  	_ =	shalt  }
0x6b: {  	_ =	shalt  }
0x6c: {  	_ =	shalt  }
0x6d: {  	_ =	shalt  }
0x6e: {  	_ =	shalt  }
0x6f: {  	_ =	shalt  }
0x70: {  	_ =	shalt  }
0x71: {  	_ =	shalt  }
0x72: {  	_ =	shalt  }
0x73: {  	_ =	shalt  }
0x74: {  	_ =	shalt  }
0x75: {  	_ =	shalt  }
0x76: {  	_ =	shalt  }
0x77: {  	_ =	shalt  }
0x78: {  	_ =	shalt  }
0x79: {  	_ =	shalt  }
0x7a: {  	_ =	shalt  }
0x7b: {  	_ =	shalt  }
0x7c: {  	_ =	shalt  }
0x7d: {  	_ =	shalt  }
0x7e: {  	_ =	shalt  }
0x7f: {  	_ =	shalt  }
0x80: {  	_ =	shalt  }
0x81: {  	_ =	shalt  }
0x82: {  	_ =	shalt  }
0x83: {  	_ =	shalt  }
0x84: {  	_ =	shalt  }
0x85: {  	_ =	shalt  }
0x86: {  	_ =	shalt  }
0x87: {  	_ =	shalt  }
.Lfunc_end0:
.L_simem_size_0:
called_computation_lowered:
.L_overlay_start_0:
0x88: {  	s2 =	sld [smem:$0x3FD9]  }
0x89: {  	s3 =	sld [smem:$0x3FFE];
	_ =	sdelay $0x1  }
0x8a: {  	s1 =	srdreg.scid  }
0x8b: {  	s0 =	sand.u32 $0x1, s1  }
0x8c: {  	s17 =	sshll.u32 s0, $0xA;
	s2 =	sadd.s32 s3, s2  }
0x8d: {  	s2 =	sadd.s32 s2, s17  }
0x8e: {  	[smem:$0x3FBE] =	sst s2  }
0x8f: {  	_ = 	snop  }
0x90: {  	s2 =	sld [smem:$0x3FD0];
	(tm) =	ssettm $0x1  }
0x91: {  	s18 =	sld [smem:$0x3FFB];
	_ =	sdelay $0x3  }
0x92: {  	_ =	strace s18  }
0x93: {  	s3 =	sld [smem:$0x3FFC];
	_ =	sdelay $0x3  }
0x94: {  	_ =	strace s3  }
0x95: {  	s3 =	sld [smem:$0x3FFD];
	_ =	sdelay $0x3  }
0x96: {  	_ =	strace s3  }
0x97: {  	_ =	strace $0x8FFFFFFF  }
0x98: {  	s19 =	sld [smem:$0x3FDB];
	_ =	sdelay $0x1  }
0x99: {  	s4 =	simm.s32 $_scs_section_size  }
0x9a: {  	s5 =	simm.s32 $_size__tile_overlayer_lowered;
	s6 =	simm.s32 $_tile_overlayer_lowered  }
0x9b: {  	s22 =	simm.s32 $0x1BFF;
	s21 =	sshll.u32 s6, $0x1;
	s3 =	sadd.s32 s4, s19  }
0x9c: {  	s7 =	simm.s32 $0x0;
	s20 =	sshll.u32 s5, $0x1;
	s5 =	sadd.s32 s21, s3  }
0x9d: {  	[timem:s7], [sflag:s22] =	dma.local [hbm:s5], s20  }
0x9e: {  	_ =	swait.ge [sflag:s22], s20  }
0x9f: {  	s4 =	ssub.s32 $0x0, s20;
	[sflag:s22] =	ssyncset.done $0x0  }
0xa0: {  	[sflag:s22] =	ssyncadd.s32 s4;
	_ =	sdelay $0x1  }
0xa1: {  	s23 =	simm.s32 $0x1B8B  }
0xa2: {  	_ =	swait.ge [sflag:s23], $0x1  }
0xa3: {  	[sflag:s23] =	ssyncset.done $0x0  }
0xa4: {  	s25 =	simm.s32 $0x1B8E;
	s24 =	sld [smem:$0x3FFE];
	[sflag:s23] =	ssyncadd.s32 $0xFFFFFFFF  }
0xa5: {  	s26 =	simm.s32 $execute0_lowered;
	[smem:$0x3FD2] =	sst s25  }
0xa6: {  	s5 =	sshll.u32 s26, $0x1;
	_ =	strace $0x80000046;
	[dreg:$0x1] =	wrdreg $0xFFFFFFFF  }
0xa7: {  	s28 =	simm.s32 $_size_execute0_lowered;
	s3 =	sadd.s32 s3, s5;
	[dreg:$0x0] =	wrdreg $0x0  }
0xa8: {  	s5 =	sshll.u32 s28, $0x1;
	[dreg:$0x2] =	wrdreg s3  }
0xa9: {  	[dreg:$0x3] =	wrdreg s5  }
0xaa: {  	[dreg:$0x4] =	wrdreg $0xC0  }
0xab: {  	_ =	task [dreg:s7], $0x5FFFF  }
0xac: {  	[dreg:$0x1] =	wrdreg $0xFFFFFFFF  }
0xad: {  	[dreg:$0x0] =	wrdreg $0x60  }
0xae: {  	[dreg:$0x2] =	wrdreg s2  }
0xaf: {  	[dreg:$0x3] =	wrdreg s24  }
0xb0: {  	[dreg:$0x4] =	wrdreg $0x41000  }
0xb1: {  	[dreg:$0x5] =	wrdreg $0x9  }
0xb2: {  	_ =	task.clear_ibuf [dreg:s7], $0x6FFFF;
	_ =	strace $0x90000046  }
0xb3: {  	s29 =	simm.s32 $0x9;
	_ =	strace $0x80000048  }
0xb4: {  	_ =	swait.ge [sflag:s29], $0x1  }
0xb5: {  	[sflag:s29] =	ssyncadd.s32 $0xFFFFFFFF  }
0xb6: {  	_ =	strace $0x90000048  }
0xb7: {  	_ =	sfence  }
0xb8: {  	s30 =	sld [smem:$0x0];
	_ =	sdelay $0x2  }
0xb9: {  	s31 =	sshll.u32 s1, $0xD;
	s1 =	sshrl.u32 s1, $0x2  }
0xba: {  	s3 =	sand.u32 $0x4000, s31;
	s1 =	sadd.s32 s1, s30  }
0xbb: {  	s0 =	sor.u32 s3, s0;
	s1 =	sshll.u32 s1, $0x11  }
0xbc: {  	s0 =	sor.u32 s1, s0  }
0xbd: {  	s0 =	sadd.s32 $0x8F2B, s0  }
0xbe: {  	[sflag:s0] =	ssyncadd.remote.s32 $0x1  }
0xbf: {  	_ =	sfence.sel $0xFFFF  }
0xc0: {  	[dreg:$0x0] =	wrdreg $0xFFFFFFFF;
	(pc) =	sbr.abs _section_cstart, $3  }
0xc1: {  	[dreg:$0x1] =	wrdreg $0xFFFFFFFF  }
0xc2: {  	_ =	task.clear_ibuf [dreg:s7], $0x2FFFF;
	_ =	strace $0x9FFFFFFF  }
0xc3: {  	(tm) =	ssettm $0x7FFFFFFF  }
tec
execute0_lowered:
.L_overlay_start_1:
0x0: {  	(tag) =	ssettag $0x1  }
0x1: {  	s2 =	rddreg [dreg:$0x0]  }
0x2: {  	s6 =	rddreg [dreg:$0x1]  }
0x3: {  	s3 =	rddreg [dreg:$0x2]  }
0x4: {  	s0 =	rddreg [dreg:$0x3]  }
0x5: {  	s1 =	stileid.u32;
	s5 =	srdreg.scid;
	s4 =	simm.s32 $0x0  }
0x6: {  	s16 =	simm.s32 $0x100;
	s17 =	simm.s32 $0x80;
	s7 =	smul.u32 $0x13C00, s1  }
0x7: {  	s18 =	simm.s32 $0x1;
	s19 =	simm.s32 $0x2;
	s10 =	smul.u32 $0x4F000, s1  }
0x8: {  	s20 =	simm.s32 $0x0;
	s8 =	sand.u32 $0x1, s5;
	s11 =	smul.u32 $0xA000, s1  }
0x9: {  	[smem:$0x7FF] =	sst s4;
	s30 =	sshll.u32 s1, $0x6;
	s5 =	smul.u32 $0x13C000, s8  }
0xa: {  	_ =	strace $0x80000047;
	s25 =	ssub.s32 $0x2, s8;
	s26 =	sshll.u32 s8, $0x7  }
0xb: {  	s8 =	sor.u32 $0x1C03, s30;
	s9 =	sshrl.u32 s7, $0x3;
	s28 =	sshrl.u32 s25, $0x1  }
0xc: {  	s10 =	sshrl.u32 s10, $0x2;
	s13 =	sor.u32 s26, s11;
	s9 =	sadd.s32 s9, s6  }
0xd: {  	s7 =	sadd.s32 s7, s5;
	s5 =	sadd.s32 $0x3E200, s6;
	s29 =	ssub.s32 s25, s28  }
0xe: {  	s14 =	sadd.s32 s10, s3;
	s15 =	sor.u32 $0x300, s13;
	s7 =	sshrl.u32 s7, $0x3  }
0xf: {  	s11 =	smax.u32 s29, $0x1;
	s31 =	sshrl.u32 s15, $0x3;
	s14 =	sshrl.u32 s14, $0x3  }
0x10: {  	s15 =	simm.s32 $0x3;
	s12 =	sadd.s32 s7, s6;
	s7 =	sshrl.u32 s13, $0x3  }
0x11: {  	s6 =	sadd.s32 $0x16A00, s9;
	s13 =	sor.u32 $0x200, s13;
	s7 =	sadd.s32 s2, s7  }
0x12: {  	s10 =	sadd.s32 $0x3EA00, s12;
	s12 =	sadd.s32 s31, s2;
	s9 =	sadd.s32 $0x20, s7  }
.LBB2_1:
0x13: {  	[spmem:s14], [sflag:s8] =	dma.local [hbm:s6], $0x2780  }
0x14: {  	_ =	swait.ge [sflag:s15], $0x2780  }
0x15: {  	[sflag:s15] =	ssyncset.done $0x0  }
0x16: {  	[sflag:s15] =	ssyncadd.s32 $0xFFFFD880  }
0x17: {  	[tilespmem:s16], [sflag:$0x3] =	stream.linear.gather [hbm4b:s5+s4], $0x4000, $0x38;
	[tilespmem:$0x17D00] =	vst v63  }
0x18: {  	_ =	swait.ge [sflag:s15], $0x4000  }
0x19: {  	[sflag:s15] =	ssyncset.done $0x0  }
0x1a: {  	[sflag:s15] =	ssyncadd.s32 $0xFFFFC000  }
0x1b: {  	[bflag:$0x0] =	sbarrier.arrive $0xFFFF  }
0x1c: {  	[tilespmem:s4], [sflag:$0x3] =	stream.linear.gather [hbm4b:s7+s4], $0x80, $0x38;
	[tilespmem:$0x17D00] =	vst v63  }
0x1d: {  	_ =	swait.ge [sflag:s15], $0x80  }
0x1e: {  	[sflag:s15] =	ssyncset.done $0x0  }
0x1f: {  	[sflag:s15] =	ssyncadd.s32 $0xFFFFFF80  }
0x20: {  	[spmem:s3] =	stream.indirect.scatter.add.f32 [tilespmem:s16], [sflag:$0x1], $0x80, s4, s17, $0xb8;
	[tilespmem:$0x17D00] =	vst v63  }
0x21: {  	_ = 	snop  }
0x22: {  	[tilespmem:s17], [sflag:$0x3] =	stream.linear.gather [hbm4b:s9+s4], $0x80, $0x38;
	[tilespmem:$0x17D00] =	vst v63  }
0x23: {  	_ =	swait.ge [sflag:s15], $0x80  }
0x24: {  	[sflag:s15] =	ssyncset.done $0x0  }
0x25: {  	[sflag:s15] =	ssyncadd.s32 $0xFFFFFF80  }
0x26: {  	[spmem:s3] =	stream.indirect.scatter.add.f32 [tilespmem:s16], [sflag:$0x2], $0x80, s17, s17, $0xb8;
	[tilespmem:$0x17D00] =	vst v63  }
0x27: {  	_ =	swait.ge [sflag:s18], $0x4000  }
0x28: {  	s21 =	sshrl.u32 s13, $0x3;
	[sflag:s18] =	ssyncset.done $0x0  }
0x29: {  	s21 =	sadd.s32 s2, s21;
	[sflag:s18] =	ssyncadd.s32 $0xFFFFC000  }
0x2a: {  	[tilespmem:s4], [sflag:$0x3] =	stream.linear.gather [hbm4b:s21+s4], $0x80, $0x38;
	[tilespmem:$0x17D00] =	vst v63  }
0x2b: {  	_ =	swait.ge [sflag:s15], $0x80  }
0x2c: {  	[sflag:s15] =	ssyncset.done $0x0  }
0x2d: {  	[sflag:s15] =	ssyncadd.s32 $0xFFFFFF80  }
0x2e: {  	[spmem:s3] =	stream.indirect.scatter.add.f32 [tilespmem:s16], [sflag:$0x1], $0x80, s4, s17, $0xb8;
	[tilespmem:$0x17D00] =	vst v63  }
0x2f: {  	_ =	swait.ge [sflag:s19], $0x4000  }
0x30: {  	[sflag:s19] =	ssyncset.done $0x0  }
0x31: {  	s31 =	sadd.s32 $0x0, s12;
	[sflag:s19] =	ssyncadd.s32 $0xFFFFC000  }
0x32: {  	[tilespmem:s17], [sflag:$0x3] =	stream.linear.gather [hbm4b:s31+s4], $0x80, $0x38;
	[tilespmem:$0x17D00] =	vst v63  }
0x33: {  	_ =	swait.ge [sflag:s15], $0x80  }
0x34: {  	[sflag:s15] =	ssyncset.done $0x0  }
0x35: {  	s22 =	sadd.s32 $0x200, s13;
	s21 =	simm.s32 $0x40;
	[sflag:s15] =	ssyncadd.s32 $0xFFFFFF80  }
.LBB2_2:
0x36: {  	[spmem:s3] =	stream.indirect.scatter.add.f32 [tilespmem:s16], [sflag:$0x2], $0x80, s17, s17, $0xb8;
	[tilespmem:$0x17D00] =	vst v63  }
0x37: {  	s23 =	smov.u32 s21  }
0x38: {  	p0 =	sne.s32 s21, $0x1380;
	s21 =	sadd.s32 $0x40, s21;
	_ =	swait.ge [sflag:s18], $0x4000  }
0x39: {  	s24 =	sshrl.u32 s22, $0x3;
	[sflag:s18] =	ssyncset.done $0x0  }
0x3a: {  	s24 =	sadd.s32 s2, s24;
	[sflag:s18] =	ssyncadd.s32 $0xFFFFC000  }
0x3b: {  	[tilespmem:s4], [sflag:$0x3] =	stream.linear.gather [hbm4b:s24+s4], $0x80, $0x38;
	[tilespmem:$0x17D00] =	vst v63  }
0x3c: {  	_ =	swait.ge [sflag:s15], $0x80  }
0x3d: {  	[sflag:s15] =	ssyncset.done $0x0  }
0x3e: {  	[sflag:s15] =	ssyncadd.s32 $0xFFFFFF80  }
0x3f: {  	[spmem:s3] =	stream.indirect.scatter.add.f32 [tilespmem:s16], [sflag:$0x1], $0x80, s4, s17, $0xb8;
	[tilespmem:$0x17D00] =	vst v63  }
0x40: {  	_ =	swait.ge [sflag:s19], $0x4000  }
0x41: {  	[sflag:s19] =	ssyncset.done $0x0  }
.Ltmp0:
0x42: {  	s23 =	sadd.s32 s23, s12;
	[sflag:s19] =	ssyncadd.s32 $0xFFFFC000;
	(pc) =	sbr.rel @p0 .LBB2_2-.Ltmp0, $4  }
0x43: {  	[tilespmem:s17], [sflag:$0x3] =	stream.linear.gather [hbm4b:s23+s4], $0x80, $0x38;
	[tilespmem:$0x17D00] =	vst v63  }
0x44: {  	_ =	swait.ge [sflag:s15], $0x80  }
0x45: {  	[sflag:s15] =	ssyncset.done $0x0  }
0x46: {  	s22 =	sadd.s32 $0x200, s22;
	[sflag:s15] =	ssyncadd.s32 $0xFFFFFF80  }
0x47: {  	[spmem:s3] =	stream.indirect.scatter.add.f32 [tilespmem:s16], [sflag:$0x2], $0x80, s17, s17, $0xb8;
	[tilespmem:$0x17D00] =	vst v63  }
0x48: {  	_ =	swait.ge [sflag:s18], $0x4000  }
0x49: {  	[sflag:s18] =	ssyncset.done $0x0  }
0x4a: {  	[sflag:s18] =	ssyncadd.s32 $0xFFFFC000  }
0x4b: {  	_ =	swait.ge [sflag:s19], $0x4000  }
0x4c: {  	s20 =	sadd.s32 $0x1, s20;
	[sflag:s19] =	ssyncset.done $0x0  }
0x4d: {  	p0 =	sne.s32 s20, s11;
	[sflag:s19] =	ssyncadd.s32 $0xFFFFC000  }
.Ltmp1:
0x4e: {  	[bflag:$0x0] =	sbarrier.arrive $0xFFFF;
	(pc) =	sbr.rel @p0 .LBB2_1-.Ltmp1, $4  }
0x4f: {  	[hbm:s10], [sflag:s8] =	dma.local [spmem:s14], $0x2780  }
0x50: {  	_ =	swait.ge [sflag:s15], $0x2780  }
0x51: {  	[sflag:s15] =	ssyncset.done $0x0  }
0x52: {  	[sflag:s15] =	ssyncadd.s32 $0xFFFFD880  }
0x53: {  	_ =	sfence.sel $0x180000  }
0x54: {  	[bflag:$0x0] =	sbarrier.arrive $0xFFFF  }
0x55: {  	p0 =	sne.s32 s1, $0x0;
	_ =	strace $0x90000047  }
0x56: {  	s0 =	sadd.s32 @!p0 $0x100000, s0;
	[bflag:$0x2] =	sbarrier.arrive $0xFFFF  }
0x57: {  	[sflag:s0] =	ssyncadd.tile.s32 @!p0 $0x1;
	_ =	shalt  }
.Lfunc_end2:
_tile_overlayer_lowered:
.L_overlay_start_2:
0x58: {  	(tag) =	ssettag $0x2  }
0x59: {  	s0 =	rddreg [dreg:$0x0];
	s2 =	stileid.u32  }
0x5a: {  	s1 =	rddreg [dreg:$0x1];
	p0 =	sne.s32 s2, $0x0  }
0x5b: {  	s3 =	rddreg [dreg:$0x2];
	[bflag:$0x3] =	sbarrier.arrive $0xFFFF;
	s2 =	simm.s32 @!p0 $0x1C03  }
0x5c: {  	[timem:s3], [sflag:s2] =	dma.local @!p0 [hbm:s0], s1  }
0x5d: {  	s0 =	simm.s32 @!p0 $0x3  }
0x5e: {  	_ =	swait.ge @!p0 [sflag:s0], s1  }
0x5f: {  	s1 =	ssub.s32 @!p0 $0x0, s1;
	[sflag:s0] =	ssyncset.done @!p0 $0x0  }
0x60: {  	[sflag:s0] =	ssyncadd.s32 @!p0 s1  }
0x61: {  	[bflag:$0x3] =	sbarrier.arrive $0xFFFF  }
0x62: {  	_ =	shalt  }

</sc_bundles>
